<compile_context>
chip_gen: v7x
topology: tpu7x:2x2x1
jax: 0.10.2.dev20260603
libtpu: 0.0.44.dev20260713+nightly
codegen_flags: <defaults>
</compile_context>

<pallas_src>
import functools

import jax
import jax.numpy as jnp
from jax import lax
from jax.experimental import pallas as pl
from jax.experimental.pallas import tpu as pltpu
from jax.experimental.pallas import tpu_sc as plsc

VOCAB = 361
DIM = 512
NC, NS = 2, 16
NW = NC * NS
NSEG = 4
NPATH = 1024
PLEN = 50
PMAIN = 48
PTAIL = PLEN - PMAIN
PPAD = 64
WPS = NW // NSEG
PPW = NPATH // WPS
GRP = 8 // PTAIL
NGRP = PPW // GRP

_mesh = plsc.VectorSubcoreMesh(core_axis_name="c", subcore_axis_name="s")


@functools.partial(
    pl.kernel,
    mesh=_mesh,
    out_type=(
        [jax.ShapeDtypeStruct((NPATH, PLEN, DIM), jnp.float32) for _ in range(NSEG)]
        + [jax.ShapeDtypeStruct((NSEG * NPATH * PTAIL, DIM), jnp.float32)]
    ),
    scratch_types=[
        pltpu.VMEM((PPW, PPAD), jnp.int32),
        pltpu.VMEM((NGRP * 8,), jnp.int32),
        pltpu.VMEM((PLEN, DIM), jnp.float32),
        pltpu.VMEM((PLEN, DIM), jnp.float32),
        pltpu.VMEM((8, DIM), jnp.float32),
        pltpu.VMEM((8, DIM), jnp.float32),
        pltpu.SemaphoreType.DMA,
        pltpu.SemaphoreType.DMA,
        pltpu.SemaphoreType.DMA,
        pltpu.SemaphoreType.DMA,
    ],
)
def _gather(idx_hbm, tidx_hbm, table_hbm, o0, o1, o2, o3, tails,
            idx_v, tidx_v, buf0, buf1, tb0, tb1, g0, g1, s0, s1):
    wid = lax.axis_index("s") * NC + lax.axis_index("c")
    pltpu.sync_copy(idx_hbm.at[pl.ds(wid * PPW, PPW)], idx_v)
    pltpu.sync_copy(tidx_hbm.at[pl.ds(wid * NGRP * 8, NGRP * 8)], tidx_v)

    def gather_start(p, buf, sem):
        pltpu.make_async_copy(
            table_hbm.at[idx_v.at[p].at[pl.ds(0, PLEN)]], buf, sem
        ).start()

    def gather_wait(p, buf, sem):
        pltpu.make_async_copy(
            table_hbm.at[idx_v.at[p].at[pl.ds(0, PLEN)]], buf, sem
        ).wait()

    for seg, out_hbm in enumerate((o0, o1, o2, o3)):

        @pl.when(wid // WPS == seg)
        def _():
            base = (wid - seg * WPS) * PPW

            def scatter_start(p, buf, sem):
                pltpu.make_async_copy(
                    buf.at[pl.ds(0, PMAIN)],
                    out_hbm.at[base + p].at[pl.ds(0, PMAIN)],
                    sem,
                ).start()

            def scatter_wait(p, buf, sem):
                pltpu.make_async_copy(
                    buf.at[pl.ds(0, PMAIN)],
                    out_hbm.at[base + p].at[pl.ds(0, PMAIN)],
                    sem,
                ).wait()

            gather_start(0, buf0, g0)
            gather_start(1, buf1, g1)

            def body(g, carry):
                p0 = 2 * g
                p1 = p0 + 1
                gather_wait(p0, buf0, g0)
                scatter_start(p0, buf0, s0)
                gather_wait(p1, buf1, g1)
                scatter_start(p1, buf1, s1)
                scatter_wait(p0, buf0, s0)
                gather_start(p0 + 2, buf0, g0)
                scatter_wait(p1, buf1, s1)
                gather_start(p1 + 2, buf1, g1)
                return carry

            lax.fori_loop(0, PPW // 2 - 1, body, 0)

            p0 = PPW - 2
            p1 = PPW - 1
            gather_wait(p0, buf0, g0)
            scatter_start(p0, buf0, s0)
            gather_wait(p1, buf1, g1)
            scatter_start(p1, buf1, s1)
            scatter_wait(p0, buf0, s0)
            scatter_wait(p1, buf1, s1)

    tbase = wid * NGRP * 8

    def tg_start(k, buf, sem):
        pltpu.make_async_copy(
            table_hbm.at[tidx_v.at[pl.ds(k * 8, 8)]], buf, sem
        ).start()

    def tg_wait(k, buf, sem):
        pltpu.make_async_copy(
            table_hbm.at[tidx_v.at[pl.ds(k * 8, 8)]], buf, sem
        ).wait()

    def ts_start(k, buf, sem):
        pltpu.make_async_copy(buf, tails.at[pl.ds(tbase + k * 8, 8)], sem).start()

    def ts_wait(k, buf, sem):
        pltpu.make_async_copy(buf, tails.at[pl.ds(tbase + k * 8, 8)], sem).wait()

    tg_start(0, tb0, g0)
    tg_start(1, tb1, g1)

    def tbody(g, carry):
        k0 = 2 * g
        k1 = k0 + 1
        tg_wait(k0, tb0, g0)
        ts_start(k0, tb0, s0)
        tg_wait(k1, tb1, g1)
        ts_start(k1, tb1, s1)
        ts_wait(k0, tb0, s0)
        tg_start(k0 + 2, tb0, g0)
        ts_wait(k1, tb1, s1)
        tg_start(k1 + 2, tb1, g1)
        return carry

    lax.fori_loop(0, NGRP // 2 - 1, tbody, 0)
    k0 = NGRP - 2
    k1 = NGRP - 1
    tg_wait(k0, tb0, g0)
    ts_start(k0, tb0, s0)
    tg_wait(k1, tb1, g1)
    ts_start(k1, tb1, s1)
    ts_wait(k0, tb0, s0)
    ts_wait(k1, tb1, s1)


def kernel(path, table):
    idx = path.reshape(NSEG * NPATH, PLEN).astype(jnp.int32)
    idx_pad = jnp.pad(idx, ((0, 0), (0, PPAD - PLEN)))
    tidx = idx[:, PMAIN:].reshape(-1)
    *outs, tails = _gather(idx_pad, tidx, table)
    tails = tails.reshape(NSEG, NPATH, PTAIL, DIM)
    return tuple(
        lax.dynamic_update_slice(o, tails[i], (0, PMAIN, 0))
        for i, o in enumerate(outs)
    )

# --- scband reference (transcript-rebuilt; emitter-appended) ---
"""Pipeline reference for scband-path-embed-89077621719383 (READ-ONLY COPY).

The authoritative reference and input builder live on the scoring server;
editing this copy changes nothing except your own understanding.
"""

import jax, jax.numpy as jnp
import numpy as np

VOCAB = 361
DIM = 512

def setup_inputs(seed: int = 0) -> dict:
    key = jax.random.key(seed)
    k1, k2 = jax.random.split(key)
    path = jax.random.randint(k1, (4, 1024, 50), 0, VOCAB, dtype=jnp.int64) if jax.config.jax_enable_x64 else jax.random.randint(k1, (4, 1024, 50), 0, VOCAB, dtype=jnp.int32)
    table = jax.random.normal(k2, (VOCAB, DIM), dtype=jnp.float32)
    return {"path": path, "table": table}

def _encode_path(table, p):
    batch_size, seq_length = p.shape[0], p.shape[1]
    return jnp.take(table, p, axis=0).reshape(batch_size, seq_length, -1)

def reference(path, table):
    # forward returns a list of per-path embeddings; iterate over leading dim
    return tuple(_encode_path(table, path[i]) for i in range(path.shape[0]))

if __name__ == "__main__":
    import jax
    _d = setup_inputs()
    print(jax.jit(kernel)(*tuple(_d.values())))

</pallas_src>

<mosaic_0001>
#map = affine_map<(d0, d1) -> (0, 0)>
#map1 = affine_map<(d0, d1) -> (0)>
#map2 = affine_map<(d0, d1) -> (0, 0, 0)>
module attributes {stable_mosaic.version = 14 : i64} {
  func.func @_gather(%arg0: i32, %arg1: i32, %arg2: memref<4096x64xi32, #tpu.memory_space<hbm>>, %arg3: memref<8192xi32, #tpu.memory_space<hbm>>, %arg4: memref<361x512xf32, #tpu.memory_space<hbm>>, %arg5: memref<1024x50x512xf32, #tpu.memory_space<hbm>>, %arg6: memref<1024x50x512xf32, #tpu.memory_space<hbm>>, %arg7: memref<1024x50x512xf32, #tpu.memory_space<hbm>>, %arg8: memref<1024x50x512xf32, #tpu.memory_space<hbm>>, %arg9: memref<8192x512xf32, #tpu.memory_space<hbm>>, %arg10: memref<128x64xi32, #tpu.memory_space<vmem>>, %arg11: memref<256xi32, #tpu.memory_space<vmem>>, %arg12: memref<50x512xf32, #tpu.memory_space<vmem>>, %arg13: memref<50x512xf32, #tpu.memory_space<vmem>>, %arg14: memref<8x512xf32, #tpu.memory_space<vmem>>, %arg15: memref<8x512xf32, #tpu.memory_space<vmem>>, %arg16: memref<!tpu.dma_semaphore, #tpu.memory_space<semaphore_mem>>, %arg17: memref<!tpu.dma_semaphore, #tpu.memory_space<semaphore_mem>>, %arg18: memref<!tpu.dma_semaphore, #tpu.memory_space<semaphore_mem>>, %arg19: memref<!tpu.dma_semaphore, #tpu.memory_space<semaphore_mem>>) attributes {dimension_semantics = [#tpu.dimension_semantics<core_parallel>, #tpu.dimension_semantics<subcore_parallel>], iteration_bounds = array<i64: 2, 16>, scalar_prefetch = 0 : i64, scratch_operands = 10 : i64, tpu.core_type = #tpu.core_type<sc_vector_subcore>, window_params = [{transform_indices = #map}, {transform_indices = #map1}, {transform_indices = #map}, {transform_indices = #map2}, {transform_indices = #map2}, {transform_indices = #map2}, {transform_indices = #map2}, {transform_indices = #map}]} {
    %mul3A = arith.constant 2 : i32
    %mul3A_0 = arith.muli %arg1, %mul3A : i32
    %add3A = arith.addi %mul3A_0, %arg0 : i32
    %mul3A_1 = arith.constant 128 : i32
    %mul3A_2 = arith.muli %add3A, %mul3A_1 : i32
    "tpu.region"() ({
      %run_scoped3A = tpu.sem_alloc : memref<!tpu.dma_semaphore, #tpu.memory_space<semaphore_mem>>
      %dma_start3A_163 = arith.constant 0 : i32
      %dma_start3A_164 = tpu.memref_slice %arg2[%mul3A_2, %dma_start3A_163] : memref<4096x64xi32, #tpu.memory_space<hbm>> -> memref<128x64xi32, #tpu.memory_space<hbm>>
      %dma_start3A_165 = arith.constant 0 : i32
      %dma_start3A_166 = tpu.memref_slice %arg2[%mul3A_2, %dma_start3A_165] : memref<4096x64xi32, #tpu.memory_space<hbm>> -> memref<128x64xi32, #tpu.memory_space<hbm>>
      tpu.enqueue_dma source(%dma_start3A_166 : memref<128x64xi32, #tpu.memory_space<hbm>>) target(%arg10 : memref<128x64xi32, #tpu.memory_space<vmem>>) target_semaphore(%run_scoped3A : memref<!tpu.dma_semaphore, #tpu.memory_space<semaphore_mem>>)
      %dma_wait3A_167 = arith.constant 0 : i32
      %dma_wait3A_168 = tpu.memref_slice %arg2[%mul3A_2, %dma_wait3A_167] : memref<4096x64xi32, #tpu.memory_space<hbm>> -> memref<128x64xi32, #tpu.memory_space<hbm>>
      %dma_wait3A_169 = arith.constant 0 : i32
      %dma_wait3A_170 = tpu.memref_slice %arg2[%mul3A_2, %dma_wait3A_169] : memref<4096x64xi32, #tpu.memory_space<hbm>> -> memref<128x64xi32, #tpu.memory_space<hbm>>
      tpu.wait_dma2 semaphore(%run_scoped3A : memref<!tpu.dma_semaphore, #tpu.memory_space<semaphore_mem>>) src(%dma_wait3A_170 : memref<128x64xi32, #tpu.memory_space<hbm>>) dst(%arg10 : memref<128x64xi32, #tpu.memory_space<vmem>>)
      tpu.yield
    }) : () -> ()
    %mul3A_3 = arith.constant 32 : i32
    %mul3A_4 = arith.muli %add3A, %mul3A_3 : i32
    %mul3A_5 = arith.constant 8 : i32
    %mul3A_6 = arith.muli %mul3A_4, %mul3A_5 : i32
    "tpu.region"() ({
      %run_scoped3A = tpu.sem_alloc : memref<!tpu.dma_semaphore, #tpu.memory_space<semaphore_mem>>
      %dma_start3A_163 = tpu.memref_slice %arg3[%mul3A_6] : memref<8192xi32, #tpu.memory_space<hbm>> -> memref<256xi32, #tpu.memory_space<hbm>>
      %dma_start3A_164 = tpu.memref_slice %arg3[%mul3A_6] : memref<8192xi32, #tpu.memory_space<hbm>> -> memref<256xi32, #tpu.memory_space<hbm>>
      tpu.enqueue_dma source(%dma_start3A_164 : memref<256xi32, #tpu.memory_space<hbm>>) target(%arg11 : memref<256xi32, #tpu.memory_space<vmem>>) target_semaphore(%run_scoped3A : memref<!tpu.dma_semaphore, #tpu.memory_space<semaphore_mem>>)
      %dma_wait3A_165 = tpu.memref_slice %arg3[%mul3A_6] : memref<8192xi32, #tpu.memory_space<hbm>> -> memref<256xi32, #tpu.memory_space<hbm>>
      %dma_wait3A_166 = tpu.memref_slice %arg3[%mul3A_6] : memref<8192xi32, #tpu.memory_space<hbm>> -> memref<256xi32, #tpu.memory_space<hbm>>
      tpu.wait_dma2 semaphore(%run_scoped3A : memref<!tpu.dma_semaphore, #tpu.memory_space<semaphore_mem>>) src(%dma_wait3A_166 : memref<256xi32, #tpu.memory_space<hbm>>) dst(%arg11 : memref<256xi32, #tpu.memory_space<vmem>>)
      tpu.yield
    }) : () -> ()
    %jit3A = arith.constant 8 : i32
    %div3A = arith.divsi %add3A, %jit3A : i32
    %sign3A = arith.constant 0 : i32
    %sign3A_7 = arith.cmpi sgt, %add3A, %sign3A : i32
    %sign3A_8 = arith.extui %sign3A_7 : i1 to i32
    %sign3A_9 = arith.constant 0 : i32
    %sign3A_10 = arith.cmpi slt, %add3A, %sign3A_9 : i32
    %sign3A_11 = arith.extui %sign3A_10 : i1 to i32
    %sign3A_12 = arith.subi %sign3A_8, %sign3A_11 : i32
    %sign3A_13 = arith.constant 0 : i32
    %sign3A_14 = arith.cmpi sgt, %jit3A, %sign3A_13 : i32
    %sign3A_15 = arith.extui %sign3A_14 : i1 to i32
    %sign3A_16 = arith.constant 0 : i32
    %sign3A_17 = arith.cmpi slt, %jit3A, %sign3A_16 : i32
    %sign3A_18 = arith.extui %sign3A_17 : i1 to i32
    %sign3A_19 = arith.subi %sign3A_15, %sign3A_18 : i32
    %ne3A = arith.cmpi ne, %sign3A_12, %sign3A_19 : i32
    %rem3A = arith.remsi %add3A, %jit3A : i32
    %ne3A_20 = arith.constant 0 : i32
    %ne3A_21 = arith.cmpi ne, %rem3A, %ne3A_20 : i32
    %and3A = arith.andi %ne3A, %ne3A_21 : i1
    %sub3A = arith.constant 1 : i32
    %sub3A_22 = arith.subi %div3A, %sub3A : i32
    %select_n3A = arith.select %and3A, %sub3A_22, %div3A : i32
    %eq3A = arith.constant 0 : i32
    %eq3A_23 = arith.cmpi eq, %select_n3A, %eq3A : i32
    %convert_element_type3A = arith.extui %eq3A_23 : i1 to i32
    %cond3A = arith.constant 0 : i32
    %cond3A_24 = arith.cmpi ne, %convert_element_type3A, %cond3A : i32
    scf.if %cond3A_24 {
      %sub3A_163 = arith.constant 0 : i32
      %sub3A_164 = arith.subi %add3A, %sub3A_163 : i32
      %mul3A_165 = arith.constant 128 : i32
      %mul3A_166 = arith.muli %sub3A_164, %mul3A_165 : i32
      %dma_start3A_167 = arith.constant 0 : i32
      %dma_start3A_168 = arith.constant 0 : i32
      %dma_start3A_169 = tpu.memref_slice %arg10[%dma_start3A_167, %dma_start3A_168] : memref<128x64xi32, #tpu.memory_space<vmem>> -> memref<1x64xi32, #tpu.memory_space<vmem>>
      %dma_start3A_170 = tpu.memref_squeeze %dma_start3A_169 : memref<1x64xi32, #tpu.memory_space<vmem>> -> memref<64xi32, #tpu.memory_space<vmem>>
      %dma_start3A_171 = arith.constant 0 : i32
      %dma_start3A_172 = tpu.memref_slice %dma_start3A_170[%dma_start3A_171] : memref<64xi32, #tpu.memory_space<vmem>> -> memref<50xi32, #tpu.memory_space<vmem>>
      %dma_start3A_173 = arith.constant 0 : i32
      %dma_start3A_174 = arith.constant 0 : i32
      %dma_start3A_175 = tpu.memref_slice %arg4[%dma_start3A_173, %dma_start3A_174] : memref<361x512xf32, #tpu.memory_space<hbm>> -> memref<361x512xf32, #tpu.memory_space<hbm>>
      tpu.enqueue_indirect_dma source(%dma_start3A_175 : memref<361x512xf32, #tpu.memory_space<hbm>>) target(%arg12 : memref<50x512xf32, #tpu.memory_space<vmem>>) offsets(%dma_start3A_172 : memref<50xi32, #tpu.memory_space<vmem>>) semaphore(%arg16 : memref<!tpu.dma_semaphore, #tpu.memory_space<semaphore_mem>>)
      %dma_start3A_176 = arith.constant 1 : i32
      %dma_start3A_177 = arith.constant 0 : i32
      %dma_start3A_178 = tpu.memref_slice %arg10[%dma_start3A_176, %dma_start3A_177] : memref<128x64xi32, #tpu.memory_space<vmem>> -> memref<1x64xi32, #tpu.memory_space<vmem>>
      %dma_start3A_179 = tpu.memref_squeeze %dma_start3A_178 : memref<1x64xi32, #tpu.memory_space<vmem>> -> memref<64xi32, #tpu.memory_space<vmem>>
      %dma_start3A_180 = arith.constant 0 : i32
      %dma_start3A_181 = tpu.memref_slice %dma_start3A_179[%dma_start3A_180] : memref<64xi32, #tpu.memory_space<vmem>> -> memref<50xi32, #tpu.memory_space<vmem>>
      %dma_start3A_182 = arith.constant 0 : i32
      %dma_start3A_183 = arith.constant 0 : i32
      %dma_start3A_184 = tpu.memref_slice %arg4[%dma_start3A_182, %dma_start3A_183] : memref<361x512xf32, #tpu.memory_space<hbm>> -> memref<361x512xf32, #tpu.memory_space<hbm>>
      tpu.enqueue_indirect_dma source(%dma_start3A_184 : memref<361x512xf32, #tpu.memory_space<hbm>>) target(%arg13 : memref<50x512xf32, #tpu.memory_space<vmem>>) offsets(%dma_start3A_181 : memref<50xi32, #tpu.memory_space<vmem>>) semaphore(%arg17 : memref<!tpu.dma_semaphore, #tpu.memory_space<semaphore_mem>>)
      %scan3A_185 = arith.constant 0 : i32
      %scan3A_186 = arith.constant 0 : i32
      %scan3A_187 = arith.constant 63 : i32
      %scan3A_188 = arith.addi %scan3A_186, %scan3A_187 : i32
      %scan3A_189 = arith.constant 1 : i32
      scf.for %scan3A_297 = %scan3A_186 to %scan3A_188 step %scan3A_189  : i32 {
        %mul3A_298 = arith.constant 2 : i32
        %mul3A_299 = arith.muli %mul3A_298, %scan3A_297 : i32
        %add3A_300 = arith.constant 1 : i32
        %add3A_301 = arith.addi %mul3A_299, %add3A_300 : i32
        %dma_wait3A_302 = arith.constant 0 : i32
        %dma_wait3A_303 = tpu.memref_slice %arg10[%mul3A_299, %dma_wait3A_302] : memref<128x64xi32, #tpu.memory_space<vmem>> -> memref<1x64xi32, #tpu.memory_space<vmem>>
        %dma_wait3A_304 = tpu.memref_squeeze %dma_wait3A_303 : memref<1x64xi32, #tpu.memory_space<vmem>> -> memref<64xi32, #tpu.memory_space<vmem>>
        %dma_wait3A_305 = arith.constant 0 : i32
        %dma_wait3A_306 = tpu.memref_slice %dma_wait3A_304[%dma_wait3A_305] : memref<64xi32, #tpu.memory_space<vmem>> -> memref<50xi32, #tpu.memory_space<vmem>>
        %dma_wait3A_307 = arith.constant 0 : i32
        %dma_wait3A_308 = arith.constant 0 : i32
        %dma_wait3A_309 = tpu.memref_slice %arg4[%dma_wait3A_307, %dma_wait3A_308] : memref<361x512xf32, #tpu.memory_space<hbm>> -> memref<361x512xf32, #tpu.memory_space<hbm>>
        tpu.wait_indirect_dma semaphore(%arg16 : memref<!tpu.dma_semaphore, #tpu.memory_space<semaphore_mem>>) src(%dma_wait3A_309 : memref<361x512xf32, #tpu.memory_space<hbm>>) dst(%arg12 : memref<50x512xf32, #tpu.memory_space<vmem>>)
        %add3A_310 = arith.addi %mul3A_166, %mul3A_299 : i32
        %dma_start3A_311 = arith.constant 0 : i32
        %dma_start3A_312 = arith.constant 0 : i32
        %dma_start3A_313 = tpu.memref_slice %arg12[%dma_start3A_311, %dma_start3A_312] : memref<50x512xf32, #tpu.memory_space<vmem>> -> memref<48x512xf32, #tpu.memory_space<vmem>>
        %dma_start3A_314 = arith.constant 0 : i32
        %dma_start3A_315 = arith.constant 0 : i32
        %dma_start3A_316 = tpu.memref_slice %arg5[%add3A_310, %dma_start3A_314, %dma_start3A_315] : memref<1024x50x512xf32, #tpu.memory_space<hbm>> -> memref<1x50x512xf32, #tpu.memory_space<hbm>>
        %dma_start3A_317 = tpu.memref_squeeze %dma_start3A_316 : memref<1x50x512xf32, #tpu.memory_space<hbm>> -> memref<50x512xf32, #tpu.memory_space<hbm>>
        %dma_start3A_318 = arith.constant 0 : i32
        %dma_start3A_319 = arith.constant 0 : i32
        %dma_start3A_320 = tpu.memref_slice %dma_start3A_317[%dma_start3A_318, %dma_start3A_319] : memref<50x512xf32, #tpu.memory_space<hbm>> -> memref<48x512xf32, #tpu.memory_space<hbm>>
        %dma_start3A_321 = arith.constant 0 : i32
        %dma_start3A_322 = arith.constant 0 : i32
        %dma_start3A_323 = tpu.memref_slice %arg5[%add3A_310, %dma_start3A_321, %dma_start3A_322] : memref<1024x50x512xf32, #tpu.memory_space<hbm>> -> memref<1x50x512xf32, #tpu.memory_space<hbm>>
        %dma_start3A_324 = tpu.memref_squeeze %dma_start3A_323 : memref<1x50x512xf32, #tpu.memory_space<hbm>> -> memref<50x512xf32, #tpu.memory_space<hbm>>
        %dma_start3A_325 = arith.constant 0 : i32
        %dma_start3A_326 = arith.constant 0 : i32
        %dma_start3A_327 = tpu.memref_slice %dma_start3A_324[%dma_start3A_325, %dma_start3A_326] : memref<50x512xf32, #tpu.memory_space<hbm>> -> memref<48x512xf32, #tpu.memory_space<hbm>>
        %dma_start3A_328 = arith.constant 0 : i32
        %dma_start3A_329 = arith.constant 0 : i32
        %dma_start3A_330 = tpu.memref_slice %arg12[%dma_start3A_328, %dma_start3A_329] : memref<50x512xf32, #tpu.memory_space<vmem>> -> memref<48x512xf32, #tpu.memory_space<vmem>>
        tpu.enqueue_dma source(%dma_start3A_330 : memref<48x512xf32, #tpu.memory_space<vmem>>) target(%dma_start3A_327 : memref<48x512xf32, #tpu.memory_space<hbm>>) target_semaphore(%arg18 : memref<!tpu.dma_semaphore, #tpu.memory_space<semaphore_mem>>)
        %dma_wait3A_331 = arith.constant 0 : i32
        %dma_wait3A_332 = tpu.memref_slice %arg10[%add3A_301, %dma_wait3A_331] : memref<128x64xi32, #tpu.memory_space<vmem>> -> memref<1x64xi32, #tpu.memory_space<vmem>>
        %dma_wait3A_333 = tpu.memref_squeeze %dma_wait3A_332 : memref<1x64xi32, #tpu.memory_space<vmem>> -> memref<64xi32, #tpu.memory_space<vmem>>
        %dma_wait3A_334 = arith.constant 0 : i32
        %dma_wait3A_335 = tpu.memref_slice %dma_wait3A_333[%dma_wait3A_334] : memref<64xi32, #tpu.memory_space<vmem>> -> memref<50xi32, #tpu.memory_space<vmem>>
        %dma_wait3A_336 = arith.constant 0 : i32
        %dma_wait3A_337 = arith.constant 0 : i32
        %dma_wait3A_338 = tpu.memref_slice %arg4[%dma_wait3A_336, %dma_wait3A_337] : memref<361x512xf32, #tpu.memory_space<hbm>> -> memref<361x512xf32, #tpu.memory_space<hbm>>
        tpu.wait_indirect_dma semaphore(%arg17 : memref<!tpu.dma_semaphore, #tpu.memory_space<semaphore_mem>>) src(%dma_wait3A_338 : memref<361x512xf32, #tpu.memory_space<hbm>>) dst(%arg13 : memref<50x512xf32, #tpu.memory_space<vmem>>)
        %add3A_339 = arith.addi %mul3A_166, %add3A_301 : i32
        %dma_start3A_340 = arith.constant 0 : i32
        %dma_start3A_341 = arith.constant 0 : i32
        %dma_start3A_342 = tpu.memref_slice %arg13[%dma_start3A_340, %dma_start3A_341] : memref<50x512xf32, #tpu.memory_space<vmem>> -> memref<48x512xf32, #tpu.memory_space<vmem>>
        %dma_start3A_343 = arith.constant 0 : i32
        %dma_start3A_344 = arith.constant 0 : i32
        %dma_start3A_345 = tpu.memref_slice %arg5[%add3A_339, %dma_start3A_343, %dma_start3A_344] : memref<1024x50x512xf32, #tpu.memory_space<hbm>> -> memref<1x50x512xf32, #tpu.memory_space<hbm>>
        %dma_start3A_346 = tpu.memref_squeeze %dma_start3A_345 : memref<1x50x512xf32, #tpu.memory_space<hbm>> -> memref<50x512xf32, #tpu.memory_space<hbm>>
        %dma_start3A_347 = arith.constant 0 : i32
        %dma_start3A_348 = arith.constant 0 : i32
        %dma_start3A_349 = tpu.memref_slice %dma_start3A_346[%dma_start3A_347, %dma_start3A_348] : memref<50x512xf32, #tpu.memory_space<hbm>> -> memref<48x512xf32, #tpu.memory_space<hbm>>
        %dma_start3A_350 = arith.constant 0 : i32
        %dma_start3A_351 = arith.constant 0 : i32
        %dma_start3A_352 = tpu.memref_slice %arg5[%add3A_339, %dma_start3A_350, %dma_start3A_351] : memref<1024x50x512xf32, #tpu.memory_space<hbm>> -> memref<1x50x512xf32, #tpu.memory_space<hbm>>
        %dma_start3A_353 = tpu.memref_squeeze %dma_start3A_352 : memref<1x50x512xf32, #tpu.memory_space<hbm>> -> memref<50x512xf32, #tpu.memory_space<hbm>>
        %dma_start3A_354 = arith.constant 0 : i32
        %dma_start3A_355 = arith.constant 0 : i32
        %dma_start3A_356 = tpu.memref_slice %dma_start3A_353[%dma_start3A_354, %dma_start3A_355] : memref<50x512xf32, #tpu.memory_space<hbm>> -> memref<48x512xf32, #tpu.memory_space<hbm>>
        %dma_start3A_357 = arith.constant 0 : i32
        %dma_start3A_358 = arith.constant 0 : i32
        %dma_start3A_359 = tpu.memref_slice %arg13[%dma_start3A_357, %dma_start3A_358] : memref<50x512xf32, #tpu.memory_space<vmem>> -> memref<48x512xf32, #tpu.memory_space<vmem>>
        tpu.enqueue_dma source(%dma_start3A_359 : memref<48x512xf32, #tpu.memory_space<vmem>>) target(%dma_start3A_356 : memref<48x512xf32, #tpu.memory_space<hbm>>) target_semaphore(%arg19 : memref<!tpu.dma_semaphore, #tpu.memory_space<semaphore_mem>>)
        %add3A_360 = arith.addi %mul3A_166, %mul3A_299 : i32
        %dma_wait3A_361 = arith.constant 0 : i32
        %dma_wait3A_362 = arith.constant 0 : i32
        %dma_wait3A_363 = tpu.memref_slice %arg12[%dma_wait3A_361, %dma_wait3A_362] : memref<50x512xf32, #tpu.memory_space<vmem>> -> memref<48x512xf32, #tpu.memory_space<vmem>>
        %dma_wait3A_364 = arith.constant 0 : i32
        %dma_wait3A_365 = arith.constant 0 : i32
        %dma_wait3A_366 = tpu.memref_slice %arg5[%add3A_360, %dma_wait3A_364, %dma_wait3A_365] : memref<1024x50x512xf32, #tpu.memory_space<hbm>> -> memref<1x50x512xf32, #tpu.memory_space<hbm>>
        %dma_wait3A_367 = tpu.memref_squeeze %dma_wait3A_366 : memref<1x50x512xf32, #tpu.memory_space<hbm>> -> memref<50x512xf32, #tpu.memory_space<hbm>>
        %dma_wait3A_368 = arith.constant 0 : i32
        %dma_wait3A_369 = arith.constant 0 : i32
        %dma_wait3A_370 = tpu.memref_slice %dma_wait3A_367[%dma_wait3A_368, %dma_wait3A_369] : memref<50x512xf32, #tpu.memory_space<hbm>> -> memref<48x512xf32, #tpu.memory_space<hbm>>
        %dma_wait3A_371 = arith.constant 0 : i32
        %dma_wait3A_372 = arith.constant 0 : i32
        %dma_wait3A_373 = tpu.memref_slice %arg5[%add3A_360, %dma_wait3A_371, %dma_wait3A_372] : memref<1024x50x512xf32, #tpu.memory_space<hbm>> -> memref<1x50x512xf32, #tpu.memory_space<hbm>>
        %dma_wait3A_374 = tpu.memref_squeeze %dma_wait3A_373 : memref<1x50x512xf32, #tpu.memory_space<hbm>> -> memref<50x512xf32, #tpu.memory_space<hbm>>
        %dma_wait3A_375 = arith.constant 0 : i32
        %dma_wait3A_376 = arith.constant 0 : i32
        %dma_wait3A_377 = tpu.memref_slice %dma_wait3A_374[%dma_wait3A_375, %dma_wait3A_376] : memref<50x512xf32, #tpu.memory_space<hbm>> -> memref<48x512xf32, #tpu.memory_space<hbm>>
        %dma_wait3A_378 = arith.constant 0 : i32
        %dma_wait3A_379 = arith.constant 0 : i32
        %dma_wait3A_380 = tpu.memref_slice %arg12[%dma_wait3A_378, %dma_wait3A_379] : memref<50x512xf32, #tpu.memory_space<vmem>> -> memref<48x512xf32, #tpu.memory_space<vmem>>
        tpu.wait_dma2 semaphore(%arg18 : memref<!tpu.dma_semaphore, #tpu.memory_space<semaphore_mem>>) src(%dma_wait3A_380 : memref<48x512xf32, #tpu.memory_space<vmem>>) dst(%dma_wait3A_377 : memref<48x512xf32, #tpu.memory_space<hbm>>)
        %add3A_381 = arith.constant 2 : i32
        %add3A_382 = arith.addi %mul3A_299, %add3A_381 : i32
        %dma_start3A_383 = arith.constant 0 : i32
        %dma_start3A_384 = tpu.memref_slice %arg10[%add3A_382, %dma_start3A_383] : memref<128x64xi32, #tpu.memory_space<vmem>> -> memref<1x64xi32, #tpu.memory_space<vmem>>
        %dma_start3A_385 = tpu.memref_squeeze %dma_start3A_384 : memref<1x64xi32, #tpu.memory_space<vmem>> -> memref<64xi32, #tpu.memory_space<vmem>>
        %dma_start3A_386 = arith.constant 0 : i32
        %dma_start3A_387 = tpu.memref_slice %dma_start3A_385[%dma_start3A_386] : memref<64xi32, #tpu.memory_space<vmem>> -> memref<50xi32, #tpu.memory_space<vmem>>
        %dma_start3A_388 = arith.constant 0 : i32
        %dma_start3A_389 = arith.constant 0 : i32
        %dma_start3A_390 = tpu.memref_slice %arg4[%dma_start3A_388, %dma_start3A_389] : memref<361x512xf32, #tpu.memory_space<hbm>> -> memref<361x512xf32, #tpu.memory_space<hbm>>
        tpu.enqueue_indirect_dma source(%dma_start3A_390 : memref<361x512xf32, #tpu.memory_space<hbm>>) target(%arg12 : memref<50x512xf32, #tpu.memory_space<vmem>>) offsets(%dma_start3A_387 : memref<50xi32, #tpu.memory_space<vmem>>) semaphore(%arg16 : memref<!tpu.dma_semaphore, #tpu.memory_space<semaphore_mem>>)
        %add3A_391 = arith.addi %mul3A_166, %add3A_301 : i32
        %dma_wait3A_392 = arith.constant 0 : i32
        %dma_wait3A_393 = arith.constant 0 : i32
        %dma_wait3A_394 = tpu.memref_slice %arg13[%dma_wait3A_392, %dma_wait3A_393] : memref<50x512xf32, #tpu.memory_space<vmem>> -> memref<48x512xf32, #tpu.memory_space<vmem>>
        %dma_wait3A_395 = arith.constant 0 : i32
        %dma_wait3A_396 = arith.constant 0 : i32
        %dma_wait3A_397 = tpu.memref_slice %arg5[%add3A_391, %dma_wait3A_395, %dma_wait3A_396] : memref<1024x50x512xf32, #tpu.memory_space<hbm>> -> memref<1x50x512xf32, #tpu.memory_space<hbm>>
        %dma_wait3A_398 = tpu.memref_squeeze %dma_wait3A_397 : memref<1x50x512xf32, #tpu.memory_space<hbm>> -> memref<50x512xf32, #tpu.memory_space<hbm>>
        %dma_wait3A_399 = arith.constant 0 : i32
        %dma_wait3A_400 = arith.constant 0 : i32
        %dma_wait3A_401 = tpu.memref_slice %dma_wait3A_398[%dma_wait3A_399, %dma_wait3A_400] : memref<50x512xf32, #tpu.memory_space<hbm>> -> memref<48x512xf32, #tpu.memory_space<hbm>>
        %dma_wait3A_402 = arith.constant 0 : i32
        %dma_wait3A_403 = arith.constant 0 : i32
        %dma_wait3A_404 = tpu.memref_slice %arg5[%add3A_391, %dma_wait3A_402, %dma_wait3A_403] : memref<1024x50x512xf32, #tpu.memory_space<hbm>> -> memref<1x50x512xf32, #tpu.memory_space<hbm>>
        %dma_wait3A_405 = tpu.memref_squeeze %dma_wait3A_404 : memref<1x50x512xf32, #tpu.memory_space<hbm>> -> memref<50x512xf32, #tpu.memory_space<hbm>>
        %dma_wait3A_406 = arith.constant 0 : i32
        %dma_wait3A_407 = arith.constant 0 : i32
        %dma_wait3A_408 = tpu.memref_slice %dma_wait3A_405[%dma_wait3A_406, %dma_wait3A_407] : memref<50x512xf32, #tpu.memory_space<hbm>> -> memref<48x512xf32, #tpu.memory_space<hbm>>
        %dma_wait3A_409 = arith.constant 0 : i32
        %dma_wait3A_410 = arith.constant 0 : i32
        %dma_wait3A_411 = tpu.memref_slice %arg13[%dma_wait3A_409, %dma_wait3A_410] : memref<50x512xf32, #tpu.memory_space<vmem>> -> memref<48x512xf32, #tpu.memory_space<vmem>>
        tpu.wait_dma2 semaphore(%arg19 : memref<!tpu.dma_semaphore, #tpu.memory_space<semaphore_mem>>) src(%dma_wait3A_411 : memref<48x512xf32, #tpu.memory_space<vmem>>) dst(%dma_wait3A_408 : memref<48x512xf32, #tpu.memory_space<hbm>>)
        %add3A_412 = arith.constant 2 : i32
        %add3A_413 = arith.addi %add3A_301, %add3A_412 : i32
        %dma_start3A_414 = arith.constant 0 : i32
        %dma_start3A_415 = tpu.memref_slice %arg10[%add3A_413, %dma_start3A_414] : memref<128x64xi32, #tpu.memory_space<vmem>> -> memref<1x64xi32, #tpu.memory_space<vmem>>
        %dma_start3A_416 = tpu.memref_squeeze %dma_start3A_415 : memref<1x64xi32, #tpu.memory_space<vmem>> -> memref<64xi32, #tpu.memory_space<vmem>>
        %dma_start3A_417 = arith.constant 0 : i32
        %dma_start3A_418 = tpu.memref_slice %dma_start3A_416[%dma_start3A_417] : memref<64xi32, #tpu.memory_space<vmem>> -> memref<50xi32, #tpu.memory_space<vmem>>
        %dma_start3A_419 = arith.constant 0 : i32
        %dma_start3A_420 = arith.constant 0 : i32
        %dma_start3A_421 = tpu.memref_slice %arg4[%dma_start3A_419, %dma_start3A_420] : memref<361x512xf32, #tpu.memory_space<hbm>> -> memref<361x512xf32, #tpu.memory_space<hbm>>
        tpu.enqueue_indirect_dma source(%dma_start3A_421 : memref<361x512xf32, #tpu.memory_space<hbm>>) target(%arg13 : memref<50x512xf32, #tpu.memory_space<vmem>>) offsets(%dma_start3A_418 : memref<50xi32, #tpu.memory_space<vmem>>) semaphore(%arg17 : memref<!tpu.dma_semaphore, #tpu.memory_space<semaphore_mem>>)
      }
      %scan3A_190 = arith.constant 63 : i32
      %dma_wait3A_191 = arith.constant 126 : i32
      %dma_wait3A_192 = arith.constant 0 : i32
      %dma_wait3A_193 = tpu.memref_slice %arg10[%dma_wait3A_191, %dma_wait3A_192] : memref<128x64xi32, #tpu.memory_space<vmem>> -> memref<1x64xi32, #tpu.memory_space<vmem>>
      %dma_wait3A_194 = tpu.memref_squeeze %dma_wait3A_193 : memref<1x64xi32, #tpu.memory_space<vmem>> -> memref<64xi32, #tpu.memory_space<vmem>>
      %dma_wait3A_195 = arith.constant 0 : i32
      %dma_wait3A_196 = tpu.memref_slice %dma_wait3A_194[%dma_wait3A_195] : memref<64xi32, #tpu.memory_space<vmem>> -> memref<50xi32, #tpu.memory_space<vmem>>
      %dma_wait3A_197 = arith.constant 0 : i32
      %dma_wait3A_198 = arith.constant 0 : i32
      %dma_wait3A_199 = tpu.memref_slice %arg4[%dma_wait3A_197, %dma_wait3A_198] : memref<361x512xf32, #tpu.memory_space<hbm>> -> memref<361x512xf32, #tpu.memory_space<hbm>>
      tpu.wait_indirect_dma semaphore(%arg16 : memref<!tpu.dma_semaphore, #tpu.memory_space<semaphore_mem>>) src(%dma_wait3A_199 : memref<361x512xf32, #tpu.memory_space<hbm>>) dst(%arg12 : memref<50x512xf32, #tpu.memory_space<vmem>>)
      %add3A_200 = arith.constant 126 : i32
      %add3A_201 = arith.addi %mul3A_166, %add3A_200 : i32
      %dma_start3A_202 = arith.constant 0 : i32
      %dma_start3A_203 = arith.constant 0 : i32
      %dma_start3A_204 = tpu.memref_slice %arg12[%dma_start3A_202, %dma_start3A_203] : memref<50x512xf32, #tpu.memory_space<vmem>> -> memref<48x512xf32, #tpu.memory_space<vmem>>
      %dma_start3A_205 = arith.constant 0 : i32
      %dma_start3A_206 = arith.constant 0 : i32
      %dma_start3A_207 = tpu.memref_slice %arg5[%add3A_201, %dma_start3A_205, %dma_start3A_206] : memref<1024x50x512xf32, #tpu.memory_space<hbm>> -> memref<1x50x512xf32, #tpu.memory_space<hbm>>
      %dma_start3A_208 = tpu.memref_squeeze %dma_start3A_207 : memref<1x50x512xf32, #tpu.memory_space<hbm>> -> memref<50x512xf32, #tpu.memory_space<hbm>>
      %dma_start3A_209 = arith.constant 0 : i32
      %dma_start3A_210 = arith.constant 0 : i32
      %dma_start3A_211 = tpu.memref_slice %dma_start3A_208[%dma_start3A_209, %dma_start3A_210] : memref<50x512xf32, #tpu.memory_space<hbm>> -> memref<48x512xf32, #tpu.memory_space<hbm>>
      %dma_start3A_212 = arith.constant 0 : i32
      %dma_start3A_213 = arith.constant 0 : i32
      %dma_start3A_214 = tpu.memref_slice %arg5[%add3A_201, %dma_start3A_212, %dma_start3A_213] : memref<1024x50x512xf32, #tpu.memory_space<hbm>> -> memref<1x50x512xf32, #tpu.memory_space<hbm>>
      %dma_start3A_215 = tpu.memref_squeeze %dma_start3A_214 : memref<1x50x512xf32, #tpu.memory_space<hbm>> -> memref<50x512xf32, #tpu.memory_space<hbm>>
      %dma_start3A_216 = arith.constant 0 : i32
      %dma_start3A_217 = arith.constant 0 : i32
      %dma_start3A_218 = tpu.memref_slice %dma_start3A_215[%dma_start3A_216, %dma_start3A_217] : memref<50x512xf32, #tpu.memory_space<hbm>> -> memref<48x512xf32, #tpu.memory_space<hbm>>
      %dma_start3A_219 = arith.constant 0 : i32
      %dma_start3A_220 = arith.constant 0 : i32
      %dma_start3A_221 = tpu.memref_slice %arg12[%dma_start3A_219, %dma_start3A_220] : memref<50x512xf32, #tpu.memory_space<vmem>> -> memref<48x512xf32, #tpu.memory_space<vmem>>
      tpu.enqueue_dma source(%dma_start3A_221 : memref<48x512xf32, #tpu.memory_space<vmem>>) target(%dma_start3A_218 : memref<48x512xf32, #tpu.memory_space<hbm>>) target_semaphore(%arg18 : memref<!tpu.dma_semaphore, #tpu.memory_space<semaphore_mem>>)
      %dma_wait3A_222 = arith.constant 127 : i32
      %dma_wait3A_223 = arith.constant 0 : i32
      %dma_wait3A_224 = tpu.memref_slice %arg10[%dma_wait3A_222, %dma_wait3A_223] : memref<128x64xi32, #tpu.memory_space<vmem>> -> memref<1x64xi32, #tpu.memory_space<vmem>>
      %dma_wait3A_225 = tpu.memref_squeeze %dma_wait3A_224 : memref<1x64xi32, #tpu.memory_space<vmem>> -> memref<64xi32, #tpu.memory_space<vmem>>
      %dma_wait3A_226 = arith.constant 0 : i32
      %dma_wait3A_227 = tpu.memref_slice %dma_wait3A_225[%dma_wait3A_226] : memref<64xi32, #tpu.memory_space<vmem>> -> memref<50xi32, #tpu.memory_space<vmem>>
      %dma_wait3A_228 = arith.constant 0 : i32
      %dma_wait3A_229 = arith.constant 0 : i32
      %dma_wait3A_230 = tpu.memref_slice %arg4[%dma_wait3A_228, %dma_wait3A_229] : memref<361x512xf32, #tpu.memory_space<hbm>> -> memref<361x512xf32, #tpu.memory_space<hbm>>
      tpu.wait_indirect_dma semaphore(%arg17 : memref<!tpu.dma_semaphore, #tpu.memory_space<semaphore_mem>>) src(%dma_wait3A_230 : memref<361x512xf32, #tpu.memory_space<hbm>>) dst(%arg13 : memref<50x512xf32, #tpu.memory_space<vmem>>)
      %add3A_231 = arith.constant 127 : i32
      %add3A_232 = arith.addi %mul3A_166, %add3A_231 : i32
      %dma_start3A_233 = arith.constant 0 : i32
      %dma_start3A_234 = arith.constant 0 : i32
      %dma_start3A_235 = tpu.memref_slice %arg13[%dma_start3A_233, %dma_start3A_234] : memref<50x512xf32, #tpu.memory_space<vmem>> -> memref<48x512xf32, #tpu.memory_space<vmem>>
      %dma_start3A_236 = arith.constant 0 : i32
      %dma_start3A_237 = arith.constant 0 : i32
      %dma_start3A_238 = tpu.memref_slice %arg5[%add3A_232, %dma_start3A_236, %dma_start3A_237] : memref<1024x50x512xf32, #tpu.memory_space<hbm>> -> memref<1x50x512xf32, #tpu.memory_space<hbm>>
      %dma_start3A_239 = tpu.memref_squeeze %dma_start3A_238 : memref<1x50x512xf32, #tpu.memory_space<hbm>> -> memref<50x512xf32, #tpu.memory_space<hbm>>
      %dma_start3A_240 = arith.constant 0 : i32
      %dma_start3A_241 = arith.constant 0 : i32
      %dma_start3A_242 = tpu.memref_slice %dma_start3A_239[%dma_start3A_240, %dma_start3A_241] : memref<50x512xf32, #tpu.memory_space<hbm>> -> memref<48x512xf32, #tpu.memory_space<hbm>>
      %dma_start3A_243 = arith.constant 0 : i32
      %dma_start3A_244 = arith.constant 0 : i32
      %dma_start3A_245 = tpu.memref_slice %arg5[%add3A_232, %dma_start3A_243, %dma_start3A_244] : memref<1024x50x512xf32, #tpu.memory_space<hbm>> -> memref<1x50x512xf32, #tpu.memory_space<hbm>>
      %dma_start3A_246 = tpu.memref_squeeze %dma_start3A_245 : memref<1x50x512xf32, #tpu.memory_space<hbm>> -> memref<50x512xf32, #tpu.memory_space<hbm>>
      %dma_start3A_247 = arith.constant 0 : i32
      %dma_start3A_248 = arith.constant 0 : i32
      %dma_start3A_249 = tpu.memref_slice %dma_start3A_246[%dma_start3A_247, %dma_start3A_248] : memref<50x512xf32, #tpu.memory_space<hbm>> -> memref<48x512xf32, #tpu.memory_space<hbm>>
      %dma_start3A_250 = arith.constant 0 : i32
      %dma_start3A_251 = arith.constant 0 : i32
      %dma_start3A_252 = tpu.memref_slice %arg13[%dma_start3A_250, %dma_start3A_251] : memref<50x512xf32, #tpu.memory_space<vmem>> -> memref<48x512xf32, #tpu.memory_space<vmem>>
      tpu.enqueue_dma source(%dma_start3A_252 : memref<48x512xf32, #tpu.memory_space<vmem>>) target(%dma_start3A_249 : memref<48x512xf32, #tpu.memory_space<hbm>>) target_semaphore(%arg19 : memref<!tpu.dma_semaphore, #tpu.memory_space<semaphore_mem>>)
      %add3A_253 = arith.constant 126 : i32
      %add3A_254 = arith.addi %mul3A_166, %add3A_253 : i32
      %dma_wait3A_255 = arith.constant 0 : i32
      %dma_wait3A_256 = arith.constant 0 : i32
      %dma_wait3A_257 = tpu.memref_slice %arg12[%dma_wait3A_255, %dma_wait3A_256] : memref<50x512xf32, #tpu.memory_space<vmem>> -> memref<48x512xf32, #tpu.memory_space<vmem>>
      %dma_wait3A_258 = arith.constant 0 : i32
      %dma_wait3A_259 = arith.constant 0 : i32
      %dma_wait3A_260 = tpu.memref_slice %arg5[%add3A_254, %dma_wait3A_258, %dma_wait3A_259] : memref<1024x50x512xf32, #tpu.memory_space<hbm>> -> memref<1x50x512xf32, #tpu.memory_space<hbm>>
      %dma_wait3A_261 = tpu.memref_squeeze %dma_wait3A_260 : memref<1x50x512xf32, #tpu.memory_space<hbm>> -> memref<50x512xf32, #tpu.memory_space<hbm>>
      %dma_wait3A_262 = arith.constant 0 : i32
      %dma_wait3A_263 = arith.constant 0 : i32
      %dma_wait3A_264 = tpu.memref_slice %dma_wait3A_261[%dma_wait3A_262, %dma_wait3A_263] : memref<50x512xf32, #tpu.memory_space<hbm>> -> memref<48x512xf32, #tpu.memory_space<hbm>>
      %dma_wait3A_265 = arith.constant 0 : i32
      %dma_wait3A_266 = arith.constant 0 : i32
      %dma_wait3A_267 = tpu.memref_slice %arg5[%add3A_254, %dma_wait3A_265, %dma_wait3A_266] : memref<1024x50x512xf32, #tpu.memory_space<hbm>> -> memref<1x50x512xf32, #tpu.memory_space<hbm>>
      %dma_wait3A_268 = tpu.memref_squeeze %dma_wait3A_267 : memref<1x50x512xf32, #tpu.memory_space<hbm>> -> memref<50x512xf32, #tpu.memory_space<hbm>>
      %dma_wait3A_269 = arith.constant 0 : i32
      %dma_wait3A_270 = arith.constant 0 : i32
      %dma_wait3A_271 = tpu.memref_slice %dma_wait3A_268[%dma_wait3A_269, %dma_wait3A_270] : memref<50x512xf32, #tpu.memory_space<hbm>> -> memref<48x512xf32, #tpu.memory_space<hbm>>
      %dma_wait3A_272 = arith.constant 0 : i32
      %dma_wait3A_273 = arith.constant 0 : i32
      %dma_wait3A_274 = tpu.memref_slice %arg12[%dma_wait3A_272, %dma_wait3A_273] : memref<50x512xf32, #tpu.memory_space<vmem>> -> memref<48x512xf32, #tpu.memory_space<vmem>>
      tpu.wait_dma2 semaphore(%arg18 : memref<!tpu.dma_semaphore, #tpu.memory_space<semaphore_mem>>) src(%dma_wait3A_274 : memref<48x512xf32, #tpu.memory_space<vmem>>) dst(%dma_wait3A_271 : memref<48x512xf32, #tpu.memory_space<hbm>>)
      %add3A_275 = arith.constant 127 : i32
      %add3A_276 = arith.addi %mul3A_166, %add3A_275 : i32
      %dma_wait3A_277 = arith.constant 0 : i32
      %dma_wait3A_278 = arith.constant 0 : i32
      %dma_wait3A_279 = tpu.memref_slice %arg13[%dma_wait3A_277, %dma_wait3A_278] : memref<50x512xf32, #tpu.memory_space<vmem>> -> memref<48x512xf32, #tpu.memory_space<vmem>>
      %dma_wait3A_280 = arith.constant 0 : i32
      %dma_wait3A_281 = arith.constant 0 : i32
      %dma_wait3A_282 = tpu.memref_slice %arg5[%add3A_276, %dma_wait3A_280, %dma_wait3A_281] : memref<1024x50x512xf32, #tpu.memory_space<hbm>> -> memref<1x50x512xf32, #tpu.memory_space<hbm>>
      %dma_wait3A_283 = tpu.memref_squeeze %dma_wait3A_282 : memref<1x50x512xf32, #tpu.memory_space<hbm>> -> memref<50x512xf32, #tpu.memory_space<hbm>>
      %dma_wait3A_284 = arith.constant 0 : i32
      %dma_wait3A_285 = arith.constant 0 : i32
      %dma_wait3A_286 = tpu.memref_slice %dma_wait3A_283[%dma_wait3A_284, %dma_wait3A_285] : memref<50x512xf32, #tpu.memory_space<hbm>> -> memref<48x512xf32, #tpu.memory_space<hbm>>
      %dma_wait3A_287 = arith.constant 0 : i32
      %dma_wait3A_288 = arith.constant 0 : i32
      %dma_wait3A_289 = tpu.memref_slice %arg5[%add3A_276, %dma_wait3A_287, %dma_wait3A_288] : memref<1024x50x512xf32, #tpu.memory_space<hbm>> -> memref<1x50x512xf32, #tpu.memory_space<hbm>>
      %dma_wait3A_290 = tpu.memref_squeeze %dma_wait3A_289 : memref<1x50x512xf32, #tpu.memory_space<hbm>> -> memref<50x512xf32, #tpu.memory_space<hbm>>
      %dma_wait3A_291 = arith.constant 0 : i32
      %dma_wait3A_292 = arith.constant 0 : i32
      %dma_wait3A_293 = tpu.memref_slice %dma_wait3A_290[%dma_wait3A_291, %dma_wait3A_292] : memref<50x512xf32, #tpu.memory_space<hbm>> -> memref<48x512xf32, #tpu.memory_space<hbm>>
      %dma_wait3A_294 = arith.constant 0 : i32
      %dma_wait3A_295 = arith.constant 0 : i32
      %dma_wait3A_296 = tpu.memref_slice %arg13[%dma_wait3A_294, %dma_wait3A_295] : memref<50x512xf32, #tpu.memory_space<vmem>> -> memref<48x512xf32, #tpu.memory_space<vmem>>
      tpu.wait_dma2 semaphore(%arg19 : memref<!tpu.dma_semaphore, #tpu.memory_space<semaphore_mem>>) src(%dma_wait3A_296 : memref<48x512xf32, #tpu.memory_space<vmem>>) dst(%dma_wait3A_293 : memref<48x512xf32, #tpu.memory_space<hbm>>)
    } else {
    }
    %jit3A_25 = arith.constant 8 : i32
    %div3A_26 = arith.divsi %add3A, %jit3A_25 : i32
    %sign3A_27 = arith.constant 0 : i32
    %sign3A_28 = arith.cmpi sgt, %add3A, %sign3A_27 : i32
    %sign3A_29 = arith.extui %sign3A_28 : i1 to i32
    %sign3A_30 = arith.constant 0 : i32
    %sign3A_31 = arith.cmpi slt, %add3A, %sign3A_30 : i32
    %sign3A_32 = arith.extui %sign3A_31 : i1 to i32
    %sign3A_33 = arith.subi %sign3A_29, %sign3A_32 : i32
    %sign3A_34 = arith.constant 0 : i32
    %sign3A_35 = arith.cmpi sgt, %jit3A_25, %sign3A_34 : i32
    %sign3A_36 = arith.extui %sign3A_35 : i1 to i32
    %sign3A_37 = arith.constant 0 : i32
    %sign3A_38 = arith.cmpi slt, %jit3A_25, %sign3A_37 : i32
    %sign3A_39 = arith.extui %sign3A_38 : i1 to i32
    %sign3A_40 = arith.subi %sign3A_36, %sign3A_39 : i32
    %ne3A_41 = arith.cmpi ne, %sign3A_33, %sign3A_40 : i32
    %rem3A_42 = arith.remsi %add3A, %jit3A_25 : i32
    %ne3A_43 = arith.constant 0 : i32
    %ne3A_44 = arith.cmpi ne, %rem3A_42, %ne3A_43 : i32
    %and3A_45 = arith.andi %ne3A_41, %ne3A_44 : i1
    %sub3A_46 = arith.constant 1 : i32
    %sub3A_47 = arith.subi %div3A_26, %sub3A_46 : i32
    %select_n3A_48 = arith.select %and3A_45, %sub3A_47, %div3A_26 : i32
    %eq3A_49 = arith.constant 1 : i32
    %eq3A_50 = arith.cmpi eq, %select_n3A_48, %eq3A_49 : i32
    %convert_element_type3A_51 = arith.extui %eq3A_50 : i1 to i32
    %cond3A_52 = arith.constant 0 : i32
    %cond3A_53 = arith.cmpi ne, %convert_element_type3A_51, %cond3A_52 : i32
    scf.if %cond3A_53 {
      %sub3A_163 = arith.constant 8 : i32
      %sub3A_164 = arith.subi %add3A, %sub3A_163 : i32
      %mul3A_165 = arith.constant 128 : i32
      %mul3A_166 = arith.muli %sub3A_164, %mul3A_165 : i32
      %dma_start3A_167 = arith.constant 0 : i32
      %dma_start3A_168 = arith.constant 0 : i32
      %dma_start3A_169 = tpu.memref_slice %arg10[%dma_start3A_167, %dma_start3A_168] : memref<128x64xi32, #tpu.memory_space<vmem>> -> memref<1x64xi32, #tpu.memory_space<vmem>>
      %dma_start3A_170 = tpu.memref_squeeze %dma_start3A_169 : memref<1x64xi32, #tpu.memory_space<vmem>> -> memref<64xi32, #tpu.memory_space<vmem>>
      %dma_start3A_171 = arith.constant 0 : i32
      %dma_start3A_172 = tpu.memref_slice %dma_start3A_170[%dma_start3A_171] : memref<64xi32, #tpu.memory_space<vmem>> -> memref<50xi32, #tpu.memory_space<vmem>>
      %dma_start3A_173 = arith.constant 0 : i32
      %dma_start3A_174 = arith.constant 0 : i32
      %dma_start3A_175 = tpu.memref_slice %arg4[%dma_start3A_173, %dma_start3A_174] : memref<361x512xf32, #tpu.memory_space<hbm>> -> memref<361x512xf32, #tpu.memory_space<hbm>>
      tpu.enqueue_indirect_dma source(%dma_start3A_175 : memref<361x512xf32, #tpu.memory_space<hbm>>) target(%arg12 : memref<50x512xf32, #tpu.memory_space<vmem>>) offsets(%dma_start3A_172 : memref<50xi32, #tpu.memory_space<vmem>>) semaphore(%arg16 : memref<!tpu.dma_semaphore, #tpu.memory_space<semaphore_mem>>)
      %dma_start3A_176 = arith.constant 1 : i32
      %dma_start3A_177 = arith.constant 0 : i32
      %dma_start3A_178 = tpu.memref_slice %arg10[%dma_start3A_176, %dma_start3A_177] : memref<128x64xi32, #tpu.memory_space<vmem>> -> memref<1x64xi32, #tpu.memory_space<vmem>>
      %dma_start3A_179 = tpu.memref_squeeze %dma_start3A_178 : memref<1x64xi32, #tpu.memory_space<vmem>> -> memref<64xi32, #tpu.memory_space<vmem>>
      %dma_start3A_180 = arith.constant 0 : i32
      %dma_start3A_181 = tpu.memref_slice %dma_start3A_179[%dma_start3A_180] : memref<64xi32, #tpu.memory_space<vmem>> -> memref<50xi32, #tpu.memory_space<vmem>>
      %dma_start3A_182 = arith.constant 0 : i32
      %dma_start3A_183 = arith.constant 0 : i32
      %dma_start3A_184 = tpu.memref_slice %arg4[%dma_start3A_182, %dma_start3A_183] : memref<361x512xf32, #tpu.memory_space<hbm>> -> memref<361x512xf32, #tpu.memory_space<hbm>>
      tpu.enqueue_indirect_dma source(%dma_start3A_184 : memref<361x512xf32, #tpu.memory_space<hbm>>) target(%arg13 : memref<50x512xf32, #tpu.memory_space<vmem>>) offsets(%dma_start3A_181 : memref<50xi32, #tpu.memory_space<vmem>>) semaphore(%arg17 : memref<!tpu.dma_semaphore, #tpu.memory_space<semaphore_mem>>)
      %scan3A_185 = arith.constant 0 : i32
      %scan3A_186 = arith.constant 0 : i32
      %scan3A_187 = arith.constant 63 : i32
      %scan3A_188 = arith.addi %scan3A_186, %scan3A_187 : i32
      %scan3A_189 = arith.constant 1 : i32
      scf.for %scan3A_297 = %scan3A_186 to %scan3A_188 step %scan3A_189  : i32 {
        %mul3A_298 = arith.constant 2 : i32
        %mul3A_299 = arith.muli %mul3A_298, %scan3A_297 : i32
        %add3A_300 = arith.constant 1 : i32
        %add3A_301 = arith.addi %mul3A_299, %add3A_300 : i32
        %dma_wait3A_302 = arith.constant 0 : i32
        %dma_wait3A_303 = tpu.memref_slice %arg10[%mul3A_299, %dma_wait3A_302] : memref<128x64xi32, #tpu.memory_space<vmem>> -> memref<1x64xi32, #tpu.memory_space<vmem>>
        %dma_wait3A_304 = tpu.memref_squeeze %dma_wait3A_303 : memref<1x64xi32, #tpu.memory_space<vmem>> -> memref<64xi32, #tpu.memory_space<vmem>>
        %dma_wait3A_305 = arith.constant 0 : i32
        %dma_wait3A_306 = tpu.memref_slice %dma_wait3A_304[%dma_wait3A_305] : memref<64xi32, #tpu.memory_space<vmem>> -> memref<50xi32, #tpu.memory_space<vmem>>
        %dma_wait3A_307 = arith.constant 0 : i32
        %dma_wait3A_308 = arith.constant 0 : i32
        %dma_wait3A_309 = tpu.memref_slice %arg4[%dma_wait3A_307, %dma_wait3A_308] : memref<361x512xf32, #tpu.memory_space<hbm>> -> memref<361x512xf32, #tpu.memory_space<hbm>>
        tpu.wait_indirect_dma semaphore(%arg16 : memref<!tpu.dma_semaphore, #tpu.memory_space<semaphore_mem>>) src(%dma_wait3A_309 : memref<361x512xf32, #tpu.memory_space<hbm>>) dst(%arg12 : memref<50x512xf32, #tpu.memory_space<vmem>>)
        %add3A_310 = arith.addi %mul3A_166, %mul3A_299 : i32
        %dma_start3A_311 = arith.constant 0 : i32
        %dma_start3A_312 = arith.constant 0 : i32
        %dma_start3A_313 = tpu.memref_slice %arg12[%dma_start3A_311, %dma_start3A_312] : memref<50x512xf32, #tpu.memory_space<vmem>> -> memref<48x512xf32, #tpu.memory_space<vmem>>
        %dma_start3A_314 = arith.constant 0 : i32
        %dma_start3A_315 = arith.constant 0 : i32
        %dma_start3A_316 = tpu.memref_slice %arg6[%add3A_310, %dma_start3A_314, %dma_start3A_315] : memref<1024x50x512xf32, #tpu.memory_space<hbm>> -> memref<1x50x512xf32, #tpu.memory_space<hbm>>
        %dma_start3A_317 = tpu.memref_squeeze %dma_start3A_316 : memref<1x50x512xf32, #tpu.memory_space<hbm>> -> memref<50x512xf32, #tpu.memory_space<hbm>>
        %dma_start3A_318 = arith.constant 0 : i32
        %dma_start3A_319 = arith.constant 0 : i32
        %dma_start3A_320 = tpu.memref_slice %dma_start3A_317[%dma_start3A_318, %dma_start3A_319] : memref<50x512xf32, #tpu.memory_space<hbm>> -> memref<48x512xf32, #tpu.memory_space<hbm>>
        %dma_start3A_321 = arith.constant 0 : i32
        %dma_start3A_322 = arith.constant 0 : i32
        %dma_start3A_323 = tpu.memref_slice %arg6[%add3A_310, %dma_start3A_321, %dma_start3A_322] : memref<1024x50x512xf32, #tpu.memory_space<hbm>> -> memref<1x50x512xf32, #tpu.memory_space<hbm>>
        %dma_start3A_324 = tpu.memref_squeeze %dma_start3A_323 : memref<1x50x512xf32, #tpu.memory_space<hbm>> -> memref<50x512xf32, #tpu.memory_space<hbm>>
        %dma_start3A_325 = arith.constant 0 : i32
        %dma_start3A_326 = arith.constant 0 : i32
        %dma_start3A_327 = tpu.memref_slice %dma_start3A_324[%dma_start3A_325, %dma_start3A_326] : memref<50x512xf32, #tpu.memory_space<hbm>> -> memref<48x512xf32, #tpu.memory_space<hbm>>
        %dma_start3A_328 = arith.constant 0 : i32
        %dma_start3A_329 = arith.constant 0 : i32
        %dma_start3A_330 = tpu.memref_slice %arg12[%dma_start3A_328, %dma_start3A_329] : memref<50x512xf32, #tpu.memory_space<vmem>> -> memref<48x512xf32, #tpu.memory_space<vmem>>
        tpu.enqueue_dma source(%dma_start3A_330 : memref<48x512xf32, #tpu.memory_space<vmem>>) target(%dma_start3A_327 : memref<48x512xf32, #tpu.memory_space<hbm>>) target_semaphore(%arg18 : memref<!tpu.dma_semaphore, #tpu.memory_space<semaphore_mem>>)
        %dma_wait3A_331 = arith.constant 0 : i32
        %dma_wait3A_332 = tpu.memref_slice %arg10[%add3A_301, %dma_wait3A_331] : memref<128x64xi32, #tpu.memory_space<vmem>> -> memref<1x64xi32, #tpu.memory_space<vmem>>
        %dma_wait3A_333 = tpu.memref_squeeze %dma_wait3A_332 : memref<1x64xi32, #tpu.memory_space<vmem>> -> memref<64xi32, #tpu.memory_space<vmem>>
        %dma_wait3A_334 = arith.constant 0 : i32
        %dma_wait3A_335 = tpu.memref_slice %dma_wait3A_333[%dma_wait3A_334] : memref<64xi32, #tpu.memory_space<vmem>> -> memref<50xi32, #tpu.memory_space<vmem>>
        %dma_wait3A_336 = arith.constant 0 : i32
        %dma_wait3A_337 = arith.constant 0 : i32
        %dma_wait3A_338 = tpu.memref_slice %arg4[%dma_wait3A_336, %dma_wait3A_337] : memref<361x512xf32, #tpu.memory_space<hbm>> -> memref<361x512xf32, #tpu.memory_space<hbm>>
        tpu.wait_indirect_dma semaphore(%arg17 : memref<!tpu.dma_semaphore, #tpu.memory_space<semaphore_mem>>) src(%dma_wait3A_338 : memref<361x512xf32, #tpu.memory_space<hbm>>) dst(%arg13 : memref<50x512xf32, #tpu.memory_space<vmem>>)
        %add3A_339 = arith.addi %mul3A_166, %add3A_301 : i32
        %dma_start3A_340 = arith.constant 0 : i32
        %dma_start3A_341 = arith.constant 0 : i32
        %dma_start3A_342 = tpu.memref_slice %arg13[%dma_start3A_340, %dma_start3A_341] : memref<50x512xf32, #tpu.memory_space<vmem>> -> memref<48x512xf32, #tpu.memory_space<vmem>>
        %dma_start3A_343 = arith.constant 0 : i32
        %dma_start3A_344 = arith.constant 0 : i32
        %dma_start3A_345 = tpu.memref_slice %arg6[%add3A_339, %dma_start3A_343, %dma_start3A_344] : memref<1024x50x512xf32, #tpu.memory_space<hbm>> -> memref<1x50x512xf32, #tpu.memory_space<hbm>>
        %dma_start3A_346 = tpu.memref_squeeze %dma_start3A_345 : memref<1x50x512xf32, #tpu.memory_space<hbm>> -> memref<50x512xf32, #tpu.memory_space<hbm>>
        %dma_start3A_347 = arith.constant 0 : i32
        %dma_start3A_348 = arith.constant 0 : i32
        %dma_start3A_349 = tpu.memref_slice %dma_start3A_346[%dma_start3A_347, %dma_start3A_348] : memref<50x512xf32, #tpu.memory_space<hbm>> -> memref<48x512xf32, #tpu.memory_space<hbm>>
        %dma_start3A_350 = arith.constant 0 : i32
        %dma_start3A_351 = arith.constant 0 : i32
        %dma_start3A_352 = tpu.memref_slice %arg6[%add3A_339, %dma_start3A_350, %dma_start3A_351] : memref<1024x50x512xf32, #tpu.memory_space<hbm>> -> memref<1x50x512xf32, #tpu.memory_space<hbm>>
        %dma_start3A_353 = tpu.memref_squeeze %dma_start3A_352 : memref<1x50x512xf32, #tpu.memory_space<hbm>> -> memref<50x512xf32, #tpu.memory_space<hbm>>
        %dma_start3A_354 = arith.constant 0 : i32
        %dma_start3A_355 = arith.constant 0 : i32
        %dma_start3A_356 = tpu.memref_slice %dma_start3A_353[%dma_start3A_354, %dma_start3A_355] : memref<50x512xf32, #tpu.memory_space<hbm>> -> memref<48x512xf32, #tpu.memory_space<hbm>>
        %dma_start3A_357 = arith.constant 0 : i32
        %dma_start3A_358 = arith.constant 0 : i32
        %dma_start3A_359 = tpu.memref_slice %arg13[%dma_start3A_357, %dma_start3A_358] : memref<50x512xf32, #tpu.memory_space<vmem>> -> memref<48x512xf32, #tpu.memory_space<vmem>>
        tpu.enqueue_dma source(%dma_start3A_359 : memref<48x512xf32, #tpu.memory_space<vmem>>) target(%dma_start3A_356 : memref<48x512xf32, #tpu.memory_space<hbm>>) target_semaphore(%arg19 : memref<!tpu.dma_semaphore, #tpu.memory_space<semaphore_mem>>)
        %add3A_360 = arith.addi %mul3A_166, %mul3A_299 : i32
        %dma_wait3A_361 = arith.constant 0 : i32
        %dma_wait3A_362 = arith.constant 0 : i32
        %dma_wait3A_363 = tpu.memref_slice %arg12[%dma_wait3A_361, %dma_wait3A_362] : memref<50x512xf32, #tpu.memory_space<vmem>> -> memref<48x512xf32, #tpu.memory_space<vmem>>
        %dma_wait3A_364 = arith.constant 0 : i32
        %dma_wait3A_365 = arith.constant 0 : i32
        %dma_wait3A_366 = tpu.memref_slice %arg6[%add3A_360, %dma_wait3A_364, %dma_wait3A_365] : memref<1024x50x512xf32, #tpu.memory_space<hbm>> -> memref<1x50x512xf32, #tpu.memory_space<hbm>>
        %dma_wait3A_367 = tpu.memref_squeeze %dma_wait3A_366 : memref<1x50x512xf32, #tpu.memory_space<hbm>> -> memref<50x512xf32, #tpu.memory_space<hbm>>
        %dma_wait3A_368 = arith.constant 0 : i32
        %dma_wait3A_369 = arith.constant 0 : i32
        %dma_wait3A_370 = tpu.memref_slice %dma_wait3A_367[%dma_wait3A_368, %dma_wait3A_369] : memref<50x512xf32, #tpu.memory_space<hbm>> -> memref<48x512xf32, #tpu.memory_space<hbm>>
        %dma_wait3A_371 = arith.constant 0 : i32
        %dma_wait3A_372 = arith.constant 0 : i32
        %dma_wait3A_373 = tpu.memref_slice %arg6[%add3A_360, %dma_wait3A_371, %dma_wait3A_372] : memref<1024x50x512xf32, #tpu.memory_space<hbm>> -> memref<1x50x512xf32, #tpu.memory_space<hbm>>
        %dma_wait3A_374 = tpu.memref_squeeze %dma_wait3A_373 : memref<1x50x512xf32, #tpu.memory_space<hbm>> -> memref<50x512xf32, #tpu.memory_space<hbm>>
        %dma_wait3A_375 = arith.constant 0 : i32
        %dma_wait3A_376 = arith.constant 0 : i32
        %dma_wait3A_377 = tpu.memref_slice %dma_wait3A_374[%dma_wait3A_375, %dma_wait3A_376] : memref<50x512xf32, #tpu.memory_space<hbm>> -> memref<48x512xf32, #tpu.memory_space<hbm>>
        %dma_wait3A_378 = arith.constant 0 : i32
        %dma_wait3A_379 = arith.constant 0 : i32
        %dma_wait3A_380 = tpu.memref_slice %arg12[%dma_wait3A_378, %dma_wait3A_379] : memref<50x512xf32, #tpu.memory_space<vmem>> -> memref<48x512xf32, #tpu.memory_space<vmem>>
        tpu.wait_dma2 semaphore(%arg18 : memref<!tpu.dma_semaphore, #tpu.memory_space<semaphore_mem>>) src(%dma_wait3A_380 : memref<48x512xf32, #tpu.memory_space<vmem>>) dst(%dma_wait3A_377 : memref<48x512xf32, #tpu.memory_space<hbm>>)
        %add3A_381 = arith.constant 2 : i32
        %add3A_382 = arith.addi %mul3A_299, %add3A_381 : i32
        %dma_start3A_383 = arith.constant 0 : i32
        %dma_start3A_384 = tpu.memref_slice %arg10[%add3A_382, %dma_start3A_383] : memref<128x64xi32, #tpu.memory_space<vmem>> -> memref<1x64xi32, #tpu.memory_space<vmem>>
        %dma_start3A_385 = tpu.memref_squeeze %dma_start3A_384 : memref<1x64xi32, #tpu.memory_space<vmem>> -> memref<64xi32, #tpu.memory_space<vmem>>
        %dma_start3A_386 = arith.constant 0 : i32
        %dma_start3A_387 = tpu.memref_slice %dma_start3A_385[%dma_start3A_386] : memref<64xi32, #tpu.memory_space<vmem>> -> memref<50xi32, #tpu.memory_space<vmem>>
        %dma_start3A_388 = arith.constant 0 : i32
        %dma_start3A_389 = arith.constant 0 : i32
        %dma_start3A_390 = tpu.memref_slice %arg4[%dma_start3A_388, %dma_start3A_389] : memref<361x512xf32, #tpu.memory_space<hbm>> -> memref<361x512xf32, #tpu.memory_space<hbm>>
        tpu.enqueue_indirect_dma source(%dma_start3A_390 : memref<361x512xf32, #tpu.memory_space<hbm>>) target(%arg12 : memref<50x512xf32, #tpu.memory_space<vmem>>) offsets(%dma_start3A_387 : memref<50xi32, #tpu.memory_space<vmem>>) semaphore(%arg16 : memref<!tpu.dma_semaphore, #tpu.memory_space<semaphore_mem>>)
        %add3A_391 = arith.addi %mul3A_166, %add3A_301 : i32
        %dma_wait3A_392 = arith.constant 0 : i32
        %dma_wait3A_393 = arith.constant 0 : i32
        %dma_wait3A_394 = tpu.memref_slice %arg13[%dma_wait3A_392, %dma_wait3A_393] : memref<50x512xf32, #tpu.memory_space<vmem>> -> memref<48x512xf32, #tpu.memory_space<vmem>>
        %dma_wait3A_395 = arith.constant 0 : i32
        %dma_wait3A_396 = arith.constant 0 : i32
        %dma_wait3A_397 = tpu.memref_slice %arg6[%add3A_391, %dma_wait3A_395, %dma_wait3A_396] : memref<1024x50x512xf32, #tpu.memory_space<hbm>> -> memref<1x50x512xf32, #tpu.memory_space<hbm>>
        %dma_wait3A_398 = tpu.memref_squeeze %dma_wait3A_397 : memref<1x50x512xf32, #tpu.memory_space<hbm>> -> memref<50x512xf32, #tpu.memory_space<hbm>>
        %dma_wait3A_399 = arith.constant 0 : i32
        %dma_wait3A_400 = arith.constant 0 : i32
        %dma_wait3A_401 = tpu.memref_slice %dma_wait3A_398[%dma_wait3A_399, %dma_wait3A_400] : memref<50x512xf32, #tpu.memory_space<hbm>> -> memref<48x512xf32, #tpu.memory_space<hbm>>
        %dma_wait3A_402 = arith.constant 0 : i32
        %dma_wait3A_403 = arith.constant 0 : i32
        %dma_wait3A_404 = tpu.memref_slice %arg6[%add3A_391, %dma_wait3A_402, %dma_wait3A_403] : memref<1024x50x512xf32, #tpu.memory_space<hbm>> -> memref<1x50x512xf32, #tpu.memory_space<hbm>>
        %dma_wait3A_405 = tpu.memref_squeeze %dma_wait3A_404 : memref<1x50x512xf32, #tpu.memory_space<hbm>> -> memref<50x512xf32, #tpu.memory_space<hbm>>
        %dma_wait3A_406 = arith.constant 0 : i32
        %dma_wait3A_407 = arith.constant 0 : i32
        %dma_wait3A_408 = tpu.memref_slice %dma_wait3A_405[%dma_wait3A_406, %dma_wait3A_407] : memref<50x512xf32, #tpu.memory_space<hbm>> -> memref<48x512xf32, #tpu.memory_space<hbm>>
        %dma_wait3A_409 = arith.constant 0 : i32
        %dma_wait3A_410 = arith.constant 0 : i32
        %dma_wait3A_411 = tpu.memref_slice %arg13[%dma_wait3A_409, %dma_wait3A_410] : memref<50x512xf32, #tpu.memory_space<vmem>> -> memref<48x512xf32, #tpu.memory_space<vmem>>
        tpu.wait_dma2 semaphore(%arg19 : memref<!tpu.dma_semaphore, #tpu.memory_space<semaphore_mem>>) src(%dma_wait3A_411 : memref<48x512xf32, #tpu.memory_space<vmem>>) dst(%dma_wait3A_408 : memref<48x512xf32, #tpu.memory_space<hbm>>)
        %add3A_412 = arith.constant 2 : i32
        %add3A_413 = arith.addi %add3A_301, %add3A_412 : i32
        %dma_start3A_414 = arith.constant 0 : i32
        %dma_start3A_415 = tpu.memref_slice %arg10[%add3A_413, %dma_start3A_414] : memref<128x64xi32, #tpu.memory_space<vmem>> -> memref<1x64xi32, #tpu.memory_space<vmem>>
        %dma_start3A_416 = tpu.memref_squeeze %dma_start3A_415 : memref<1x64xi32, #tpu.memory_space<vmem>> -> memref<64xi32, #tpu.memory_space<vmem>>
        %dma_start3A_417 = arith.constant 0 : i32
        %dma_start3A_418 = tpu.memref_slice %dma_start3A_416[%dma_start3A_417] : memref<64xi32, #tpu.memory_space<vmem>> -> memref<50xi32, #tpu.memory_space<vmem>>
        %dma_start3A_419 = arith.constant 0 : i32
        %dma_start3A_420 = arith.constant 0 : i32
        %dma_start3A_421 = tpu.memref_slice %arg4[%dma_start3A_419, %dma_start3A_420] : memref<361x512xf32, #tpu.memory_space<hbm>> -> memref<361x512xf32, #tpu.memory_space<hbm>>
        tpu.enqueue_indirect_dma source(%dma_start3A_421 : memref<361x512xf32, #tpu.memory_space<hbm>>) target(%arg13 : memref<50x512xf32, #tpu.memory_space<vmem>>) offsets(%dma_start3A_418 : memref<50xi32, #tpu.memory_space<vmem>>) semaphore(%arg17 : memref<!tpu.dma_semaphore, #tpu.memory_space<semaphore_mem>>)
      }
      %scan3A_190 = arith.constant 63 : i32
      %dma_wait3A_191 = arith.constant 126 : i32
      %dma_wait3A_192 = arith.constant 0 : i32
      %dma_wait3A_193 = tpu.memref_slice %arg10[%dma_wait3A_191, %dma_wait3A_192] : memref<128x64xi32, #tpu.memory_space<vmem>> -> memref<1x64xi32, #tpu.memory_space<vmem>>
      %dma_wait3A_194 = tpu.memref_squeeze %dma_wait3A_193 : memref<1x64xi32, #tpu.memory_space<vmem>> -> memref<64xi32, #tpu.memory_space<vmem>>
      %dma_wait3A_195 = arith.constant 0 : i32
      %dma_wait3A_196 = tpu.memref_slice %dma_wait3A_194[%dma_wait3A_195] : memref<64xi32, #tpu.memory_space<vmem>> -> memref<50xi32, #tpu.memory_space<vmem>>
      %dma_wait3A_197 = arith.constant 0 : i32
      %dma_wait3A_198 = arith.constant 0 : i32
      %dma_wait3A_199 = tpu.memref_slice %arg4[%dma_wait3A_197, %dma_wait3A_198] : memref<361x512xf32, #tpu.memory_space<hbm>> -> memref<361x512xf32, #tpu.memory_space<hbm>>
      tpu.wait_indirect_dma semaphore(%arg16 : memref<!tpu.dma_semaphore, #tpu.memory_space<semaphore_mem>>) src(%dma_wait3A_199 : memref<361x512xf32, #tpu.memory_space<hbm>>) dst(%arg12 : memref<50x512xf32, #tpu.memory_space<vmem>>)
      %add3A_200 = arith.constant 126 : i32
      %add3A_201 = arith.addi %mul3A_166, %add3A_200 : i32
      %dma_start3A_202 = arith.constant 0 : i32
      %dma_start3A_203 = arith.constant 0 : i32
      %dma_start3A_204 = tpu.memref_slice %arg12[%dma_start3A_202, %dma_start3A_203] : memref<50x512xf32, #tpu.memory_space<vmem>> -> memref<48x512xf32, #tpu.memory_space<vmem>>
      %dma_start3A_205 = arith.constant 0 : i32
      %dma_start3A_206 = arith.constant 0 : i32
      %dma_start3A_207 = tpu.memref_slice %arg6[%add3A_201, %dma_start3A_205, %dma_start3A_206] : memref<1024x50x512xf32, #tpu.memory_space<hbm>> -> memref<1x50x512xf32, #tpu.memory_space<hbm>>
      %dma_start3A_208 = tpu.memref_squeeze %dma_start3A_207 : memref<1x50x512xf32, #tpu.memory_space<hbm>> -> memref<50x512xf32, #tpu.memory_space<hbm>>
      %dma_start3A_209 = arith.constant 0 : i32
      %dma_start3A_210 = arith.constant 0 : i32
      %dma_start3A_211 = tpu.memref_slice %dma_start3A_208[%dma_start3A_209, %dma_start3A_210] : memref<50x512xf32, #tpu.memory_space<hbm>> -> memref<48x512xf32, #tpu.memory_space<hbm>>
      %dma_start3A_212 = arith.constant 0 : i32
      %dma_start3A_213 = arith.constant 0 : i32
      %dma_start3A_214 = tpu.memref_slice %arg6[%add3A_201, %dma_start3A_212, %dma_start3A_213] : memref<1024x50x512xf32, #tpu.memory_space<hbm>> -> memref<1x50x512xf32, #tpu.memory_space<hbm>>
      %dma_start3A_215 = tpu.memref_squeeze %dma_start3A_214 : memref<1x50x512xf32, #tpu.memory_space<hbm>> -> memref<50x512xf32, #tpu.memory_space<hbm>>
      %dma_start3A_216 = arith.constant 0 : i32
      %dma_start3A_217 = arith.constant 0 : i32
      %dma_start3A_218 = tpu.memref_slice %dma_start3A_215[%dma_start3A_216, %dma_start3A_217] : memref<50x512xf32, #tpu.memory_space<hbm>> -> memref<48x512xf32, #tpu.memory_space<hbm>>
      %dma_start3A_219 = arith.constant 0 : i32
      %dma_start3A_220 = arith.constant 0 : i32
      %dma_start3A_221 = tpu.memref_slice %arg12[%dma_start3A_219, %dma_start3A_220] : memref<50x512xf32, #tpu.memory_space<vmem>> -> memref<48x512xf32, #tpu.memory_space<vmem>>
      tpu.enqueue_dma source(%dma_start3A_221 : memref<48x512xf32, #tpu.memory_space<vmem>>) target(%dma_start3A_218 : memref<48x512xf32, #tpu.memory_space<hbm>>) target_semaphore(%arg18 : memref<!tpu.dma_semaphore, #tpu.memory_space<semaphore_mem>>)
      %dma_wait3A_222 = arith.constant 127 : i32
      %dma_wait3A_223 = arith.constant 0 : i32
      %dma_wait3A_224 = tpu.memref_slice %arg10[%dma_wait3A_222, %dma_wait3A_223] : memref<128x64xi32, #tpu.memory_space<vmem>> -> memref<1x64xi32, #tpu.memory_space<vmem>>
      %dma_wait3A_225 = tpu.memref_squeeze %dma_wait3A_224 : memref<1x64xi32, #tpu.memory_space<vmem>> -> memref<64xi32, #tpu.memory_space<vmem>>
      %dma_wait3A_226 = arith.constant 0 : i32
      %dma_wait3A_227 = tpu.memref_slice %dma_wait3A_225[%dma_wait3A_226] : memref<64xi32, #tpu.memory_space<vmem>> -> memref<50xi32, #tpu.memory_space<vmem>>
      %dma_wait3A_228 = arith.constant 0 : i32
      %dma_wait3A_229 = arith.constant 0 : i32
      %dma_wait3A_230 = tpu.memref_slice %arg4[%dma_wait3A_228, %dma_wait3A_229] : memref<361x512xf32, #tpu.memory_space<hbm>> -> memref<361x512xf32, #tpu.memory_space<hbm>>
      tpu.wait_indirect_dma semaphore(%arg17 : memref<!tpu.dma_semaphore, #tpu.memory_space<semaphore_mem>>) src(%dma_wait3A_230 : memref<361x512xf32, #tpu.memory_space<hbm>>) dst(%arg13 : memref<50x512xf32, #tpu.memory_space<vmem>>)
      %add3A_231 = arith.constant 127 : i32
      %add3A_232 = arith.addi %mul3A_166, %add3A_231 : i32
      %dma_start3A_233 = arith.constant 0 : i32
      %dma_start3A_234 = arith.constant 0 : i32
      %dma_start3A_235 = tpu.memref_slice %arg13[%dma_start3A_233, %dma_start3A_234] : memref<50x512xf32, #tpu.memory_space<vmem>> -> memref<48x512xf32, #tpu.memory_space<vmem>>
      %dma_start3A_236 = arith.constant 0 : i32
      %dma_start3A_237 = arith.constant 0 : i32
      %dma_start3A_238 = tpu.memref_slice %arg6[%add3A_232, %dma_start3A_236, %dma_start3A_237] : memref<1024x50x512xf32, #tpu.memory_space<hbm>> -> memref<1x50x512xf32, #tpu.memory_space<hbm>>
      %dma_start3A_239 = tpu.memref_squeeze %dma_start3A_238 : memref<1x50x512xf32, #tpu.memory_space<hbm>> -> memref<50x512xf32, #tpu.memory_space<hbm>>
      %dma_start3A_240 = arith.constant 0 : i32
      %dma_start3A_241 = arith.constant 0 : i32
      %dma_start3A_242 = tpu.memref_slice %dma_start3A_239[%dma_start3A_240, %dma_start3A_241] : memref<50x512xf32, #tpu.memory_space<hbm>> -> memref<48x512xf32, #tpu.memory_space<hbm>>
      %dma_start3A_243 = arith.constant 0 : i32
      %dma_start3A_244 = arith.constant 0 : i32
      %dma_start3A_245 = tpu.memref_slice %arg6[%add3A_232, %dma_start3A_243, %dma_start3A_244] : memref<1024x50x512xf32, #tpu.memory_space<hbm>> -> memref<1x50x512xf32, #tpu.memory_space<hbm>>
      %dma_start3A_246 = tpu.memref_squeeze %dma_start3A_245 : memref<1x50x512xf32, #tpu.memory_space<hbm>> -> memref<50x512xf32, #tpu.memory_space<hbm>>
      %dma_start3A_247 = arith.constant 0 : i32
      %dma_start3A_248 = arith.constant 0 : i32
      %dma_start3A_249 = tpu.memref_slice %dma_start3A_246[%dma_start3A_247, %dma_start3A_248] : memref<50x512xf32, #tpu.memory_space<hbm>> -> memref<48x512xf32, #tpu.memory_space<hbm>>
      %dma_start3A_250 = arith.constant 0 : i32
      %dma_start3A_251 = arith.constant 0 : i32
      %dma_start3A_252 = tpu.memref_slice %arg13[%dma_start3A_250, %dma_start3A_251] : memref<50x512xf32, #tpu.memory_space<vmem>> -> memref<48x512xf32, #tpu.memory_space<vmem>>
      tpu.enqueue_dma source(%dma_start3A_252 : memref<48x512xf32, #tpu.memory_space<vmem>>) target(%dma_start3A_249 : memref<48x512xf32, #tpu.memory_space<hbm>>) target_semaphore(%arg19 : memref<!tpu.dma_semaphore, #tpu.memory_space<semaphore_mem>>)
      %add3A_253 = arith.constant 126 : i32
      %add3A_254 = arith.addi %mul3A_166, %add3A_253 : i32
      %dma_wait3A_255 = arith.constant 0 : i32
      %dma_wait3A_256 = arith.constant 0 : i32
      %dma_wait3A_257 = tpu.memref_slice %arg12[%dma_wait3A_255, %dma_wait3A_256] : memref<50x512xf32, #tpu.memory_space<vmem>> -> memref<48x512xf32, #tpu.memory_space<vmem>>
      %dma_wait3A_258 = arith.constant 0 : i32
      %dma_wait3A_259 = arith.constant 0 : i32
      %dma_wait3A_260 = tpu.memref_slice %arg6[%add3A_254, %dma_wait3A_258, %dma_wait3A_259] : memref<1024x50x512xf32, #tpu.memory_space<hbm>> -> memref<1x50x512xf32, #tpu.memory_space<hbm>>
      %dma_wait3A_261 = tpu.memref_squeeze %dma_wait3A_260 : memref<1x50x512xf32, #tpu.memory_space<hbm>> -> memref<50x512xf32, #tpu.memory_space<hbm>>
      %dma_wait3A_262 = arith.constant 0 : i32
      %dma_wait3A_263 = arith.constant 0 : i32
      %dma_wait3A_264 = tpu.memref_slice %dma_wait3A_261[%dma_wait3A_262, %dma_wait3A_263] : memref<50x512xf32, #tpu.memory_space<hbm>> -> memref<48x512xf32, #tpu.memory_space<hbm>>
      %dma_wait3A_265 = arith.constant 0 : i32
      %dma_wait3A_266 = arith.constant 0 : i32
      %dma_wait3A_267 = tpu.memref_slice %arg6[%add3A_254, %dma_wait3A_265, %dma_wait3A_266] : memref<1024x50x512xf32, #tpu.memory_space<hbm>> -> memref<1x50x512xf32, #tpu.memory_space<hbm>>
      %dma_wait3A_268 = tpu.memref_squeeze %dma_wait3A_267 : memref<1x50x512xf32, #tpu.memory_space<hbm>> -> memref<50x512xf32, #tpu.memory_space<hbm>>
      %dma_wait3A_269 = arith.constant 0 : i32
      %dma_wait3A_270 = arith.constant 0 : i32
      %dma_wait3A_271 = tpu.memref_slice %dma_wait3A_268[%dma_wait3A_269, %dma_wait3A_270] : memref<50x512xf32, #tpu.memory_space<hbm>> -> memref<48x512xf32, #tpu.memory_space<hbm>>
      %dma_wait3A_272 = arith.constant 0 : i32
      %dma_wait3A_273 = arith.constant 0 : i32
      %dma_wait3A_274 = tpu.memref_slice %arg12[%dma_wait3A_272, %dma_wait3A_273] : memref<50x512xf32, #tpu.memory_space<vmem>> -> memref<48x512xf32, #tpu.memory_space<vmem>>
      tpu.wait_dma2 semaphore(%arg18 : memref<!tpu.dma_semaphore, #tpu.memory_space<semaphore_mem>>) src(%dma_wait3A_274 : memref<48x512xf32, #tpu.memory_space<vmem>>) dst(%dma_wait3A_271 : memref<48x512xf32, #tpu.memory_space<hbm>>)
      %add3A_275 = arith.constant 127 : i32
      %add3A_276 = arith.addi %mul3A_166, %add3A_275 : i32
      %dma_wait3A_277 = arith.constant 0 : i32
      %dma_wait3A_278 = arith.constant 0 : i32
      %dma_wait3A_279 = tpu.memref_slice %arg13[%dma_wait3A_277, %dma_wait3A_278] : memref<50x512xf32, #tpu.memory_space<vmem>> -> memref<48x512xf32, #tpu.memory_space<vmem>>
      %dma_wait3A_280 = arith.constant 0 : i32
      %dma_wait3A_281 = arith.constant 0 : i32
      %dma_wait3A_282 = tpu.memref_slice %arg6[%add3A_276, %dma_wait3A_280, %dma_wait3A_281] : memref<1024x50x512xf32, #tpu.memory_space<hbm>> -> memref<1x50x512xf32, #tpu.memory_space<hbm>>
      %dma_wait3A_283 = tpu.memref_squeeze %dma_wait3A_282 : memref<1x50x512xf32, #tpu.memory_space<hbm>> -> memref<50x512xf32, #tpu.memory_space<hbm>>
      %dma_wait3A_284 = arith.constant 0 : i32
      %dma_wait3A_285 = arith.constant 0 : i32
      %dma_wait3A_286 = tpu.memref_slice %dma_wait3A_283[%dma_wait3A_284, %dma_wait3A_285] : memref<50x512xf32, #tpu.memory_space<hbm>> -> memref<48x512xf32, #tpu.memory_space<hbm>>
      %dma_wait3A_287 = arith.constant 0 : i32
      %dma_wait3A_288 = arith.constant 0 : i32
      %dma_wait3A_289 = tpu.memref_slice %arg6[%add3A_276, %dma_wait3A_287, %dma_wait3A_288] : memref<1024x50x512xf32, #tpu.memory_space<hbm>> -> memref<1x50x512xf32, #tpu.memory_space<hbm>>
      %dma_wait3A_290 = tpu.memref_squeeze %dma_wait3A_289 : memref<1x50x512xf32, #tpu.memory_space<hbm>> -> memref<50x512xf32, #tpu.memory_space<hbm>>
      %dma_wait3A_291 = arith.constant 0 : i32
      %dma_wait3A_292 = arith.constant 0 : i32
      %dma_wait3A_293 = tpu.memref_slice %dma_wait3A_290[%dma_wait3A_291, %dma_wait3A_292] : memref<50x512xf32, #tpu.memory_space<hbm>> -> memref<48x512xf32, #tpu.memory_space<hbm>>
      %dma_wait3A_294 = arith.constant 0 : i32
      %dma_wait3A_295 = arith.constant 0 : i32
      %dma_wait3A_296 = tpu.memref_slice %arg13[%dma_wait3A_294, %dma_wait3A_295] : memref<50x512xf32, #tpu.memory_space<vmem>> -> memref<48x512xf32, #tpu.memory_space<vmem>>
      tpu.wait_dma2 semaphore(%arg19 : memref<!tpu.dma_semaphore, #tpu.memory_space<semaphore_mem>>) src(%dma_wait3A_296 : memref<48x512xf32, #tpu.memory_space<vmem>>) dst(%dma_wait3A_293 : memref<48x512xf32, #tpu.memory_space<hbm>>)
    } else {
    }
    %jit3A_54 = arith.constant 8 : i32
    %div3A_55 = arith.divsi %add3A, %jit3A_54 : i32
    %sign3A_56 = arith.constant 0 : i32
    %sign3A_57 = arith.cmpi sgt, %add3A, %sign3A_56 : i32
    %sign3A_58 = arith.extui %sign3A_57 : i1 to i32
    %sign3A_59 = arith.constant 0 : i32
    %sign3A_60 = arith.cmpi slt, %add3A, %sign3A_59 : i32
    %sign3A_61 = arith.extui %sign3A_60 : i1 to i32
    %sign3A_62 = arith.subi %sign3A_58, %sign3A_61 : i32
    %sign3A_63 = arith.constant 0 : i32
    %sign3A_64 = arith.cmpi sgt, %jit3A_54, %sign3A_63 : i32
    %sign3A_65 = arith.extui %sign3A_64 : i1 to i32
    %sign3A_66 = arith.constant 0 : i32
    %sign3A_67 = arith.cmpi slt, %jit3A_54, %sign3A_66 : i32
    %sign3A_68 = arith.extui %sign3A_67 : i1 to i32
    %sign3A_69 = arith.subi %sign3A_65, %sign3A_68 : i32
    %ne3A_70 = arith.cmpi ne, %sign3A_62, %sign3A_69 : i32
    %rem3A_71 = arith.remsi %add3A, %jit3A_54 : i32
    %ne3A_72 = arith.constant 0 : i32
    %ne3A_73 = arith.cmpi ne, %rem3A_71, %ne3A_72 : i32
    %and3A_74 = arith.andi %ne3A_70, %ne3A_73 : i1
    %sub3A_75 = arith.constant 1 : i32
    %sub3A_76 = arith.subi %div3A_55, %sub3A_75 : i32
    %select_n3A_77 = arith.select %and3A_74, %sub3A_76, %div3A_55 : i32
    %eq3A_78 = arith.constant 2 : i32
    %eq3A_79 = arith.cmpi eq, %select_n3A_77, %eq3A_78 : i32
    %convert_element_type3A_80 = arith.extui %eq3A_79 : i1 to i32
    %cond3A_81 = arith.constant 0 : i32
    %cond3A_82 = arith.cmpi ne, %convert_element_type3A_80, %cond3A_81 : i32
    scf.if %cond3A_82 {
      %sub3A_163 = arith.constant 16 : i32
      %sub3A_164 = arith.subi %add3A, %sub3A_163 : i32
      %mul3A_165 = arith.constant 128 : i32
      %mul3A_166 = arith.muli %sub3A_164, %mul3A_165 : i32
      %dma_start3A_167 = arith.constant 0 : i32
      %dma_start3A_168 = arith.constant 0 : i32
      %dma_start3A_169 = tpu.memref_slice %arg10[%dma_start3A_167, %dma_start3A_168] : memref<128x64xi32, #tpu.memory_space<vmem>> -> memref<1x64xi32, #tpu.memory_space<vmem>>
      %dma_start3A_170 = tpu.memref_squeeze %dma_start3A_169 : memref<1x64xi32, #tpu.memory_space<vmem>> -> memref<64xi32, #tpu.memory_space<vmem>>
      %dma_start3A_171 = arith.constant 0 : i32
      %dma_start3A_172 = tpu.memref_slice %dma_start3A_170[%dma_start3A_171] : memref<64xi32, #tpu.memory_space<vmem>> -> memref<50xi32, #tpu.memory_space<vmem>>
      %dma_start3A_173 = arith.constant 0 : i32
      %dma_start3A_174 = arith.constant 0 : i32
      %dma_start3A_175 = tpu.memref_slice %arg4[%dma_start3A_173, %dma_start3A_174] : memref<361x512xf32, #tpu.memory_space<hbm>> -> memref<361x512xf32, #tpu.memory_space<hbm>>
      tpu.enqueue_indirect_dma source(%dma_start3A_175 : memref<361x512xf32, #tpu.memory_space<hbm>>) target(%arg12 : memref<50x512xf32, #tpu.memory_space<vmem>>) offsets(%dma_start3A_172 : memref<50xi32, #tpu.memory_space<vmem>>) semaphore(%arg16 : memref<!tpu.dma_semaphore, #tpu.memory_space<semaphore_mem>>)
      %dma_start3A_176 = arith.constant 1 : i32
      %dma_start3A_177 = arith.constant 0 : i32
      %dma_start3A_178 = tpu.memref_slice %arg10[%dma_start3A_176, %dma_start3A_177] : memref<128x64xi32, #tpu.memory_space<vmem>> -> memref<1x64xi32, #tpu.memory_space<vmem>>
      %dma_start3A_179 = tpu.memref_squeeze %dma_start3A_178 : memref<1x64xi32, #tpu.memory_space<vmem>> -> memref<64xi32, #tpu.memory_space<vmem>>
      %dma_start3A_180 = arith.constant 0 : i32
      %dma_start3A_181 = tpu.memref_slice %dma_start3A_179[%dma_start3A_180] : memref<64xi32, #tpu.memory_space<vmem>> -> memref<50xi32, #tpu.memory_space<vmem>>
      %dma_start3A_182 = arith.constant 0 : i32
      %dma_start3A_183 = arith.constant 0 : i32
      %dma_start3A_184 = tpu.memref_slice %arg4[%dma_start3A_182, %dma_start3A_183] : memref<361x512xf32, #tpu.memory_space<hbm>> -> memref<361x512xf32, #tpu.memory_space<hbm>>
      tpu.enqueue_indirect_dma source(%dma_start3A_184 : memref<361x512xf32, #tpu.memory_space<hbm>>) target(%arg13 : memref<50x512xf32, #tpu.memory_space<vmem>>) offsets(%dma_start3A_181 : memref<50xi32, #tpu.memory_space<vmem>>) semaphore(%arg17 : memref<!tpu.dma_semaphore, #tpu.memory_space<semaphore_mem>>)
      %scan3A_185 = arith.constant 0 : i32
      %scan3A_186 = arith.constant 0 : i32
      %scan3A_187 = arith.constant 63 : i32
      %scan3A_188 = arith.addi %scan3A_186, %scan3A_187 : i32
      %scan3A_189 = arith.constant 1 : i32
      scf.for %scan3A_297 = %scan3A_186 to %scan3A_188 step %scan3A_189  : i32 {
        %mul3A_298 = arith.constant 2 : i32
        %mul3A_299 = arith.muli %mul3A_298, %scan3A_297 : i32
        %add3A_300 = arith.constant 1 : i32
        %add3A_301 = arith.addi %mul3A_299, %add3A_300 : i32
        %dma_wait3A_302 = arith.constant 0 : i32
        %dma_wait3A_303 = tpu.memref_slice %arg10[%mul3A_299, %dma_wait3A_302] : memref<128x64xi32, #tpu.memory_space<vmem>> -> memref<1x64xi32, #tpu.memory_space<vmem>>
        %dma_wait3A_304 = tpu.memref_squeeze %dma_wait3A_303 : memref<1x64xi32, #tpu.memory_space<vmem>> -> memref<64xi32, #tpu.memory_space<vmem>>
        %dma_wait3A_305 = arith.constant 0 : i32
        %dma_wait3A_306 = tpu.memref_slice %dma_wait3A_304[%dma_wait3A_305] : memref<64xi32, #tpu.memory_space<vmem>> -> memref<50xi32, #tpu.memory_space<vmem>>
        %dma_wait3A_307 = arith.constant 0 : i32
        %dma_wait3A_308 = arith.constant 0 : i32
        %dma_wait3A_309 = tpu.memref_slice %arg4[%dma_wait3A_307, %dma_wait3A_308] : memref<361x512xf32, #tpu.memory_space<hbm>> -> memref<361x512xf32, #tpu.memory_space<hbm>>
        tpu.wait_indirect_dma semaphore(%arg16 : memref<!tpu.dma_semaphore, #tpu.memory_space<semaphore_mem>>) src(%dma_wait3A_309 : memref<361x512xf32, #tpu.memory_space<hbm>>) dst(%arg12 : memref<50x512xf32, #tpu.memory_space<vmem>>)
        %add3A_310 = arith.addi %mul3A_166, %mul3A_299 : i32
        %dma_start3A_311 = arith.constant 0 : i32
        %dma_start3A_312 = arith.constant 0 : i32
        %dma_start3A_313 = tpu.memref_slice %arg12[%dma_start3A_311, %dma_start3A_312] : memref<50x512xf32, #tpu.memory_space<vmem>> -> memref<48x512xf32, #tpu.memory_space<vmem>>
        %dma_start3A_314 = arith.constant 0 : i32
        %dma_start3A_315 = arith.constant 0 : i32
        %dma_start3A_316 = tpu.memref_slice %arg7[%add3A_310, %dma_start3A_314, %dma_start3A_315] : memref<1024x50x512xf32, #tpu.memory_space<hbm>> -> memref<1x50x512xf32, #tpu.memory_space<hbm>>
        %dma_start3A_317 = tpu.memref_squeeze %dma_start3A_316 : memref<1x50x512xf32, #tpu.memory_space<hbm>> -> memref<50x512xf32, #tpu.memory_space<hbm>>
        %dma_start3A_318 = arith.constant 0 : i32
        %dma_start3A_319 = arith.constant 0 : i32
        %dma_start3A_320 = tpu.memref_slice %dma_start3A_317[%dma_start3A_318, %dma_start3A_319] : memref<50x512xf32, #tpu.memory_space<hbm>> -> memref<48x512xf32, #tpu.memory_space<hbm>>
        %dma_start3A_321 = arith.constant 0 : i32
        %dma_start3A_322 = arith.constant 0 : i32
        %dma_start3A_323 = tpu.memref_slice %arg7[%add3A_310, %dma_start3A_321, %dma_start3A_322] : memref<1024x50x512xf32, #tpu.memory_space<hbm>> -> memref<1x50x512xf32, #tpu.memory_space<hbm>>
        %dma_start3A_324 = tpu.memref_squeeze %dma_start3A_323 : memref<1x50x512xf32, #tpu.memory_space<hbm>> -> memref<50x512xf32, #tpu.memory_space<hbm>>
        %dma_start3A_325 = arith.constant 0 : i32
        %dma_start3A_326 = arith.constant 0 : i32
        %dma_start3A_327 = tpu.memref_slice %dma_start3A_324[%dma_start3A_325, %dma_start3A_326] : memref<50x512xf32, #tpu.memory_space<hbm>> -> memref<48x512xf32, #tpu.memory_space<hbm>>
        %dma_start3A_328 = arith.constant 0 : i32
        %dma_start3A_329 = arith.constant 0 : i32
        %dma_start3A_330 = tpu.memref_slice %arg12[%dma_start3A_328, %dma_start3A_329] : memref<50x512xf32, #tpu.memory_space<vmem>> -> memref<48x512xf32, #tpu.memory_space<vmem>>
        tpu.enqueue_dma source(%dma_start3A_330 : memref<48x512xf32, #tpu.memory_space<vmem>>) target(%dma_start3A_327 : memref<48x512xf32, #tpu.memory_space<hbm>>) target_semaphore(%arg18 : memref<!tpu.dma_semaphore, #tpu.memory_space<semaphore_mem>>)
        %dma_wait3A_331 = arith.constant 0 : i32
        %dma_wait3A_332 = tpu.memref_slice %arg10[%add3A_301, %dma_wait3A_331] : memref<128x64xi32, #tpu.memory_space<vmem>> -> memref<1x64xi32, #tpu.memory_space<vmem>>
        %dma_wait3A_333 = tpu.memref_squeeze %dma_wait3A_332 : memref<1x64xi32, #tpu.memory_space<vmem>> -> memref<64xi32, #tpu.memory_space<vmem>>
        %dma_wait3A_334 = arith.constant 0 : i32
        %dma_wait3A_335 = tpu.memref_slice %dma_wait3A_333[%dma_wait3A_334] : memref<64xi32, #tpu.memory_space<vmem>> -> memref<50xi32, #tpu.memory_space<vmem>>
        %dma_wait3A_336 = arith.constant 0 : i32
        %dma_wait3A_337 = arith.constant 0 : i32
        %dma_wait3A_338 = tpu.memref_slice %arg4[%dma_wait3A_336, %dma_wait3A_337] : memref<361x512xf32, #tpu.memory_space<hbm>> -> memref<361x512xf32, #tpu.memory_space<hbm>>
        tpu.wait_indirect_dma semaphore(%arg17 : memref<!tpu.dma_semaphore, #tpu.memory_space<semaphore_mem>>) src(%dma_wait3A_338 : memref<361x512xf32, #tpu.memory_space<hbm>>) dst(%arg13 : memref<50x512xf32, #tpu.memory_space<vmem>>)
        %add3A_339 = arith.addi %mul3A_166, %add3A_301 : i32
        %dma_start3A_340 = arith.constant 0 : i32
        %dma_start3A_341 = arith.constant 0 : i32
        %dma_start3A_342 = tpu.memref_slice %arg13[%dma_start3A_340, %dma_start3A_341] : memref<50x512xf32, #tpu.memory_space<vmem>> -> memref<48x512xf32, #tpu.memory_space<vmem>>
        %dma_start3A_343 = arith.constant 0 : i32
        %dma_start3A_344 = arith.constant 0 : i32
        %dma_start3A_345 = tpu.memref_slice %arg7[%add3A_339, %dma_start3A_343, %dma_start3A_344] : memref<1024x50x512xf32, #tpu.memory_space<hbm>> -> memref<1x50x512xf32, #tpu.memory_space<hbm>>
        %dma_start3A_346 = tpu.memref_squeeze %dma_start3A_345 : memref<1x50x512xf32, #tpu.memory_space<hbm>> -> memref<50x512xf32, #tpu.memory_space<hbm>>
        %dma_start3A_347 = arith.constant 0 : i32
        %dma_start3A_348 = arith.constant 0 : i32
        %dma_start3A_349 = tpu.memref_slice %dma_start3A_346[%dma_start3A_347, %dma_start3A_348] : memref<50x512xf32, #tpu.memory_space<hbm>> -> memref<48x512xf32, #tpu.memory_space<hbm>>
        %dma_start3A_350 = arith.constant 0 : i32
        %dma_start3A_351 = arith.constant 0 : i32
        %dma_start3A_352 = tpu.memref_slice %arg7[%add3A_339, %dma_start3A_350, %dma_start3A_351] : memref<1024x50x512xf32, #tpu.memory_space<hbm>> -> memref<1x50x512xf32, #tpu.memory_space<hbm>>
        %dma_start3A_353 = tpu.memref_squeeze %dma_start3A_352 : memref<1x50x512xf32, #tpu.memory_space<hbm>> -> memref<50x512xf32, #tpu.memory_space<hbm>>
        %dma_start3A_354 = arith.constant 0 : i32
        %dma_start3A_355 = arith.constant 0 : i32
        %dma_start3A_356 = tpu.memref_slice %dma_start3A_353[%dma_start3A_354, %dma_start3A_355] : memref<50x512xf32, #tpu.memory_space<hbm>> -> memref<48x512xf32, #tpu.memory_space<hbm>>
        %dma_start3A_357 = arith.constant 0 : i32
        %dma_start3A_358 = arith.constant 0 : i32
        %dma_start3A_359 = tpu.memref_slice %arg13[%dma_start3A_357, %dma_start3A_358] : memref<50x512xf32, #tpu.memory_space<vmem>> -> memref<48x512xf32, #tpu.memory_space<vmem>>
        tpu.enqueue_dma source(%dma_start3A_359 : memref<48x512xf32, #tpu.memory_space<vmem>>) target(%dma_start3A_356 : memref<48x512xf32, #tpu.memory_space<hbm>>) target_semaphore(%arg19 : memref<!tpu.dma_semaphore, #tpu.memory_space<semaphore_mem>>)
        %add3A_360 = arith.addi %mul3A_166, %mul3A_299 : i32
        %dma_wait3A_361 = arith.constant 0 : i32
        %dma_wait3A_362 = arith.constant 0 : i32
        %dma_wait3A_363 = tpu.memref_slice %arg12[%dma_wait3A_361, %dma_wait3A_362] : memref<50x512xf32, #tpu.memory_space<vmem>> -> memref<48x512xf32, #tpu.memory_space<vmem>>
        %dma_wait3A_364 = arith.constant 0 : i32
        %dma_wait3A_365 = arith.constant 0 : i32
        %dma_wait3A_366 = tpu.memref_slice %arg7[%add3A_360, %dma_wait3A_364, %dma_wait3A_365] : memref<1024x50x512xf32, #tpu.memory_space<hbm>> -> memref<1x50x512xf32, #tpu.memory_space<hbm>>
        %dma_wait3A_367 = tpu.memref_squeeze %dma_wait3A_366 : memref<1x50x512xf32, #tpu.memory_space<hbm>> -> memref<50x512xf32, #tpu.memory_space<hbm>>
        %dma_wait3A_368 = arith.constant 0 : i32
        %dma_wait3A_369 = arith.constant 0 : i32
        %dma_wait3A_370 = tpu.memref_slice %dma_wait3A_367[%dma_wait3A_368, %dma_wait3A_369] : memref<50x512xf32, #tpu.memory_space<hbm>> -> memref<48x512xf32, #tpu.memory_space<hbm>>
        %dma_wait3A_371 = arith.constant 0 : i32
        %dma_wait3A_372 = arith.constant 0 : i32
        %dma_wait3A_373 = tpu.memref_slice %arg7[%add3A_360, %dma_wait3A_371, %dma_wait3A_372] : memref<1024x50x512xf32, #tpu.memory_space<hbm>> -> memref<1x50x512xf32, #tpu.memory_space<hbm>>
        %dma_wait3A_374 = tpu.memref_squeeze %dma_wait3A_373 : memref<1x50x512xf32, #tpu.memory_space<hbm>> -> memref<50x512xf32, #tpu.memory_space<hbm>>
        %dma_wait3A_375 = arith.constant 0 : i32
        %dma_wait3A_376 = arith.constant 0 : i32
        %dma_wait3A_377 = tpu.memref_slice %dma_wait3A_374[%dma_wait3A_375, %dma_wait3A_376] : memref<50x512xf32, #tpu.memory_space<hbm>> -> memref<48x512xf32, #tpu.memory_space<hbm>>
        %dma_wait3A_378 = arith.constant 0 : i32
        %dma_wait3A_379 = arith.constant 0 : i32
        %dma_wait3A_380 = tpu.memref_slice %arg12[%dma_wait3A_378, %dma_wait3A_379] : memref<50x512xf32, #tpu.memory_space<vmem>> -> memref<48x512xf32, #tpu.memory_space<vmem>>
        tpu.wait_dma2 semaphore(%arg18 : memref<!tpu.dma_semaphore, #tpu.memory_space<semaphore_mem>>) src(%dma_wait3A_380 : memref<48x512xf32, #tpu.memory_space<vmem>>) dst(%dma_wait3A_377 : memref<48x512xf32, #tpu.memory_space<hbm>>)
        %add3A_381 = arith.constant 2 : i32
        %add3A_382 = arith.addi %mul3A_299, %add3A_381 : i32
        %dma_start3A_383 = arith.constant 0 : i32
        %dma_start3A_384 = tpu.memref_slice %arg10[%add3A_382, %dma_start3A_383] : memref<128x64xi32, #tpu.memory_space<vmem>> -> memref<1x64xi32, #tpu.memory_space<vmem>>
        %dma_start3A_385 = tpu.memref_squeeze %dma_start3A_384 : memref<1x64xi32, #tpu.memory_space<vmem>> -> memref<64xi32, #tpu.memory_space<vmem>>
        %dma_start3A_386 = arith.constant 0 : i32
        %dma_start3A_387 = tpu.memref_slice %dma_start3A_385[%dma_start3A_386] : memref<64xi32, #tpu.memory_space<vmem>> -> memref<50xi32, #tpu.memory_space<vmem>>
        %dma_start3A_388 = arith.constant 0 : i32
        %dma_start3A_389 = arith.constant 0 : i32
        %dma_start3A_390 = tpu.memref_slice %arg4[%dma_start3A_388, %dma_start3A_389] : memref<361x512xf32, #tpu.memory_space<hbm>> -> memref<361x512xf32, #tpu.memory_space<hbm>>
        tpu.enqueue_indirect_dma source(%dma_start3A_390 : memref<361x512xf32, #tpu.memory_space<hbm>>) target(%arg12 : memref<50x512xf32, #tpu.memory_space<vmem>>) offsets(%dma_start3A_387 : memref<50xi32, #tpu.memory_space<vmem>>) semaphore(%arg16 : memref<!tpu.dma_semaphore, #tpu.memory_space<semaphore_mem>>)
        %add3A_391 = arith.addi %mul3A_166, %add3A_301 : i32
        %dma_wait3A_392 = arith.constant 0 : i32
        %dma_wait3A_393 = arith.constant 0 : i32
        %dma_wait3A_394 = tpu.memref_slice %arg13[%dma_wait3A_392, %dma_wait3A_393] : memref<50x512xf32, #tpu.memory_space<vmem>> -> memref<48x512xf32, #tpu.memory_space<vmem>>
        %dma_wait3A_395 = arith.constant 0 : i32
        %dma_wait3A_396 = arith.constant 0 : i32
        %dma_wait3A_397 = tpu.memref_slice %arg7[%add3A_391, %dma_wait3A_395, %dma_wait3A_396] : memref<1024x50x512xf32, #tpu.memory_space<hbm>> -> memref<1x50x512xf32, #tpu.memory_space<hbm>>
        %dma_wait3A_398 = tpu.memref_squeeze %dma_wait3A_397 : memref<1x50x512xf32, #tpu.memory_space<hbm>> -> memref<50x512xf32, #tpu.memory_space<hbm>>
        %dma_wait3A_399 = arith.constant 0 : i32
        %dma_wait3A_400 = arith.constant 0 : i32
        %dma_wait3A_401 = tpu.memref_slice %dma_wait3A_398[%dma_wait3A_399, %dma_wait3A_400] : memref<50x512xf32, #tpu.memory_space<hbm>> -> memref<48x512xf32, #tpu.memory_space<hbm>>
        %dma_wait3A_402 = arith.constant 0 : i32
        %dma_wait3A_403 = arith.constant 0 : i32
        %dma_wait3A_404 = tpu.memref_slice %arg7[%add3A_391, %dma_wait3A_402, %dma_wait3A_403] : memref<1024x50x512xf32, #tpu.memory_space<hbm>> -> memref<1x50x512xf32, #tpu.memory_space<hbm>>
        %dma_wait3A_405 = tpu.memref_squeeze %dma_wait3A_404 : memref<1x50x512xf32, #tpu.memory_space<hbm>> -> memref<50x512xf32, #tpu.memory_space<hbm>>
        %dma_wait3A_406 = arith.constant 0 : i32
        %dma_wait3A_407 = arith.constant 0 : i32
        %dma_wait3A_408 = tpu.memref_slice %dma_wait3A_405[%dma_wait3A_406, %dma_wait3A_407] : memref<50x512xf32, #tpu.memory_space<hbm>> -> memref<48x512xf32, #tpu.memory_space<hbm>>
        %dma_wait3A_409 = arith.constant 0 : i32
        %dma_wait3A_410 = arith.constant 0 : i32
        %dma_wait3A_411 = tpu.memref_slice %arg13[%dma_wait3A_409, %dma_wait3A_410] : memref<50x512xf32, #tpu.memory_space<vmem>> -> memref<48x512xf32, #tpu.memory_space<vmem>>
        tpu.wait_dma2 semaphore(%arg19 : memref<!tpu.dma_semaphore, #tpu.memory_space<semaphore_mem>>) src(%dma_wait3A_411 : memref<48x512xf32, #tpu.memory_space<vmem>>) dst(%dma_wait3A_408 : memref<48x512xf32, #tpu.memory_space<hbm>>)
        %add3A_412 = arith.constant 2 : i32
        %add3A_413 = arith.addi %add3A_301, %add3A_412 : i32
        %dma_start3A_414 = arith.constant 0 : i32
        %dma_start3A_415 = tpu.memref_slice %arg10[%add3A_413, %dma_start3A_414] : memref<128x64xi32, #tpu.memory_space<vmem>> -> memref<1x64xi32, #tpu.memory_space<vmem>>
        %dma_start3A_416 = tpu.memref_squeeze %dma_start3A_415 : memref<1x64xi32, #tpu.memory_space<vmem>> -> memref<64xi32, #tpu.memory_space<vmem>>
        %dma_start3A_417 = arith.constant 0 : i32
        %dma_start3A_418 = tpu.memref_slice %dma_start3A_416[%dma_start3A_417] : memref<64xi32, #tpu.memory_space<vmem>> -> memref<50xi32, #tpu.memory_space<vmem>>
        %dma_start3A_419 = arith.constant 0 : i32
        %dma_start3A_420 = arith.constant 0 : i32
        %dma_start3A_421 = tpu.memref_slice %arg4[%dma_start3A_419, %dma_start3A_420] : memref<361x512xf32, #tpu.memory_space<hbm>> -> memref<361x512xf32, #tpu.memory_space<hbm>>
        tpu.enqueue_indirect_dma source(%dma_start3A_421 : memref<361x512xf32, #tpu.memory_space<hbm>>) target(%arg13 : memref<50x512xf32, #tpu.memory_space<vmem>>) offsets(%dma_start3A_418 : memref<50xi32, #tpu.memory_space<vmem>>) semaphore(%arg17 : memref<!tpu.dma_semaphore, #tpu.memory_space<semaphore_mem>>)
      }
      %scan3A_190 = arith.constant 63 : i32
      %dma_wait3A_191 = arith.constant 126 : i32
      %dma_wait3A_192 = arith.constant 0 : i32
      %dma_wait3A_193 = tpu.memref_slice %arg10[%dma_wait3A_191, %dma_wait3A_192] : memref<128x64xi32, #tpu.memory_space<vmem>> -> memref<1x64xi32, #tpu.memory_space<vmem>>
      %dma_wait3A_194 = tpu.memref_squeeze %dma_wait3A_193 : memref<1x64xi32, #tpu.memory_space<vmem>> -> memref<64xi32, #tpu.memory_space<vmem>>
      %dma_wait3A_195 = arith.constant 0 : i32
      %dma_wait3A_196 = tpu.memref_slice %dma_wait3A_194[%dma_wait3A_195] : memref<64xi32, #tpu.memory_space<vmem>> -> memref<50xi32, #tpu.memory_space<vmem>>
      %dma_wait3A_197 = arith.constant 0 : i32
      %dma_wait3A_198 = arith.constant 0 : i32
      %dma_wait3A_199 = tpu.memref_slice %arg4[%dma_wait3A_197, %dma_wait3A_198] : memref<361x512xf32, #tpu.memory_space<hbm>> -> memref<361x512xf32, #tpu.memory_space<hbm>>
      tpu.wait_indirect_dma semaphore(%arg16 : memref<!tpu.dma_semaphore, #tpu.memory_space<semaphore_mem>>) src(%dma_wait3A_199 : memref<361x512xf32, #tpu.memory_space<hbm>>) dst(%arg12 : memref<50x512xf32, #tpu.memory_space<vmem>>)
      %add3A_200 = arith.constant 126 : i32
      %add3A_201 = arith.addi %mul3A_166, %add3A_200 : i32
      %dma_start3A_202 = arith.constant 0 : i32
      %dma_start3A_203 = arith.constant 0 : i32
      %dma_start3A_204 = tpu.memref_slice %arg12[%dma_start3A_202, %dma_start3A_203] : memref<50x512xf32, #tpu.memory_space<vmem>> -> memref<48x512xf32, #tpu.memory_space<vmem>>
      %dma_start3A_205 = arith.constant 0 : i32
      %dma_start3A_206 = arith.constant 0 : i32
      %dma_start3A_207 = tpu.memref_slice %arg7[%add3A_201, %dma_start3A_205, %dma_start3A_206] : memref<1024x50x512xf32, #tpu.memory_space<hbm>> -> memref<1x50x512xf32, #tpu.memory_space<hbm>>
      %dma_start3A_208 = tpu.memref_squeeze %dma_start3A_207 : memref<1x50x512xf32, #tpu.memory_space<hbm>> -> memref<50x512xf32, #tpu.memory_space<hbm>>
      %dma_start3A_209 = arith.constant 0 : i32
      %dma_start3A_210 = arith.constant 0 : i32
      %dma_start3A_211 = tpu.memref_slice %dma_start3A_208[%dma_start3A_209, %dma_start3A_210] : memref<50x512xf32, #tpu.memory_space<hbm>> -> memref<48x512xf32, #tpu.memory_space<hbm>>
      %dma_start3A_212 = arith.constant 0 : i32
      %dma_start3A_213 = arith.constant 0 : i32
      %dma_start3A_214 = tpu.memref_slice %arg7[%add3A_201, %dma_start3A_212, %dma_start3A_213] : memref<1024x50x512xf32, #tpu.memory_space<hbm>> -> memref<1x50x512xf32, #tpu.memory_space<hbm>>
      %dma_start3A_215 = tpu.memref_squeeze %dma_start3A_214 : memref<1x50x512xf32, #tpu.memory_space<hbm>> -> memref<50x512xf32, #tpu.memory_space<hbm>>
      %dma_start3A_216 = arith.constant 0 : i32
      %dma_start3A_217 = arith.constant 0 : i32
      %dma_start3A_218 = tpu.memref_slice %dma_start3A_215[%dma_start3A_216, %dma_start3A_217] : memref<50x512xf32, #tpu.memory_space<hbm>> -> memref<48x512xf32, #tpu.memory_space<hbm>>
      %dma_start3A_219 = arith.constant 0 : i32
      %dma_start3A_220 = arith.constant 0 : i32
      %dma_start3A_221 = tpu.memref_slice %arg12[%dma_start3A_219, %dma_start3A_220] : memref<50x512xf32, #tpu.memory_space<vmem>> -> memref<48x512xf32, #tpu.memory_space<vmem>>
      tpu.enqueue_dma source(%dma_start3A_221 : memref<48x512xf32, #tpu.memory_space<vmem>>) target(%dma_start3A_218 : memref<48x512xf32, #tpu.memory_space<hbm>>) target_semaphore(%arg18 : memref<!tpu.dma_semaphore, #tpu.memory_space<semaphore_mem>>)
      %dma_wait3A_222 = arith.constant 127 : i32
      %dma_wait3A_223 = arith.constant 0 : i32
      %dma_wait3A_224 = tpu.memref_slice %arg10[%dma_wait3A_222, %dma_wait3A_223] : memref<128x64xi32, #tpu.memory_space<vmem>> -> memref<1x64xi32, #tpu.memory_space<vmem>>
      %dma_wait3A_225 = tpu.memref_squeeze %dma_wait3A_224 : memref<1x64xi32, #tpu.memory_space<vmem>> -> memref<64xi32, #tpu.memory_space<vmem>>
      %dma_wait3A_226 = arith.constant 0 : i32
      %dma_wait3A_227 = tpu.memref_slice %dma_wait3A_225[%dma_wait3A_226] : memref<64xi32, #tpu.memory_space<vmem>> -> memref<50xi32, #tpu.memory_space<vmem>>
      %dma_wait3A_228 = arith.constant 0 : i32
      %dma_wait3A_229 = arith.constant 0 : i32
      %dma_wait3A_230 = tpu.memref_slice %arg4[%dma_wait3A_228, %dma_wait3A_229] : memref<361x512xf32, #tpu.memory_space<hbm>> -> memref<361x512xf32, #tpu.memory_space<hbm>>
      tpu.wait_indirect_dma semaphore(%arg17 : memref<!tpu.dma_semaphore, #tpu.memory_space<semaphore_mem>>) src(%dma_wait3A_230 : memref<361x512xf32, #tpu.memory_space<hbm>>) dst(%arg13 : memref<50x512xf32, #tpu.memory_space<vmem>>)
      %add3A_231 = arith.constant 127 : i32
      %add3A_232 = arith.addi %mul3A_166, %add3A_231 : i32
      %dma_start3A_233 = arith.constant 0 : i32
      %dma_start3A_234 = arith.constant 0 : i32
      %dma_start3A_235 = tpu.memref_slice %arg13[%dma_start3A_233, %dma_start3A_234] : memref<50x512xf32, #tpu.memory_space<vmem>> -> memref<48x512xf32, #tpu.memory_space<vmem>>
      %dma_start3A_236 = arith.constant 0 : i32
      %dma_start3A_237 = arith.constant 0 : i32
      %dma_start3A_238 = tpu.memref_slice %arg7[%add3A_232, %dma_start3A_236, %dma_start3A_237] : memref<1024x50x512xf32, #tpu.memory_space<hbm>> -> memref<1x50x512xf32, #tpu.memory_space<hbm>>
      %dma_start3A_239 = tpu.memref_squeeze %dma_start3A_238 : memref<1x50x512xf32, #tpu.memory_space<hbm>> -> memref<50x512xf32, #tpu.memory_space<hbm>>
      %dma_start3A_240 = arith.constant 0 : i32
      %dma_start3A_241 = arith.constant 0 : i32
      %dma_start3A_242 = tpu.memref_slice %dma_start3A_239[%dma_start3A_240, %dma_start3A_241] : memref<50x512xf32, #tpu.memory_space<hbm>> -> memref<48x512xf32, #tpu.memory_space<hbm>>
      %dma_start3A_243 = arith.constant 0 : i32
      %dma_start3A_244 = arith.constant 0 : i32
      %dma_start3A_245 = tpu.memref_slice %arg7[%add3A_232, %dma_start3A_243, %dma_start3A_244] : memref<1024x50x512xf32, #tpu.memory_space<hbm>> -> memref<1x50x512xf32, #tpu.memory_space<hbm>>
      %dma_start3A_246 = tpu.memref_squeeze %dma_start3A_245 : memref<1x50x512xf32, #tpu.memory_space<hbm>> -> memref<50x512xf32, #tpu.memory_space<hbm>>
      %dma_start3A_247 = arith.constant 0 : i32
      %dma_start3A_248 = arith.constant 0 : i32
      %dma_start3A_249 = tpu.memref_slice %dma_start3A_246[%dma_start3A_247, %dma_start3A_248] : memref<50x512xf32, #tpu.memory_space<hbm>> -> memref<48x512xf32, #tpu.memory_space<hbm>>
      %dma_start3A_250 = arith.constant 0 : i32
      %dma_start3A_251 = arith.constant 0 : i32
      %dma_start3A_252 = tpu.memref_slice %arg13[%dma_start3A_250, %dma_start3A_251] : memref<50x512xf32, #tpu.memory_space<vmem>> -> memref<48x512xf32, #tpu.memory_space<vmem>>
      tpu.enqueue_dma source(%dma_start3A_252 : memref<48x512xf32, #tpu.memory_space<vmem>>) target(%dma_start3A_249 : memref<48x512xf32, #tpu.memory_space<hbm>>) target_semaphore(%arg19 : memref<!tpu.dma_semaphore, #tpu.memory_space<semaphore_mem>>)
      %add3A_253 = arith.constant 126 : i32
      %add3A_254 = arith.addi %mul3A_166, %add3A_253 : i32
      %dma_wait3A_255 = arith.constant 0 : i32
      %dma_wait3A_256 = arith.constant 0 : i32
      %dma_wait3A_257 = tpu.memref_slice %arg12[%dma_wait3A_255, %dma_wait3A_256] : memref<50x512xf32, #tpu.memory_space<vmem>> -> memref<48x512xf32, #tpu.memory_space<vmem>>
      %dma_wait3A_258 = arith.constant 0 : i32
      %dma_wait3A_259 = arith.constant 0 : i32
      %dma_wait3A_260 = tpu.memref_slice %arg7[%add3A_254, %dma_wait3A_258, %dma_wait3A_259] : memref<1024x50x512xf32, #tpu.memory_space<hbm>> -> memref<1x50x512xf32, #tpu.memory_space<hbm>>
      %dma_wait3A_261 = tpu.memref_squeeze %dma_wait3A_260 : memref<1x50x512xf32, #tpu.memory_space<hbm>> -> memref<50x512xf32, #tpu.memory_space<hbm>>
      %dma_wait3A_262 = arith.constant 0 : i32
      %dma_wait3A_263 = arith.constant 0 : i32
      %dma_wait3A_264 = tpu.memref_slice %dma_wait3A_261[%dma_wait3A_262, %dma_wait3A_263] : memref<50x512xf32, #tpu.memory_space<hbm>> -> memref<48x512xf32, #tpu.memory_space<hbm>>
      %dma_wait3A_265 = arith.constant 0 : i32
      %dma_wait3A_266 = arith.constant 0 : i32
      %dma_wait3A_267 = tpu.memref_slice %arg7[%add3A_254, %dma_wait3A_265, %dma_wait3A_266] : memref<1024x50x512xf32, #tpu.memory_space<hbm>> -> memref<1x50x512xf32, #tpu.memory_space<hbm>>
      %dma_wait3A_268 = tpu.memref_squeeze %dma_wait3A_267 : memref<1x50x512xf32, #tpu.memory_space<hbm>> -> memref<50x512xf32, #tpu.memory_space<hbm>>
      %dma_wait3A_269 = arith.constant 0 : i32
      %dma_wait3A_270 = arith.constant 0 : i32
      %dma_wait3A_271 = tpu.memref_slice %dma_wait3A_268[%dma_wait3A_269, %dma_wait3A_270] : memref<50x512xf32, #tpu.memory_space<hbm>> -> memref<48x512xf32, #tpu.memory_space<hbm>>
      %dma_wait3A_272 = arith.constant 0 : i32
      %dma_wait3A_273 = arith.constant 0 : i32
      %dma_wait3A_274 = tpu.memref_slice %arg12[%dma_wait3A_272, %dma_wait3A_273] : memref<50x512xf32, #tpu.memory_space<vmem>> -> memref<48x512xf32, #tpu.memory_space<vmem>>
      tpu.wait_dma2 semaphore(%arg18 : memref<!tpu.dma_semaphore, #tpu.memory_space<semaphore_mem>>) src(%dma_wait3A_274 : memref<48x512xf32, #tpu.memory_space<vmem>>) dst(%dma_wait3A_271 : memref<48x512xf32, #tpu.memory_space<hbm>>)
      %add3A_275 = arith.constant 127 : i32
      %add3A_276 = arith.addi %mul3A_166, %add3A_275 : i32
      %dma_wait3A_277 = arith.constant 0 : i32
      %dma_wait3A_278 = arith.constant 0 : i32
      %dma_wait3A_279 = tpu.memref_slice %arg13[%dma_wait3A_277, %dma_wait3A_278] : memref<50x512xf32, #tpu.memory_space<vmem>> -> memref<48x512xf32, #tpu.memory_space<vmem>>
      %dma_wait3A_280 = arith.constant 0 : i32
      %dma_wait3A_281 = arith.constant 0 : i32
      %dma_wait3A_282 = tpu.memref_slice %arg7[%add3A_276, %dma_wait3A_280, %dma_wait3A_281] : memref<1024x50x512xf32, #tpu.memory_space<hbm>> -> memref<1x50x512xf32, #tpu.memory_space<hbm>>
      %dma_wait3A_283 = tpu.memref_squeeze %dma_wait3A_282 : memref<1x50x512xf32, #tpu.memory_space<hbm>> -> memref<50x512xf32, #tpu.memory_space<hbm>>
      %dma_wait3A_284 = arith.constant 0 : i32
      %dma_wait3A_285 = arith.constant 0 : i32
      %dma_wait3A_286 = tpu.memref_slice %dma_wait3A_283[%dma_wait3A_284, %dma_wait3A_285] : memref<50x512xf32, #tpu.memory_space<hbm>> -> memref<48x512xf32, #tpu.memory_space<hbm>>
      %dma_wait3A_287 = arith.constant 0 : i32
      %dma_wait3A_288 = arith.constant 0 : i32
      %dma_wait3A_289 = tpu.memref_slice %arg7[%add3A_276, %dma_wait3A_287, %dma_wait3A_288] : memref<1024x50x512xf32, #tpu.memory_space<hbm>> -> memref<1x50x512xf32, #tpu.memory_space<hbm>>
      %dma_wait3A_290 = tpu.memref_squeeze %dma_wait3A_289 : memref<1x50x512xf32, #tpu.memory_space<hbm>> -> memref<50x512xf32, #tpu.memory_space<hbm>>
      %dma_wait3A_291 = arith.constant 0 : i32
      %dma_wait3A_292 = arith.constant 0 : i32
      %dma_wait3A_293 = tpu.memref_slice %dma_wait3A_290[%dma_wait3A_291, %dma_wait3A_292] : memref<50x512xf32, #tpu.memory_space<hbm>> -> memref<48x512xf32, #tpu.memory_space<hbm>>
      %dma_wait3A_294 = arith.constant 0 : i32
      %dma_wait3A_295 = arith.constant 0 : i32
      %dma_wait3A_296 = tpu.memref_slice %arg13[%dma_wait3A_294, %dma_wait3A_295] : memref<50x512xf32, #tpu.memory_space<vmem>> -> memref<48x512xf32, #tpu.memory_space<vmem>>
      tpu.wait_dma2 semaphore(%arg19 : memref<!tpu.dma_semaphore, #tpu.memory_space<semaphore_mem>>) src(%dma_wait3A_296 : memref<48x512xf32, #tpu.memory_space<vmem>>) dst(%dma_wait3A_293 : memref<48x512xf32, #tpu.memory_space<hbm>>)
    } else {
    }
    %jit3A_83 = arith.constant 8 : i32
    %div3A_84 = arith.divsi %add3A, %jit3A_83 : i32
    %sign3A_85 = arith.constant 0 : i32
    %sign3A_86 = arith.cmpi sgt, %add3A, %sign3A_85 : i32
    %sign3A_87 = arith.extui %sign3A_86 : i1 to i32
    %sign3A_88 = arith.constant 0 : i32
    %sign3A_89 = arith.cmpi slt, %add3A, %sign3A_88 : i32
    %sign3A_90 = arith.extui %sign3A_89 : i1 to i32
    %sign3A_91 = arith.subi %sign3A_87, %sign3A_90 : i32
    %sign3A_92 = arith.constant 0 : i32
    %sign3A_93 = arith.cmpi sgt, %jit3A_83, %sign3A_92 : i32
    %sign3A_94 = arith.extui %sign3A_93 : i1 to i32
    %sign3A_95 = arith.constant 0 : i32
    %sign3A_96 = arith.cmpi slt, %jit3A_83, %sign3A_95 : i32
    %sign3A_97 = arith.extui %sign3A_96 : i1 to i32
    %sign3A_98 = arith.subi %sign3A_94, %sign3A_97 : i32
    %ne3A_99 = arith.cmpi ne, %sign3A_91, %sign3A_98 : i32
    %rem3A_100 = arith.remsi %add3A, %jit3A_83 : i32
    %ne3A_101 = arith.constant 0 : i32
    %ne3A_102 = arith.cmpi ne, %rem3A_100, %ne3A_101 : i32
    %and3A_103 = arith.andi %ne3A_99, %ne3A_102 : i1
    %sub3A_104 = arith.constant 1 : i32
    %sub3A_105 = arith.subi %div3A_84, %sub3A_104 : i32
    %select_n3A_106 = arith.select %and3A_103, %sub3A_105, %div3A_84 : i32
    %eq3A_107 = arith.constant 3 : i32
    %eq3A_108 = arith.cmpi eq, %select_n3A_106, %eq3A_107 : i32
    %convert_element_type3A_109 = arith.extui %eq3A_108 : i1 to i32
    %cond3A_110 = arith.constant 0 : i32
    %cond3A_111 = arith.cmpi ne, %convert_element_type3A_109, %cond3A_110 : i32
    scf.if %cond3A_111 {
      %sub3A_163 = arith.constant 24 : i32
      %sub3A_164 = arith.subi %add3A, %sub3A_163 : i32
      %mul3A_165 = arith.constant 128 : i32
      %mul3A_166 = arith.muli %sub3A_164, %mul3A_165 : i32
      %dma_start3A_167 = arith.constant 0 : i32
      %dma_start3A_168 = arith.constant 0 : i32
      %dma_start3A_169 = tpu.memref_slice %arg10[%dma_start3A_167, %dma_start3A_168] : memref<128x64xi32, #tpu.memory_space<vmem>> -> memref<1x64xi32, #tpu.memory_space<vmem>>
      %dma_start3A_170 = tpu.memref_squeeze %dma_start3A_169 : memref<1x64xi32, #tpu.memory_space<vmem>> -> memref<64xi32, #tpu.memory_space<vmem>>
      %dma_start3A_171 = arith.constant 0 : i32
      %dma_start3A_172 = tpu.memref_slice %dma_start3A_170[%dma_start3A_171] : memref<64xi32, #tpu.memory_space<vmem>> -> memref<50xi32, #tpu.memory_space<vmem>>
      %dma_start3A_173 = arith.constant 0 : i32
      %dma_start3A_174 = arith.constant 0 : i32
      %dma_start3A_175 = tpu.memref_slice %arg4[%dma_start3A_173, %dma_start3A_174] : memref<361x512xf32, #tpu.memory_space<hbm>> -> memref<361x512xf32, #tpu.memory_space<hbm>>
      tpu.enqueue_indirect_dma source(%dma_start3A_175 : memref<361x512xf32, #tpu.memory_space<hbm>>) target(%arg12 : memref<50x512xf32, #tpu.memory_space<vmem>>) offsets(%dma_start3A_172 : memref<50xi32, #tpu.memory_space<vmem>>) semaphore(%arg16 : memref<!tpu.dma_semaphore, #tpu.memory_space<semaphore_mem>>)
      %dma_start3A_176 = arith.constant 1 : i32
      %dma_start3A_177 = arith.constant 0 : i32
      %dma_start3A_178 = tpu.memref_slice %arg10[%dma_start3A_176, %dma_start3A_177] : memref<128x64xi32, #tpu.memory_space<vmem>> -> memref<1x64xi32, #tpu.memory_space<vmem>>
      %dma_start3A_179 = tpu.memref_squeeze %dma_start3A_178 : memref<1x64xi32, #tpu.memory_space<vmem>> -> memref<64xi32, #tpu.memory_space<vmem>>
      %dma_start3A_180 = arith.constant 0 : i32
      %dma_start3A_181 = tpu.memref_slice %dma_start3A_179[%dma_start3A_180] : memref<64xi32, #tpu.memory_space<vmem>> -> memref<50xi32, #tpu.memory_space<vmem>>
      %dma_start3A_182 = arith.constant 0 : i32
      %dma_start3A_183 = arith.constant 0 : i32
      %dma_start3A_184 = tpu.memref_slice %arg4[%dma_start3A_182, %dma_start3A_183] : memref<361x512xf32, #tpu.memory_space<hbm>> -> memref<361x512xf32, #tpu.memory_space<hbm>>
      tpu.enqueue_indirect_dma source(%dma_start3A_184 : memref<361x512xf32, #tpu.memory_space<hbm>>) target(%arg13 : memref<50x512xf32, #tpu.memory_space<vmem>>) offsets(%dma_start3A_181 : memref<50xi32, #tpu.memory_space<vmem>>) semaphore(%arg17 : memref<!tpu.dma_semaphore, #tpu.memory_space<semaphore_mem>>)
      %scan3A_185 = arith.constant 0 : i32
      %scan3A_186 = arith.constant 0 : i32
      %scan3A_187 = arith.constant 63 : i32
      %scan3A_188 = arith.addi %scan3A_186, %scan3A_187 : i32
      %scan3A_189 = arith.constant 1 : i32
      scf.for %scan3A_297 = %scan3A_186 to %scan3A_188 step %scan3A_189  : i32 {
        %mul3A_298 = arith.constant 2 : i32
        %mul3A_299 = arith.muli %mul3A_298, %scan3A_297 : i32
        %add3A_300 = arith.constant 1 : i32
        %add3A_301 = arith.addi %mul3A_299, %add3A_300 : i32
        %dma_wait3A_302 = arith.constant 0 : i32
        %dma_wait3A_303 = tpu.memref_slice %arg10[%mul3A_299, %dma_wait3A_302] : memref<128x64xi32, #tpu.memory_space<vmem>> -> memref<1x64xi32, #tpu.memory_space<vmem>>
        %dma_wait3A_304 = tpu.memref_squeeze %dma_wait3A_303 : memref<1x64xi32, #tpu.memory_space<vmem>> -> memref<64xi32, #tpu.memory_space<vmem>>
        %dma_wait3A_305 = arith.constant 0 : i32
        %dma_wait3A_306 = tpu.memref_slice %dma_wait3A_304[%dma_wait3A_305] : memref<64xi32, #tpu.memory_space<vmem>> -> memref<50xi32, #tpu.memory_space<vmem>>
        %dma_wait3A_307 = arith.constant 0 : i32
        %dma_wait3A_308 = arith.constant 0 : i32
        %dma_wait3A_309 = tpu.memref_slice %arg4[%dma_wait3A_307, %dma_wait3A_308] : memref<361x512xf32, #tpu.memory_space<hbm>> -> memref<361x512xf32, #tpu.memory_space<hbm>>
        tpu.wait_indirect_dma semaphore(%arg16 : memref<!tpu.dma_semaphore, #tpu.memory_space<semaphore_mem>>) src(%dma_wait3A_309 : memref<361x512xf32, #tpu.memory_space<hbm>>) dst(%arg12 : memref<50x512xf32, #tpu.memory_space<vmem>>)
        %add3A_310 = arith.addi %mul3A_166, %mul3A_299 : i32
        %dma_start3A_311 = arith.constant 0 : i32
        %dma_start3A_312 = arith.constant 0 : i32
        %dma_start3A_313 = tpu.memref_slice %arg12[%dma_start3A_311, %dma_start3A_312] : memref<50x512xf32, #tpu.memory_space<vmem>> -> memref<48x512xf32, #tpu.memory_space<vmem>>
        %dma_start3A_314 = arith.constant 0 : i32
        %dma_start3A_315 = arith.constant 0 : i32
        %dma_start3A_316 = tpu.memref_slice %arg8[%add3A_310, %dma_start3A_314, %dma_start3A_315] : memref<1024x50x512xf32, #tpu.memory_space<hbm>> -> memref<1x50x512xf32, #tpu.memory_space<hbm>>
        %dma_start3A_317 = tpu.memref_squeeze %dma_start3A_316 : memref<1x50x512xf32, #tpu.memory_space<hbm>> -> memref<50x512xf32, #tpu.memory_space<hbm>>
        %dma_start3A_318 = arith.constant 0 : i32
        %dma_start3A_319 = arith.constant 0 : i32
        %dma_start3A_320 = tpu.memref_slice %dma_start3A_317[%dma_start3A_318, %dma_start3A_319] : memref<50x512xf32, #tpu.memory_space<hbm>> -> memref<48x512xf32, #tpu.memory_space<hbm>>
        %dma_start3A_321 = arith.constant 0 : i32
        %dma_start3A_322 = arith.constant 0 : i32
        %dma_start3A_323 = tpu.memref_slice %arg8[%add3A_310, %dma_start3A_321, %dma_start3A_322] : memref<1024x50x512xf32, #tpu.memory_space<hbm>> -> memref<1x50x512xf32, #tpu.memory_space<hbm>>
        %dma_start3A_324 = tpu.memref_squeeze %dma_start3A_323 : memref<1x50x512xf32, #tpu.memory_space<hbm>> -> memref<50x512xf32, #tpu.memory_space<hbm>>
        %dma_start3A_325 = arith.constant 0 : i32
        %dma_start3A_326 = arith.constant 0 : i32
        %dma_start3A_327 = tpu.memref_slice %dma_start3A_324[%dma_start3A_325, %dma_start3A_326] : memref<50x512xf32, #tpu.memory_space<hbm>> -> memref<48x512xf32, #tpu.memory_space<hbm>>
        %dma_start3A_328 = arith.constant 0 : i32
        %dma_start3A_329 = arith.constant 0 : i32
        %dma_start3A_330 = tpu.memref_slice %arg12[%dma_start3A_328, %dma_start3A_329] : memref<50x512xf32, #tpu.memory_space<vmem>> -> memref<48x512xf32, #tpu.memory_space<vmem>>
        tpu.enqueue_dma source(%dma_start3A_330 : memref<48x512xf32, #tpu.memory_space<vmem>>) target(%dma_start3A_327 : memref<48x512xf32, #tpu.memory_space<hbm>>) target_semaphore(%arg18 : memref<!tpu.dma_semaphore, #tpu.memory_space<semaphore_mem>>)
        %dma_wait3A_331 = arith.constant 0 : i32
        %dma_wait3A_332 = tpu.memref_slice %arg10[%add3A_301, %dma_wait3A_331] : memref<128x64xi32, #tpu.memory_space<vmem>> -> memref<1x64xi32, #tpu.memory_space<vmem>>
        %dma_wait3A_333 = tpu.memref_squeeze %dma_wait3A_332 : memref<1x64xi32, #tpu.memory_space<vmem>> -> memref<64xi32, #tpu.memory_space<vmem>>
        %dma_wait3A_334 = arith.constant 0 : i32
        %dma_wait3A_335 = tpu.memref_slice %dma_wait3A_333[%dma_wait3A_334] : memref<64xi32, #tpu.memory_space<vmem>> -> memref<50xi32, #tpu.memory_space<vmem>>
        %dma_wait3A_336 = arith.constant 0 : i32
        %dma_wait3A_337 = arith.constant 0 : i32
        %dma_wait3A_338 = tpu.memref_slice %arg4[%dma_wait3A_336, %dma_wait3A_337] : memref<361x512xf32, #tpu.memory_space<hbm>> -> memref<361x512xf32, #tpu.memory_space<hbm>>
        tpu.wait_indirect_dma semaphore(%arg17 : memref<!tpu.dma_semaphore, #tpu.memory_space<semaphore_mem>>) src(%dma_wait3A_338 : memref<361x512xf32, #tpu.memory_space<hbm>>) dst(%arg13 : memref<50x512xf32, #tpu.memory_space<vmem>>)
        %add3A_339 = arith.addi %mul3A_166, %add3A_301 : i32
        %dma_start3A_340 = arith.constant 0 : i32
        %dma_start3A_341 = arith.constant 0 : i32
        %dma_start3A_342 = tpu.memref_slice %arg13[%dma_start3A_340, %dma_start3A_341] : memref<50x512xf32, #tpu.memory_space<vmem>> -> memref<48x512xf32, #tpu.memory_space<vmem>>
        %dma_start3A_343 = arith.constant 0 : i32
        %dma_start3A_344 = arith.constant 0 : i32
        %dma_start3A_345 = tpu.memref_slice %arg8[%add3A_339, %dma_start3A_343, %dma_start3A_344] : memref<1024x50x512xf32, #tpu.memory_space<hbm>> -> memref<1x50x512xf32, #tpu.memory_space<hbm>>
        %dma_start3A_346 = tpu.memref_squeeze %dma_start3A_345 : memref<1x50x512xf32, #tpu.memory_space<hbm>> -> memref<50x512xf32, #tpu.memory_space<hbm>>
        %dma_start3A_347 = arith.constant 0 : i32
        %dma_start3A_348 = arith.constant 0 : i32
        %dma_start3A_349 = tpu.memref_slice %dma_start3A_346[%dma_start3A_347, %dma_start3A_348] : memref<50x512xf32, #tpu.memory_space<hbm>> -> memref<48x512xf32, #tpu.memory_space<hbm>>
        %dma_start3A_350 = arith.constant 0 : i32
        %dma_start3A_351 = arith.constant 0 : i32
        %dma_start3A_352 = tpu.memref_slice %arg8[%add3A_339, %dma_start3A_350, %dma_start3A_351] : memref<1024x50x512xf32, #tpu.memory_space<hbm>> -> memref<1x50x512xf32, #tpu.memory_space<hbm>>
        %dma_start3A_353 = tpu.memref_squeeze %dma_start3A_352 : memref<1x50x512xf32, #tpu.memory_space<hbm>> -> memref<50x512xf32, #tpu.memory_space<hbm>>
        %dma_start3A_354 = arith.constant 0 : i32
        %dma_start3A_355 = arith.constant 0 : i32
        %dma_start3A_356 = tpu.memref_slice %dma_start3A_353[%dma_start3A_354, %dma_start3A_355] : memref<50x512xf32, #tpu.memory_space<hbm>> -> memref<48x512xf32, #tpu.memory_space<hbm>>
        %dma_start3A_357 = arith.constant 0 : i32
        %dma_start3A_358 = arith.constant 0 : i32
        %dma_start3A_359 = tpu.memref_slice %arg13[%dma_start3A_357, %dma_start3A_358] : memref<50x512xf32, #tpu.memory_space<vmem>> -> memref<48x512xf32, #tpu.memory_space<vmem>>
        tpu.enqueue_dma source(%dma_start3A_359 : memref<48x512xf32, #tpu.memory_space<vmem>>) target(%dma_start3A_356 : memref<48x512xf32, #tpu.memory_space<hbm>>) target_semaphore(%arg19 : memref<!tpu.dma_semaphore, #tpu.memory_space<semaphore_mem>>)
        %add3A_360 = arith.addi %mul3A_166, %mul3A_299 : i32
        %dma_wait3A_361 = arith.constant 0 : i32
        %dma_wait3A_362 = arith.constant 0 : i32
        %dma_wait3A_363 = tpu.memref_slice %arg12[%dma_wait3A_361, %dma_wait3A_362] : memref<50x512xf32, #tpu.memory_space<vmem>> -> memref<48x512xf32, #tpu.memory_space<vmem>>
        %dma_wait3A_364 = arith.constant 0 : i32
        %dma_wait3A_365 = arith.constant 0 : i32
        %dma_wait3A_366 = tpu.memref_slice %arg8[%add3A_360, %dma_wait3A_364, %dma_wait3A_365] : memref<1024x50x512xf32, #tpu.memory_space<hbm>> -> memref<1x50x512xf32, #tpu.memory_space<hbm>>
        %dma_wait3A_367 = tpu.memref_squeeze %dma_wait3A_366 : memref<1x50x512xf32, #tpu.memory_space<hbm>> -> memref<50x512xf32, #tpu.memory_space<hbm>>
        %dma_wait3A_368 = arith.constant 0 : i32
        %dma_wait3A_369 = arith.constant 0 : i32
        %dma_wait3A_370 = tpu.memref_slice %dma_wait3A_367[%dma_wait3A_368, %dma_wait3A_369] : memref<50x512xf32, #tpu.memory_space<hbm>> -> memref<48x512xf32, #tpu.memory_space<hbm>>
        %dma_wait3A_371 = arith.constant 0 : i32
        %dma_wait3A_372 = arith.constant 0 : i32
        %dma_wait3A_373 = tpu.memref_slice %arg8[%add3A_360, %dma_wait3A_371, %dma_wait3A_372] : memref<1024x50x512xf32, #tpu.memory_space<hbm>> -> memref<1x50x512xf32, #tpu.memory_space<hbm>>
        %dma_wait3A_374 = tpu.memref_squeeze %dma_wait3A_373 : memref<1x50x512xf32, #tpu.memory_space<hbm>> -> memref<50x512xf32, #tpu.memory_space<hbm>>
        %dma_wait3A_375 = arith.constant 0 : i32
        %dma_wait3A_376 = arith.constant 0 : i32
        %dma_wait3A_377 = tpu.memref_slice %dma_wait3A_374[%dma_wait3A_375, %dma_wait3A_376] : memref<50x512xf32, #tpu.memory_space<hbm>> -> memref<48x512xf32, #tpu.memory_space<hbm>>
        %dma_wait3A_378 = arith.constant 0 : i32
        %dma_wait3A_379 = arith.constant 0 : i32
        %dma_wait3A_380 = tpu.memref_slice %arg12[%dma_wait3A_378, %dma_wait3A_379] : memref<50x512xf32, #tpu.memory_space<vmem>> -> memref<48x512xf32, #tpu.memory_space<vmem>>
        tpu.wait_dma2 semaphore(%arg18 : memref<!tpu.dma_semaphore, #tpu.memory_space<semaphore_mem>>) src(%dma_wait3A_380 : memref<48x512xf32, #tpu.memory_space<vmem>>) dst(%dma_wait3A_377 : memref<48x512xf32, #tpu.memory_space<hbm>>)
        %add3A_381 = arith.constant 2 : i32
        %add3A_382 = arith.addi %mul3A_299, %add3A_381 : i32
        %dma_start3A_383 = arith.constant 0 : i32
        %dma_start3A_384 = tpu.memref_slice %arg10[%add3A_382, %dma_start3A_383] : memref<128x64xi32, #tpu.memory_space<vmem>> -> memref<1x64xi32, #tpu.memory_space<vmem>>
        %dma_start3A_385 = tpu.memref_squeeze %dma_start3A_384 : memref<1x64xi32, #tpu.memory_space<vmem>> -> memref<64xi32, #tpu.memory_space<vmem>>
        %dma_start3A_386 = arith.constant 0 : i32
        %dma_start3A_387 = tpu.memref_slice %dma_start3A_385[%dma_start3A_386] : memref<64xi32, #tpu.memory_space<vmem>> -> memref<50xi32, #tpu.memory_space<vmem>>
        %dma_start3A_388 = arith.constant 0 : i32
        %dma_start3A_389 = arith.constant 0 : i32
        %dma_start3A_390 = tpu.memref_slice %arg4[%dma_start3A_388, %dma_start3A_389] : memref<361x512xf32, #tpu.memory_space<hbm>> -> memref<361x512xf32, #tpu.memory_space<hbm>>
        tpu.enqueue_indirect_dma source(%dma_start3A_390 : memref<361x512xf32, #tpu.memory_space<hbm>>) target(%arg12 : memref<50x512xf32, #tpu.memory_space<vmem>>) offsets(%dma_start3A_387 : memref<50xi32, #tpu.memory_space<vmem>>) semaphore(%arg16 : memref<!tpu.dma_semaphore, #tpu.memory_space<semaphore_mem>>)
        %add3A_391 = arith.addi %mul3A_166, %add3A_301 : i32
        %dma_wait3A_392 = arith.constant 0 : i32
        %dma_wait3A_393 = arith.constant 0 : i32
        %dma_wait3A_394 = tpu.memref_slice %arg13[%dma_wait3A_392, %dma_wait3A_393] : memref<50x512xf32, #tpu.memory_space<vmem>> -> memref<48x512xf32, #tpu.memory_space<vmem>>
        %dma_wait3A_395 = arith.constant 0 : i32
        %dma_wait3A_396 = arith.constant 0 : i32
        %dma_wait3A_397 = tpu.memref_slice %arg8[%add3A_391, %dma_wait3A_395, %dma_wait3A_396] : memref<1024x50x512xf32, #tpu.memory_space<hbm>> -> memref<1x50x512xf32, #tpu.memory_space<hbm>>
        %dma_wait3A_398 = tpu.memref_squeeze %dma_wait3A_397 : memref<1x50x512xf32, #tpu.memory_space<hbm>> -> memref<50x512xf32, #tpu.memory_space<hbm>>
        %dma_wait3A_399 = arith.constant 0 : i32
        %dma_wait3A_400 = arith.constant 0 : i32
        %dma_wait3A_401 = tpu.memref_slice %dma_wait3A_398[%dma_wait3A_399, %dma_wait3A_400] : memref<50x512xf32, #tpu.memory_space<hbm>> -> memref<48x512xf32, #tpu.memory_space<hbm>>
        %dma_wait3A_402 = arith.constant 0 : i32
        %dma_wait3A_403 = arith.constant 0 : i32
        %dma_wait3A_404 = tpu.memref_slice %arg8[%add3A_391, %dma_wait3A_402, %dma_wait3A_403] : memref<1024x50x512xf32, #tpu.memory_space<hbm>> -> memref<1x50x512xf32, #tpu.memory_space<hbm>>
        %dma_wait3A_405 = tpu.memref_squeeze %dma_wait3A_404 : memref<1x50x512xf32, #tpu.memory_space<hbm>> -> memref<50x512xf32, #tpu.memory_space<hbm>>
        %dma_wait3A_406 = arith.constant 0 : i32
        %dma_wait3A_407 = arith.constant 0 : i32
        %dma_wait3A_408 = tpu.memref_slice %dma_wait3A_405[%dma_wait3A_406, %dma_wait3A_407] : memref<50x512xf32, #tpu.memory_space<hbm>> -> memref<48x512xf32, #tpu.memory_space<hbm>>
        %dma_wait3A_409 = arith.constant 0 : i32
        %dma_wait3A_410 = arith.constant 0 : i32
        %dma_wait3A_411 = tpu.memref_slice %arg13[%dma_wait3A_409, %dma_wait3A_410] : memref<50x512xf32, #tpu.memory_space<vmem>> -> memref<48x512xf32, #tpu.memory_space<vmem>>
        tpu.wait_dma2 semaphore(%arg19 : memref<!tpu.dma_semaphore, #tpu.memory_space<semaphore_mem>>) src(%dma_wait3A_411 : memref<48x512xf32, #tpu.memory_space<vmem>>) dst(%dma_wait3A_408 : memref<48x512xf32, #tpu.memory_space<hbm>>)
        %add3A_412 = arith.constant 2 : i32
        %add3A_413 = arith.addi %add3A_301, %add3A_412 : i32
        %dma_start3A_414 = arith.constant 0 : i32
        %dma_start3A_415 = tpu.memref_slice %arg10[%add3A_413, %dma_start3A_414] : memref<128x64xi32, #tpu.memory_space<vmem>> -> memref<1x64xi32, #tpu.memory_space<vmem>>
        %dma_start3A_416 = tpu.memref_squeeze %dma_start3A_415 : memref<1x64xi32, #tpu.memory_space<vmem>> -> memref<64xi32, #tpu.memory_space<vmem>>
        %dma_start3A_417 = arith.constant 0 : i32
        %dma_start3A_418 = tpu.memref_slice %dma_start3A_416[%dma_start3A_417] : memref<64xi32, #tpu.memory_space<vmem>> -> memref<50xi32, #tpu.memory_space<vmem>>
        %dma_start3A_419 = arith.constant 0 : i32
        %dma_start3A_420 = arith.constant 0 : i32
        %dma_start3A_421 = tpu.memref_slice %arg4[%dma_start3A_419, %dma_start3A_420] : memref<361x512xf32, #tpu.memory_space<hbm>> -> memref<361x512xf32, #tpu.memory_space<hbm>>
        tpu.enqueue_indirect_dma source(%dma_start3A_421 : memref<361x512xf32, #tpu.memory_space<hbm>>) target(%arg13 : memref<50x512xf32, #tpu.memory_space<vmem>>) offsets(%dma_start3A_418 : memref<50xi32, #tpu.memory_space<vmem>>) semaphore(%arg17 : memref<!tpu.dma_semaphore, #tpu.memory_space<semaphore_mem>>)
      }
      %scan3A_190 = arith.constant 63 : i32
      %dma_wait3A_191 = arith.constant 126 : i32
      %dma_wait3A_192 = arith.constant 0 : i32
      %dma_wait3A_193 = tpu.memref_slice %arg10[%dma_wait3A_191, %dma_wait3A_192] : memref<128x64xi32, #tpu.memory_space<vmem>> -> memref<1x64xi32, #tpu.memory_space<vmem>>
      %dma_wait3A_194 = tpu.memref_squeeze %dma_wait3A_193 : memref<1x64xi32, #tpu.memory_space<vmem>> -> memref<64xi32, #tpu.memory_space<vmem>>
      %dma_wait3A_195 = arith.constant 0 : i32
      %dma_wait3A_196 = tpu.memref_slice %dma_wait3A_194[%dma_wait3A_195] : memref<64xi32, #tpu.memory_space<vmem>> -> memref<50xi32, #tpu.memory_space<vmem>>
      %dma_wait3A_197 = arith.constant 0 : i32
      %dma_wait3A_198 = arith.constant 0 : i32
      %dma_wait3A_199 = tpu.memref_slice %arg4[%dma_wait3A_197, %dma_wait3A_198] : memref<361x512xf32, #tpu.memory_space<hbm>> -> memref<361x512xf32, #tpu.memory_space<hbm>>
      tpu.wait_indirect_dma semaphore(%arg16 : memref<!tpu.dma_semaphore, #tpu.memory_space<semaphore_mem>>) src(%dma_wait3A_199 : memref<361x512xf32, #tpu.memory_space<hbm>>) dst(%arg12 : memref<50x512xf32, #tpu.memory_space<vmem>>)
      %add3A_200 = arith.constant 126 : i32
      %add3A_201 = arith.addi %mul3A_166, %add3A_200 : i32
      %dma_start3A_202 = arith.constant 0 : i32
      %dma_start3A_203 = arith.constant 0 : i32
      %dma_start3A_204 = tpu.memref_slice %arg12[%dma_start3A_202, %dma_start3A_203] : memref<50x512xf32, #tpu.memory_space<vmem>> -> memref<48x512xf32, #tpu.memory_space<vmem>>
      %dma_start3A_205 = arith.constant 0 : i32
      %dma_start3A_206 = arith.constant 0 : i32
      %dma_start3A_207 = tpu.memref_slice %arg8[%add3A_201, %dma_start3A_205, %dma_start3A_206] : memref<1024x50x512xf32, #tpu.memory_space<hbm>> -> memref<1x50x512xf32, #tpu.memory_space<hbm>>
      %dma_start3A_208 = tpu.memref_squeeze %dma_start3A_207 : memref<1x50x512xf32, #tpu.memory_space<hbm>> -> memref<50x512xf32, #tpu.memory_space<hbm>>
      %dma_start3A_209 = arith.constant 0 : i32
      %dma_start3A_210 = arith.constant 0 : i32
      %dma_start3A_211 = tpu.memref_slice %dma_start3A_208[%dma_start3A_209, %dma_start3A_210] : memref<50x512xf32, #tpu.memory_space<hbm>> -> memref<48x512xf32, #tpu.memory_space<hbm>>
      %dma_start3A_212 = arith.constant 0 : i32
      %dma_start3A_213 = arith.constant 0 : i32
      %dma_start3A_214 = tpu.memref_slice %arg8[%add3A_201, %dma_start3A_212, %dma_start3A_213] : memref<1024x50x512xf32, #tpu.memory_space<hbm>> -> memref<1x50x512xf32, #tpu.memory_space<hbm>>
      %dma_start3A_215 = tpu.memref_squeeze %dma_start3A_214 : memref<1x50x512xf32, #tpu.memory_space<hbm>> -> memref<50x512xf32, #tpu.memory_space<hbm>>
      %dma_start3A_216 = arith.constant 0 : i32
      %dma_start3A_217 = arith.constant 0 : i32
      %dma_start3A_218 = tpu.memref_slice %dma_start3A_215[%dma_start3A_216, %dma_start3A_217] : memref<50x512xf32, #tpu.memory_space<hbm>> -> memref<48x512xf32, #tpu.memory_space<hbm>>
      %dma_start3A_219 = arith.constant 0 : i32
      %dma_start3A_220 = arith.constant 0 : i32
      %dma_start3A_221 = tpu.memref_slice %arg12[%dma_start3A_219, %dma_start3A_220] : memref<50x512xf32, #tpu.memory_space<vmem>> -> memref<48x512xf32, #tpu.memory_space<vmem>>
      tpu.enqueue_dma source(%dma_start3A_221 : memref<48x512xf32, #tpu.memory_space<vmem>>) target(%dma_start3A_218 : memref<48x512xf32, #tpu.memory_space<hbm>>) target_semaphore(%arg18 : memref<!tpu.dma_semaphore, #tpu.memory_space<semaphore_mem>>)
      %dma_wait3A_222 = arith.constant 127 : i32
      %dma_wait3A_223 = arith.constant 0 : i32
      %dma_wait3A_224 = tpu.memref_slice %arg10[%dma_wait3A_222, %dma_wait3A_223] : memref<128x64xi32, #tpu.memory_space<vmem>> -> memref<1x64xi32, #tpu.memory_space<vmem>>
      %dma_wait3A_225 = tpu.memref_squeeze %dma_wait3A_224 : memref<1x64xi32, #tpu.memory_space<vmem>> -> memref<64xi32, #tpu.memory_space<vmem>>
      %dma_wait3A_226 = arith.constant 0 : i32
      %dma_wait3A_227 = tpu.memref_slice %dma_wait3A_225[%dma_wait3A_226] : memref<64xi32, #tpu.memory_space<vmem>> -> memref<50xi32, #tpu.memory_space<vmem>>
      %dma_wait3A_228 = arith.constant 0 : i32
      %dma_wait3A_229 = arith.constant 0 : i32
      %dma_wait3A_230 = tpu.memref_slice %arg4[%dma_wait3A_228, %dma_wait3A_229] : memref<361x512xf32, #tpu.memory_space<hbm>> -> memref<361x512xf32, #tpu.memory_space<hbm>>
      tpu.wait_indirect_dma semaphore(%arg17 : memref<!tpu.dma_semaphore, #tpu.memory_space<semaphore_mem>>) src(%dma_wait3A_230 : memref<361x512xf32, #tpu.memory_space<hbm>>) dst(%arg13 : memref<50x512xf32, #tpu.memory_space<vmem>>)
      %add3A_231 = arith.constant 127 : i32
      %add3A_232 = arith.addi %mul3A_166, %add3A_231 : i32
      %dma_start3A_233 = arith.constant 0 : i32
      %dma_start3A_234 = arith.constant 0 : i32
      %dma_start3A_235 = tpu.memref_slice %arg13[%dma_start3A_233, %dma_start3A_234] : memref<50x512xf32, #tpu.memory_space<vmem>> -> memref<48x512xf32, #tpu.memory_space<vmem>>
      %dma_start3A_236 = arith.constant 0 : i32
      %dma_start3A_237 = arith.constant 0 : i32
      %dma_start3A_238 = tpu.memref_slice %arg8[%add3A_232, %dma_start3A_236, %dma_start3A_237] : memref<1024x50x512xf32, #tpu.memory_space<hbm>> -> memref<1x50x512xf32, #tpu.memory_space<hbm>>
      %dma_start3A_239 = tpu.memref_squeeze %dma_start3A_238 : memref<1x50x512xf32, #tpu.memory_space<hbm>> -> memref<50x512xf32, #tpu.memory_space<hbm>>
      %dma_start3A_240 = arith.constant 0 : i32
      %dma_start3A_241 = arith.constant 0 : i32
      %dma_start3A_242 = tpu.memref_slice %dma_start3A_239[%dma_start3A_240, %dma_start3A_241] : memref<50x512xf32, #tpu.memory_space<hbm>> -> memref<48x512xf32, #tpu.memory_space<hbm>>
      %dma_start3A_243 = arith.constant 0 : i32
      %dma_start3A_244 = arith.constant 0 : i32
      %dma_start3A_245 = tpu.memref_slice %arg8[%add3A_232, %dma_start3A_243, %dma_start3A_244] : memref<1024x50x512xf32, #tpu.memory_space<hbm>> -> memref<1x50x512xf32, #tpu.memory_space<hbm>>
      %dma_start3A_246 = tpu.memref_squeeze %dma_start3A_245 : memref<1x50x512xf32, #tpu.memory_space<hbm>> -> memref<50x512xf32, #tpu.memory_space<hbm>>
      %dma_start3A_247 = arith.constant 0 : i32
      %dma_start3A_248 = arith.constant 0 : i32
      %dma_start3A_249 = tpu.memref_slice %dma_start3A_246[%dma_start3A_247, %dma_start3A_248] : memref<50x512xf32, #tpu.memory_space<hbm>> -> memref<48x512xf32, #tpu.memory_space<hbm>>
      %dma_start3A_250 = arith.constant 0 : i32
      %dma_start3A_251 = arith.constant 0 : i32
      %dma_start3A_252 = tpu.memref_slice %arg13[%dma_start3A_250, %dma_start3A_251] : memref<50x512xf32, #tpu.memory_space<vmem>> -> memref<48x512xf32, #tpu.memory_space<vmem>>
      tpu.enqueue_dma source(%dma_start3A_252 : memref<48x512xf32, #tpu.memory_space<vmem>>) target(%dma_start3A_249 : memref<48x512xf32, #tpu.memory_space<hbm>>) target_semaphore(%arg19 : memref<!tpu.dma_semaphore, #tpu.memory_space<semaphore_mem>>)
      %add3A_253 = arith.constant 126 : i32
      %add3A_254 = arith.addi %mul3A_166, %add3A_253 : i32
      %dma_wait3A_255 = arith.constant 0 : i32
      %dma_wait3A_256 = arith.constant 0 : i32
      %dma_wait3A_257 = tpu.memref_slice %arg12[%dma_wait3A_255, %dma_wait3A_256] : memref<50x512xf32, #tpu.memory_space<vmem>> -> memref<48x512xf32, #tpu.memory_space<vmem>>
      %dma_wait3A_258 = arith.constant 0 : i32
      %dma_wait3A_259 = arith.constant 0 : i32
      %dma_wait3A_260 = tpu.memref_slice %arg8[%add3A_254, %dma_wait3A_258, %dma_wait3A_259] : memref<1024x50x512xf32, #tpu.memory_space<hbm>> -> memref<1x50x512xf32, #tpu.memory_space<hbm>>
      %dma_wait3A_261 = tpu.memref_squeeze %dma_wait3A_260 : memref<1x50x512xf32, #tpu.memory_space<hbm>> -> memref<50x512xf32, #tpu.memory_space<hbm>>
      %dma_wait3A_262 = arith.constant 0 : i32
      %dma_wait3A_263 = arith.constant 0 : i32
      %dma_wait3A_264 = tpu.memref_slice %dma_wait3A_261[%dma_wait3A_262, %dma_wait3A_263] : memref<50x512xf32, #tpu.memory_space<hbm>> -> memref<48x512xf32, #tpu.memory_space<hbm>>
      %dma_wait3A_265 = arith.constant 0 : i32
      %dma_wait3A_266 = arith.constant 0 : i32
      %dma_wait3A_267 = tpu.memref_slice %arg8[%add3A_254, %dma_wait3A_265, %dma_wait3A_266] : memref<1024x50x512xf32, #tpu.memory_space<hbm>> -> memref<1x50x512xf32, #tpu.memory_space<hbm>>
      %dma_wait3A_268 = tpu.memref_squeeze %dma_wait3A_267 : memref<1x50x512xf32, #tpu.memory_space<hbm>> -> memref<50x512xf32, #tpu.memory_space<hbm>>
      %dma_wait3A_269 = arith.constant 0 : i32
      %dma_wait3A_270 = arith.constant 0 : i32
      %dma_wait3A_271 = tpu.memref_slice %dma_wait3A_268[%dma_wait3A_269, %dma_wait3A_270] : memref<50x512xf32, #tpu.memory_space<hbm>> -> memref<48x512xf32, #tpu.memory_space<hbm>>
      %dma_wait3A_272 = arith.constant 0 : i32
      %dma_wait3A_273 = arith.constant 0 : i32
      %dma_wait3A_274 = tpu.memref_slice %arg12[%dma_wait3A_272, %dma_wait3A_273] : memref<50x512xf32, #tpu.memory_space<vmem>> -> memref<48x512xf32, #tpu.memory_space<vmem>>
      tpu.wait_dma2 semaphore(%arg18 : memref<!tpu.dma_semaphore, #tpu.memory_space<semaphore_mem>>) src(%dma_wait3A_274 : memref<48x512xf32, #tpu.memory_space<vmem>>) dst(%dma_wait3A_271 : memref<48x512xf32, #tpu.memory_space<hbm>>)
      %add3A_275 = arith.constant 127 : i32
      %add3A_276 = arith.addi %mul3A_166, %add3A_275 : i32
      %dma_wait3A_277 = arith.constant 0 : i32
      %dma_wait3A_278 = arith.constant 0 : i32
      %dma_wait3A_279 = tpu.memref_slice %arg13[%dma_wait3A_277, %dma_wait3A_278] : memref<50x512xf32, #tpu.memory_space<vmem>> -> memref<48x512xf32, #tpu.memory_space<vmem>>
      %dma_wait3A_280 = arith.constant 0 : i32
      %dma_wait3A_281 = arith.constant 0 : i32
      %dma_wait3A_282 = tpu.memref_slice %arg8[%add3A_276, %dma_wait3A_280, %dma_wait3A_281] : memref<1024x50x512xf32, #tpu.memory_space<hbm>> -> memref<1x50x512xf32, #tpu.memory_space<hbm>>
      %dma_wait3A_283 = tpu.memref_squeeze %dma_wait3A_282 : memref<1x50x512xf32, #tpu.memory_space<hbm>> -> memref<50x512xf32, #tpu.memory_space<hbm>>
      %dma_wait3A_284 = arith.constant 0 : i32
      %dma_wait3A_285 = arith.constant 0 : i32
      %dma_wait3A_286 = tpu.memref_slice %dma_wait3A_283[%dma_wait3A_284, %dma_wait3A_285] : memref<50x512xf32, #tpu.memory_space<hbm>> -> memref<48x512xf32, #tpu.memory_space<hbm>>
      %dma_wait3A_287 = arith.constant 0 : i32
      %dma_wait3A_288 = arith.constant 0 : i32
      %dma_wait3A_289 = tpu.memref_slice %arg8[%add3A_276, %dma_wait3A_287, %dma_wait3A_288] : memref<1024x50x512xf32, #tpu.memory_space<hbm>> -> memref<1x50x512xf32, #tpu.memory_space<hbm>>
      %dma_wait3A_290 = tpu.memref_squeeze %dma_wait3A_289 : memref<1x50x512xf32, #tpu.memory_space<hbm>> -> memref<50x512xf32, #tpu.memory_space<hbm>>
      %dma_wait3A_291 = arith.constant 0 : i32
      %dma_wait3A_292 = arith.constant 0 : i32
      %dma_wait3A_293 = tpu.memref_slice %dma_wait3A_290[%dma_wait3A_291, %dma_wait3A_292] : memref<50x512xf32, #tpu.memory_space<hbm>> -> memref<48x512xf32, #tpu.memory_space<hbm>>
      %dma_wait3A_294 = arith.constant 0 : i32
      %dma_wait3A_295 = arith.constant 0 : i32
      %dma_wait3A_296 = tpu.memref_slice %arg13[%dma_wait3A_294, %dma_wait3A_295] : memref<50x512xf32, #tpu.memory_space<vmem>> -> memref<48x512xf32, #tpu.memory_space<vmem>>
      tpu.wait_dma2 semaphore(%arg19 : memref<!tpu.dma_semaphore, #tpu.memory_space<semaphore_mem>>) src(%dma_wait3A_296 : memref<48x512xf32, #tpu.memory_space<vmem>>) dst(%dma_wait3A_293 : memref<48x512xf32, #tpu.memory_space<hbm>>)
    } else {
    }
    %mul3A_112 = arith.constant 32 : i32
    %mul3A_113 = arith.muli %add3A, %mul3A_112 : i32
    %mul3A_114 = arith.constant 8 : i32
    %mul3A_115 = arith.muli %mul3A_113, %mul3A_114 : i32
    %dma_start3A = arith.constant 0 : i32
    %dma_start3A_116 = tpu.memref_slice %arg11[%dma_start3A] : memref<256xi32, #tpu.memory_space<vmem>> -> memref<8xi32, #tpu.memory_space<vmem>>
    %dma_start3A_117 = arith.constant 0 : i32
    %dma_start3A_118 = arith.constant 0 : i32
    %dma_start3A_119 = tpu.memref_slice %arg4[%dma_start3A_117, %dma_start3A_118] : memref<361x512xf32, #tpu.memory_space<hbm>> -> memref<361x512xf32, #tpu.memory_space<hbm>>
    tpu.enqueue_indirect_dma source(%dma_start3A_119 : memref<361x512xf32, #tpu.memory_space<hbm>>) target(%arg14 : memref<8x512xf32, #tpu.memory_space<vmem>>) offsets(%dma_start3A_116 : memref<8xi32, #tpu.memory_space<vmem>>) semaphore(%arg16 : memref<!tpu.dma_semaphore, #tpu.memory_space<semaphore_mem>>)
    %dma_start3A_120 = arith.constant 8 : i32
    %dma_start3A_121 = tpu.memref_slice %arg11[%dma_start3A_120] : memref<256xi32, #tpu.memory_space<vmem>> -> memref<8xi32, #tpu.memory_space<vmem>>
    %dma_start3A_122 = arith.constant 0 : i32
    %dma_start3A_123 = arith.constant 0 : i32
    %dma_start3A_124 = tpu.memref_slice %arg4[%dma_start3A_122, %dma_start3A_123] : memref<361x512xf32, #tpu.memory_space<hbm>> -> memref<361x512xf32, #tpu.memory_space<hbm>>
    tpu.enqueue_indirect_dma source(%dma_start3A_124 : memref<361x512xf32, #tpu.memory_space<hbm>>) target(%arg15 : memref<8x512xf32, #tpu.memory_space<vmem>>) offsets(%dma_start3A_121 : memref<8xi32, #tpu.memory_space<vmem>>) semaphore(%arg17 : memref<!tpu.dma_semaphore, #tpu.memory_space<semaphore_mem>>)
    %scan3A = arith.constant 0 : i32
    %scan3A_125 = arith.constant 0 : i32
    %scan3A_126 = arith.constant 15 : i32
    %scan3A_127 = arith.addi %scan3A_125, %scan3A_126 : i32
    %scan3A_128 = arith.constant 1 : i32
    scf.for %scan3A_163 = %scan3A_125 to %scan3A_127 step %scan3A_128  : i32 {
      %mul3A_164 = arith.constant 2 : i32
      %mul3A_165 = arith.muli %mul3A_164, %scan3A_163 : i32
      %add3A_166 = arith.constant 1 : i32
      %add3A_167 = arith.addi %mul3A_165, %add3A_166 : i32
      %mul3A_168 = arith.constant 8 : i32
      %mul3A_169 = arith.muli %mul3A_165, %mul3A_168 : i32
      %dma_wait3A_170 = tpu.memref_slice %arg11[%mul3A_169] : memref<256xi32, #tpu.memory_space<vmem>> -> memref<8xi32, #tpu.memory_space<vmem>>
      %dma_wait3A_171 = arith.constant 0 : i32
      %dma_wait3A_172 = arith.constant 0 : i32
      %dma_wait3A_173 = tpu.memref_slice %arg4[%dma_wait3A_171, %dma_wait3A_172] : memref<361x512xf32, #tpu.memory_space<hbm>> -> memref<361x512xf32, #tpu.memory_space<hbm>>
      tpu.wait_indirect_dma semaphore(%arg16 : memref<!tpu.dma_semaphore, #tpu.memory_space<semaphore_mem>>) src(%dma_wait3A_173 : memref<361x512xf32, #tpu.memory_space<hbm>>) dst(%arg14 : memref<8x512xf32, #tpu.memory_space<vmem>>)
      %mul3A_174 = arith.constant 8 : i32
      %mul3A_175 = arith.muli %mul3A_165, %mul3A_174 : i32
      %add3A_176 = arith.addi %mul3A_115, %mul3A_175 : i32
      %dma_start3A_177 = arith.constant 0 : i32
      %dma_start3A_178 = tpu.memref_slice %arg9[%add3A_176, %dma_start3A_177] : memref<8192x512xf32, #tpu.memory_space<hbm>> -> memref<8x512xf32, #tpu.memory_space<hbm>>
      %dma_start3A_179 = arith.constant 0 : i32
      %dma_start3A_180 = tpu.memref_slice %arg9[%add3A_176, %dma_start3A_179] : memref<8192x512xf32, #tpu.memory_space<hbm>> -> memref<8x512xf32, #tpu.memory_space<hbm>>
      tpu.enqueue_dma source(%arg14 : memref<8x512xf32, #tpu.memory_space<vmem>>) target(%dma_start3A_180 : memref<8x512xf32, #tpu.memory_space<hbm>>) target_semaphore(%arg18 : memref<!tpu.dma_semaphore, #tpu.memory_space<semaphore_mem>>)
      %mul3A_181 = arith.constant 8 : i32
      %mul3A_182 = arith.muli %add3A_167, %mul3A_181 : i32
      %dma_wait3A_183 = tpu.memref_slice %arg11[%mul3A_182] : memref<256xi32, #tpu.memory_space<vmem>> -> memref<8xi32, #tpu.memory_space<vmem>>
      %dma_wait3A_184 = arith.constant 0 : i32
      %dma_wait3A_185 = arith.constant 0 : i32
      %dma_wait3A_186 = tpu.memref_slice %arg4[%dma_wait3A_184, %dma_wait3A_185] : memref<361x512xf32, #tpu.memory_space<hbm>> -> memref<361x512xf32, #tpu.memory_space<hbm>>
      tpu.wait_indirect_dma semaphore(%arg17 : memref<!tpu.dma_semaphore, #tpu.memory_space<semaphore_mem>>) src(%dma_wait3A_186 : memref<361x512xf32, #tpu.memory_space<hbm>>) dst(%arg15 : memref<8x512xf32, #tpu.memory_space<vmem>>)
      %mul3A_187 = arith.constant 8 : i32
      %mul3A_188 = arith.muli %add3A_167, %mul3A_187 : i32
      %add3A_189 = arith.addi %mul3A_115, %mul3A_188 : i32
      %dma_start3A_190 = arith.constant 0 : i32
      %dma_start3A_191 = tpu.memref_slice %arg9[%add3A_189, %dma_start3A_190] : memref<8192x512xf32, #tpu.memory_space<hbm>> -> memref<8x512xf32, #tpu.memory_space<hbm>>
      %dma_start3A_192 = arith.constant 0 : i32
      %dma_start3A_193 = tpu.memref_slice %arg9[%add3A_189, %dma_start3A_192] : memref<8192x512xf32, #tpu.memory_space<hbm>> -> memref<8x512xf32, #tpu.memory_space<hbm>>
      tpu.enqueue_dma source(%arg15 : memref<8x512xf32, #tpu.memory_space<vmem>>) target(%dma_start3A_193 : memref<8x512xf32, #tpu.memory_space<hbm>>) target_semaphore(%arg19 : memref<!tpu.dma_semaphore, #tpu.memory_space<semaphore_mem>>)
      %mul3A_194 = arith.constant 8 : i32
      %mul3A_195 = arith.muli %mul3A_165, %mul3A_194 : i32
      %add3A_196 = arith.addi %mul3A_115, %mul3A_195 : i32
      %dma_wait3A_197 = arith.constant 0 : i32
      %dma_wait3A_198 = tpu.memref_slice %arg9[%add3A_196, %dma_wait3A_197] : memref<8192x512xf32, #tpu.memory_space<hbm>> -> memref<8x512xf32, #tpu.memory_space<hbm>>
      %dma_wait3A_199 = arith.constant 0 : i32
      %dma_wait3A_200 = tpu.memref_slice %arg9[%add3A_196, %dma_wait3A_199] : memref<8192x512xf32, #tpu.memory_space<hbm>> -> memref<8x512xf32, #tpu.memory_space<hbm>>
      tpu.wait_dma2 semaphore(%arg18 : memref<!tpu.dma_semaphore, #tpu.memory_space<semaphore_mem>>) src(%arg14 : memref<8x512xf32, #tpu.memory_space<vmem>>) dst(%dma_wait3A_200 : memref<8x512xf32, #tpu.memory_space<hbm>>)
      %add3A_201 = arith.constant 2 : i32
      %add3A_202 = arith.addi %mul3A_165, %add3A_201 : i32
      %mul3A_203 = arith.constant 8 : i32
      %mul3A_204 = arith.muli %add3A_202, %mul3A_203 : i32
      %dma_start3A_205 = tpu.memref_slice %arg11[%mul3A_204] : memref<256xi32, #tpu.memory_space<vmem>> -> memref<8xi32, #tpu.memory_space<vmem>>
      %dma_start3A_206 = arith.constant 0 : i32
      %dma_start3A_207 = arith.constant 0 : i32
      %dma_start3A_208 = tpu.memref_slice %arg4[%dma_start3A_206, %dma_start3A_207] : memref<361x512xf32, #tpu.memory_space<hbm>> -> memref<361x512xf32, #tpu.memory_space<hbm>>
      tpu.enqueue_indirect_dma source(%dma_start3A_208 : memref<361x512xf32, #tpu.memory_space<hbm>>) target(%arg14 : memref<8x512xf32, #tpu.memory_space<vmem>>) offsets(%dma_start3A_205 : memref<8xi32, #tpu.memory_space<vmem>>) semaphore(%arg16 : memref<!tpu.dma_semaphore, #tpu.memory_space<semaphore_mem>>)
      %mul3A_209 = arith.constant 8 : i32
      %mul3A_210 = arith.muli %add3A_167, %mul3A_209 : i32
      %add3A_211 = arith.addi %mul3A_115, %mul3A_210 : i32
      %dma_wait3A_212 = arith.constant 0 : i32
      %dma_wait3A_213 = tpu.memref_slice %arg9[%add3A_211, %dma_wait3A_212] : memref<8192x512xf32, #tpu.memory_space<hbm>> -> memref<8x512xf32, #tpu.memory_space<hbm>>
      %dma_wait3A_214 = arith.constant 0 : i32
      %dma_wait3A_215 = tpu.memref_slice %arg9[%add3A_211, %dma_wait3A_214] : memref<8192x512xf32, #tpu.memory_space<hbm>> -> memref<8x512xf32, #tpu.memory_space<hbm>>
      tpu.wait_dma2 semaphore(%arg19 : memref<!tpu.dma_semaphore, #tpu.memory_space<semaphore_mem>>) src(%arg15 : memref<8x512xf32, #tpu.memory_space<vmem>>) dst(%dma_wait3A_215 : memref<8x512xf32, #tpu.memory_space<hbm>>)
      %add3A_216 = arith.constant 2 : i32
      %add3A_217 = arith.addi %add3A_167, %add3A_216 : i32
      %mul3A_218 = arith.constant 8 : i32
      %mul3A_219 = arith.muli %add3A_217, %mul3A_218 : i32
      %dma_start3A_220 = tpu.memref_slice %arg11[%mul3A_219] : memref<256xi32, #tpu.memory_space<vmem>> -> memref<8xi32, #tpu.memory_space<vmem>>
      %dma_start3A_221 = arith.constant 0 : i32
      %dma_start3A_222 = arith.constant 0 : i32
      %dma_start3A_223 = tpu.memref_slice %arg4[%dma_start3A_221, %dma_start3A_222] : memref<361x512xf32, #tpu.memory_space<hbm>> -> memref<361x512xf32, #tpu.memory_space<hbm>>
      tpu.enqueue_indirect_dma source(%dma_start3A_223 : memref<361x512xf32, #tpu.memory_space<hbm>>) target(%arg15 : memref<8x512xf32, #tpu.memory_space<vmem>>) offsets(%dma_start3A_220 : memref<8xi32, #tpu.memory_space<vmem>>) semaphore(%arg17 : memref<!tpu.dma_semaphore, #tpu.memory_space<semaphore_mem>>)
    }
    %scan3A_129 = arith.constant 15 : i32
    %dma_wait3A = arith.constant 240 : i32
    %dma_wait3A_130 = tpu.memref_slice %arg11[%dma_wait3A] : memref<256xi32, #tpu.memory_space<vmem>> -> memref<8xi32, #tpu.memory_space<vmem>>
    %dma_wait3A_131 = arith.constant 0 : i32
    %dma_wait3A_132 = arith.constant 0 : i32
    %dma_wait3A_133 = tpu.memref_slice %arg4[%dma_wait3A_131, %dma_wait3A_132] : memref<361x512xf32, #tpu.memory_space<hbm>> -> memref<361x512xf32, #tpu.memory_space<hbm>>
    tpu.wait_indirect_dma semaphore(%arg16 : memref<!tpu.dma_semaphore, #tpu.memory_space<semaphore_mem>>) src(%dma_wait3A_133 : memref<361x512xf32, #tpu.memory_space<hbm>>) dst(%arg14 : memref<8x512xf32, #tpu.memory_space<vmem>>)
    %add3A_134 = arith.constant 240 : i32
    %add3A_135 = arith.addi %mul3A_115, %add3A_134 : i32
    %dma_start3A_136 = arith.constant 0 : i32
    %dma_start3A_137 = tpu.memref_slice %arg9[%add3A_135, %dma_start3A_136] : memref<8192x512xf32, #tpu.memory_space<hbm>> -> memref<8x512xf32, #tpu.memory_space<hbm>>
    %dma_start3A_138 = arith.constant 0 : i32
    %dma_start3A_139 = tpu.memref_slice %arg9[%add3A_135, %dma_start3A_138] : memref<8192x512xf32, #tpu.memory_space<hbm>> -> memref<8x512xf32, #tpu.memory_space<hbm>>
    tpu.enqueue_dma source(%arg14 : memref<8x512xf32, #tpu.memory_space<vmem>>) target(%dma_start3A_139 : memref<8x512xf32, #tpu.memory_space<hbm>>) target_semaphore(%arg18 : memref<!tpu.dma_semaphore, #tpu.memory_space<semaphore_mem>>)
    %dma_wait3A_140 = arith.constant 248 : i32
    %dma_wait3A_141 = tpu.memref_slice %arg11[%dma_wait3A_140] : memref<256xi32, #tpu.memory_space<vmem>> -> memref<8xi32, #tpu.memory_space<vmem>>
    %dma_wait3A_142 = arith.constant 0 : i32
    %dma_wait3A_143 = arith.constant 0 : i32
    %dma_wait3A_144 = tpu.memref_slice %arg4[%dma_wait3A_142, %dma_wait3A_143] : memref<361x512xf32, #tpu.memory_space<hbm>> -> memref<361x512xf32, #tpu.memory_space<hbm>>
    tpu.wait_indirect_dma semaphore(%arg17 : memref<!tpu.dma_semaphore, #tpu.memory_space<semaphore_mem>>) src(%dma_wait3A_144 : memref<361x512xf32, #tpu.memory_space<hbm>>) dst(%arg15 : memref<8x512xf32, #tpu.memory_space<vmem>>)
    %add3A_145 = arith.constant 248 : i32
    %add3A_146 = arith.addi %mul3A_115, %add3A_145 : i32
    %dma_start3A_147 = arith.constant 0 : i32
    %dma_start3A_148 = tpu.memref_slice %arg9[%add3A_146, %dma_start3A_147] : memref<8192x512xf32, #tpu.memory_space<hbm>> -> memref<8x512xf32, #tpu.memory_space<hbm>>
    %dma_start3A_149 = arith.constant 0 : i32
    %dma_start3A_150 = tpu.memref_slice %arg9[%add3A_146, %dma_start3A_149] : memref<8192x512xf32, #tpu.memory_space<hbm>> -> memref<8x512xf32, #tpu.memory_space<hbm>>
    tpu.enqueue_dma source(%arg15 : memref<8x512xf32, #tpu.memory_space<vmem>>) target(%dma_start3A_150 : memref<8x512xf32, #tpu.memory_space<hbm>>) target_semaphore(%arg19 : memref<!tpu.dma_semaphore, #tpu.memory_space<semaphore_mem>>)
    %add3A_151 = arith.constant 240 : i32
    %add3A_152 = arith.addi %mul3A_115, %add3A_151 : i32
    %dma_wait3A_153 = arith.constant 0 : i32
    %dma_wait3A_154 = tpu.memref_slice %arg9[%add3A_152, %dma_wait3A_153] : memref<8192x512xf32, #tpu.memory_space<hbm>> -> memref<8x512xf32, #tpu.memory_space<hbm>>
    %dma_wait3A_155 = arith.constant 0 : i32
    %dma_wait3A_156 = tpu.memref_slice %arg9[%add3A_152, %dma_wait3A_155] : memref<8192x512xf32, #tpu.memory_space<hbm>> -> memref<8x512xf32, #tpu.memory_space<hbm>>
    tpu.wait_dma2 semaphore(%arg18 : memref<!tpu.dma_semaphore, #tpu.memory_space<semaphore_mem>>) src(%arg14 : memref<8x512xf32, #tpu.memory_space<vmem>>) dst(%dma_wait3A_156 : memref<8x512xf32, #tpu.memory_space<hbm>>)
    %add3A_157 = arith.constant 248 : i32
    %add3A_158 = arith.addi %mul3A_115, %add3A_157 : i32
    %dma_wait3A_159 = arith.constant 0 : i32
    %dma_wait3A_160 = tpu.memref_slice %arg9[%add3A_158, %dma_wait3A_159] : memref<8192x512xf32, #tpu.memory_space<hbm>> -> memref<8x512xf32, #tpu.memory_space<hbm>>
    %dma_wait3A_161 = arith.constant 0 : i32
    %dma_wait3A_162 = tpu.memref_slice %arg9[%add3A_158, %dma_wait3A_161] : memref<8192x512xf32, #tpu.memory_space<hbm>> -> memref<8x512xf32, #tpu.memory_space<hbm>>
    tpu.wait_dma2 semaphore(%arg19 : memref<!tpu.dma_semaphore, #tpu.memory_space<semaphore_mem>>) src(%arg15 : memref<8x512xf32, #tpu.memory_space<vmem>>) dst(%dma_wait3A_162 : memref<8x512xf32, #tpu.memory_space<hbm>>)
    return
  }
}

</mosaic_0001>

<sc_bundles>
// kernel: kernel.3.cloned.1.call-start
scs
__scs_entry_jumppad:
0x0: {  	(pc) =	sbr.rel $0x88, $3  }
0x1: {  	(tag) =	ssettag $0x0;
	lr =	simm.s32 $0x1  }
0x2: {  	[smem:$0x3F9F] =	sst lr;
	_ =	strace $0xD0000000  }
0x3: {  	_ = 	snop  }
0x4: {  	_ = 	snop  }
0x5: {  	_ = 	snop  }
0x6: {  	_ = 	snop  }
0x7: {  	_ = 	snop  }
__scs_overlays_trampoline_lowered:
0x8: {  	[smem:$0x3FAE] =	sst s0  }
0x9: {  	[smem:$0x3FAF] =	sst s1  }
0xa: {  	[smem:$0x3FB0] =	sst s2  }
0xb: {  	[smem:$0x3FB1] =	sst s3  }
0xc: {  	[smem:$0x3FB2] =	sst s4  }
0xd: {  	[smem:$0x3FB3] =	sst s5  }
0xe: {  	[smem:$0x3FB4] =	sst s6  }
0xf: {  	[smem:$0x3FB5] =	sst s7  }
0x10: {  	[smem:$0x3FB6] =	sst s8  }
0x11: {  	[smem:$0x3FB7] =	sst s9;
	s0 =	simm.s32 @!p0 $0x0  }
0x12: {  	s1 =	sld [smem:$0x3F9D];
	s0 =	simm.s32 @p0 $0x1  }
0x13: {  	[smem:$0x3FB8] =	sst s0;
	s0 =	simm.s32 @!p1 $0x0  }
0x14: {  	s2 =	sld [smem:$0x3F9C];
	s0 =	simm.s32 @p1 $0x1  }
0x15: {  	[smem:$0x3FB9] =	sst s0;
	s0 =	simm.s32 @!p2 $0x0  }
0x16: {  	s3 =	sld [smem:$0x3FDB];
	s0 =	simm.s32 @p2 $0x1  }
0x17: {  	s4 =	simm.s32 $0x1BF5;
	[smem:$0x3FBB] =	sst s0  }
0x18: {  	s0 =	sld [smem:$0x3F9E];
	_ =	swait.ge [sflag:s4], $0x0  }
0x19: {  	s7 =	sld [smem:$0x3F9F]  }
0x1a: {  	s8 =	sadd.s32 $0xFFFFE003, lr  }
0x1b: {  	s9 =	sadd.s32 $0xFFFFFEF7, lr;
	s5 =	simm.s32 $0xFFFFFFFF;
	p2 =	slt.u32 s8, $0xFFFFF086  }
0x1c: {  	p1 =	slt.u32 s9, $0xF7A;
	s5 =	simm.s32 @!p2 $0x0  }
0x1d: {  	s5 =	simm.s32 @p1 $0x1;
	p0 =	seq.s32 s7, s2  }
0x1e: {  	s7 =	smul.u32 @!p0 $0xF7A, s2;
	p2 =	seq.s32 @!p0 s5, $0x0  }
0x1f: {  	s9 =	smul.u32 $0xF7A, s1;
	s8 =	simm.s32 @!p0 $0x1BF5;
	p2 =	por !p2, p0  }
0x20: {  	[sflag:s8] =	ssyncset.s32 @!p0 $0xFFFFF086;
	s6 =	sadd.s32 @!p0 s3, s7;
	s7 =	simm.s32 @!p0 $0x108  }
0x21: {  	s3 =	sadd.s32 s3, s9;
	s6 =	sadd.s32 @!p0 $0x88, s6;
	s7 =	simm.s32 @p2 $0x1082  }
0x22: {  	[simem:s7], [sflag:s8] =	dma.local @!p0 [hbm:s6], $0xF7A  }
0x23: {  	s9 =	sor.u32 $0xD0000000, s2;
	s6 =	simm.s32 $0x108;
	_ =	swait.ge @!p0 [sflag:s8], $0x0  }
0x24: {  	s3 =	sadd.s32 $0x88, s3;
	s6 =	simm.s32 @!p1 $0x1082;
	[sflag:s4] =	ssyncset.s32 $0xFFFFF086  }
0x25: {  	[simem:s6], [sflag:s4] =	dma.local [hbm:s3], $0xF7A  }
0x26: {  	[smem:$0x3F9F] =	sst s1;
	(tag) =	ssettag s2;
	_ =	strace s9  }
0x27: {  	s1 =	sld [smem:$0x3FAF]  }
0x28: {  	s2 =	sld [smem:$0x3FB0]  }
0x29: {  	s4 =	sld [smem:$0x3FB2]  }
0x2a: {  	p0 =	seq.s32 s5, $0x0;
	s5 =	sld [smem:$0x3FB3]  }
0x2b: {  	s6 =	sld [smem:$0x3FB4]  }
0x2c: {  	s7 =	sld [smem:$0x3FB5]  }
0x2d: {  	s3 =	simm.s32 $0x108;
	s8 =	sld [smem:$0x3FB6]  }
0x2e: {  	s3 =	simm.s32 @!p0 $0x1082;
	s9 =	sld [smem:$0x3FB7]  }
0x2f: {  	lr =	sadd.s32 s0, s3;
	s0 =	sld [smem:$0x3FAE]  }
0x30: {  	s3 =	sld [smem:$0x3FB1]  }
0x31: {  	[smem:$0x3FBA] =	sst s10  }
0x32: {  	s10 =	sld [smem:$0x3FB8];
	_ =	sdelay $0x3  }
0x33: {  	p0 =	seq.s32 s10, $0x1;
	s10 =	sld [smem:$0x3FBA];
	_ =	sdelay $0x3  }
0x34: {  	[smem:$0x3FBA] =	sst s10  }
0x35: {  	s10 =	sld [smem:$0x3FB9];
	_ =	sdelay $0x3  }
0x36: {  	p1 =	seq.s32 s10, $0x1;
	s10 =	sld [smem:$0x3FBA];
	_ =	sdelay $0x3  }
0x37: {  	[smem:$0x3FBA] =	sst s10  }
0x38: {  	s10 =	sld [smem:$0x3FBB]  }
0x39: {  	_ = 	snop;
	(pc) =	sbr.ind lr, $3  }
0x3a: {  	_ = 	snop  }
0x3b: {  	_ = 	snop  }
0x3c: {  	p2 =	seq.s32 s10, $0x1;
	s10 =	sld [smem:$0x3FBA]  }
0x3d: {  	_ =	shalt  }
0x3e: {  	_ =	shalt  }
0x3f: {  	_ =	shalt  }
0x40: {  	_ =	shalt  }
0x41: {  	_ =	shalt  }
0x42: {  	_ =	shalt  }
0x43: {  	_ =	shalt  }
0x44: {  	_ =	shalt  }
0x45: {  	_ =	shalt  }
0x46: {  	_ =	shalt  }
0x47: {  	_ =	shalt  }
0x48: {  	_ =	shalt  }
0x49: {  	_ =	shalt  }
0x4a: {  	_ =	shalt  }
0x4b: {  	_ =	shalt  }
0x4c: {  	_ =	shalt  }
0x4d: {  	_ =	shalt  }
0x4e: {  	_ =	shalt  }
0x4f: {  	_ =	shalt  }
0x50: {  	_ =	shalt  }
0x51: {  	_ =	shalt  }
0x52: {  	_ =	shalt  }
0x53: {  	_ =	shalt  }
0x54: {  	_ =	shalt  }
0x55: {  	_ =	shalt  }
0x56: {  	_ =	shalt  }
0x57: {  	_ =	shalt  }
0x58: {  	_ =	shalt  }
0x59: {  	_ =	shalt  }
0x5a: {  	_ =	shalt  }
0x5b: {  	_ =	shalt  }
0x5c: {  	_ =	shalt  }
0x5d: {  	_ =	shalt  }
0x5e: {  	_ =	shalt  }
0x5f: {  	_ =	shalt  }
0x60: {  	_ =	shalt  }
0x61: {  	_ =	shalt  }
0x62: {  	_ =	shalt  }
0x63: {  	_ =	shalt  }
0x64: {  	_ =	shalt  }
0x65: {  	_ =	shalt  }
0x66: {  	_ =	shalt  }
0x67: {  	_ =	shalt  }
0x68: {  	_ =	shalt  }
0x69: {  	_ =	shalt  }
0x6a: {  	_ =	shalt  }
0x6b: {  	_ =	shalt  }
0x6c: {  	_ =	shalt  }
0x6d: {  	_ =	shalt  }
0x6e: {  	_ =	shalt  }
0x6f: {  	_ =	shalt  }
0x70: {  	_ =	shalt  }
0x71: {  	_ =	shalt  }
0x72: {  	_ =	shalt  }
0x73: {  	_ =	shalt  }
0x74: {  	_ =	shalt  }
0x75: {  	_ =	shalt  }
0x76: {  	_ =	shalt  }
0x77: {  	_ =	shalt  }
0x78: {  	_ =	shalt  }
0x79: {  	_ =	shalt  }
0x7a: {  	_ =	shalt  }
0x7b: {  	_ =	shalt  }
0x7c: {  	_ =	shalt  }
0x7d: {  	_ =	shalt  }
0x7e: {  	_ =	shalt  }
0x7f: {  	_ =	shalt  }
0x80: {  	_ =	shalt  }
0x81: {  	_ =	shalt  }
0x82: {  	_ =	shalt  }
0x83: {  	_ =	shalt  }
0x84: {  	_ =	shalt  }
0x85: {  	_ =	shalt  }
0x86: {  	_ =	shalt  }
0x87: {  	_ =	shalt  }
.Lfunc_end0:
.L_simem_size_0:
called_computation.1_lowered:
.L_overlay_start_0:
0x88: {  	s2 =	sld [smem:$0x3FD9]  }
0x89: {  	s3 =	sld [smem:$0x3FFE];
	_ =	sdelay $0x1  }
0x8a: {  	s1 =	srdreg.scid  }
0x8b: {  	s0 =	sand.u32 $0x1, s1  }
0x8c: {  	s14 =	sshll.u32 s0, $0xA;
	s2 =	sadd.s32 s3, s2  }
0x8d: {  	s2 =	sadd.s32 s2, s14  }
0x8e: {  	[smem:$0x3FC6] =	sst s2  }
0x8f: {  	_ = 	snop  }
0x90: {  	s2 =	sld [smem:$0x3FD0];
	_ =	sdelay $0x2  }
0x91: {  	s4 =	simm.s32 $0xA;
	s5 =	simm.s32 $0x10;
	s15 =	sld [smem:$0x3FC8]  }
0x92: {  	[smem:s5], [sflag:s4] =	dma.local [hbm:s2], $0x1  }
0x93: {  	_ =	swait.eq [sflag:s4], $0x1  }
0x94: {  	s16 =	sld [smem:$0x10];
	[sflag:s4] =	ssyncset.done $0x0  }
0x95: {  	s17 =	sld [smem:$0x12];
	[sflag:s4] =	ssyncadd.s32 $0xFFFFFFFF  }
0x96: {  	s18 =	sld [smem:$0x13];
	(tm) =	ssettm $0x1  }
0x97: {  	s6 =	sld [smem:$0x3FFB];
	_ =	sdelay $0x3  }
0x98: {  	_ =	strace s6  }
0x99: {  	s6 =	sld [smem:$0x3FFC];
	_ =	sdelay $0x3  }
0x9a: {  	_ =	strace s6  }
0x9b: {  	s6 =	sld [smem:$0x3FFD];
	_ =	sdelay $0x3  }
0x9c: {  	_ =	strace s6  }
0x9d: {  	_ =	strace $0x8FFFFFFF  }
0x9e: {  	s19 =	sld [smem:$0x3FDB];
	_ =	sdelay $0x1  }
0x9f: {  	s7 =	simm.s32 $_scs_section_size  }
0xa0: {  	s8 =	simm.s32 $_size__tile_overlayer_lowered;
	s9 =	simm.s32 $_tile_overlayer_lowered  }
0xa1: {  	s22 =	simm.s32 $0x1BFF;
	s21 =	sshll.u32 s9, $0x1;
	s6 =	sadd.s32 s7, s19  }
0xa2: {  	s10 =	simm.s32 $0x0;
	s20 =	sshll.u32 s8, $0x1;
	s8 =	sadd.s32 s21, s6  }
0xa3: {  	[timem:s10], [sflag:s22] =	dma.local [hbm:s8], s20  }
0xa4: {  	_ =	swait.ge [sflag:s22], s20  }
0xa5: {  	s7 =	ssub.s32 $0x0, s20;
	[sflag:s22] =	ssyncset.done $0x0  }
0xa6: {  	[sflag:s22] =	ssyncadd.s32 s7;
	_ =	sdelay $0x1  }
0xa7: {  	s23 =	simm.s32 $0x1B8B  }
0xa8: {  	_ =	swait.ge [sflag:s23], $0x1  }
0xa9: {  	[sflag:s23] =	ssyncset.done $0x0  }
0xaa: {  	s25 =	simm.s32 $0x1B8E;
	s24 =	sld [smem:$0x3FFE];
	[sflag:s23] =	ssyncadd.s32 $0xFFFFFFFF  }
0xab: {  	s26 =	simm.s32 $execute0_lowered;
	[smem:$0x3FD2] =	sst s25  }
0xac: {  	s8 =	sshll.u32 s26, $0x1;
	_ =	strace $0x80000046;
	[dreg:$0x1] =	wrdreg $0xFFFFFFFF  }
0xad: {  	s28 =	simm.s32 $_size_execute0_lowered;
	s6 =	sadd.s32 s6, s8;
	[dreg:$0x0] =	wrdreg $0x0  }
0xae: {  	s8 =	sshll.u32 s28, $0x1;
	[dreg:$0x2] =	wrdreg s6  }
0xaf: {  	[dreg:$0x3] =	wrdreg s8  }
0xb0: {  	[dreg:$0x4] =	wrdreg $0xC0  }
0xb1: {  	_ =	task [dreg:s10], $0x5FFFF  }
0xb2: {  	[dreg:$0x1] =	wrdreg $0xFFFFFFFF  }
0xb3: {  	[dreg:$0x0] =	wrdreg $0x60  }
0xb4: {  	[dreg:$0x2] =	wrdreg s16  }
0xb5: {  	[dreg:$0x3] =	wrdreg s17  }
0xb6: {  	[dreg:$0x4] =	wrdreg s15  }
0xb7: {  	[dreg:$0x5] =	wrdreg s24  }
0xb8: {  	[dreg:$0x6] =	wrdreg s18  }
0xb9: {  	[dreg:$0x7] =	wrdreg $0x9  }
0xba: {  	_ =	task.clear_ibuf [dreg:s10], $0x8FFFF;
	_ =	strace $0x90000046  }
0xbb: {  	s29 =	simm.s32 $0x9;
	_ =	strace $0x80000048  }
0xbc: {  	_ =	swait.ge [sflag:s29], $0x1  }
0xbd: {  	[sflag:s29] =	ssyncadd.s32 $0xFFFFFFFF  }
0xbe: {  	_ =	strace $0x90000048  }
0xbf: {  	_ =	sfence  }
0xc0: {  	s30 =	sld [smem:$0x0];
	_ =	sdelay $0x2  }
0xc1: {  	s31 =	sshll.u32 s1, $0xD;
	s1 =	sshrl.u32 s1, $0x2  }
0xc2: {  	s3 =	sand.u32 $0x4000, s31;
	s1 =	sadd.s32 s1, s30  }
0xc3: {  	s0 =	sor.u32 s3, s0;
	s1 =	sshll.u32 s1, $0x11  }
0xc4: {  	s0 =	sor.u32 s1, s0  }
0xc5: {  	s0 =	sadd.s32 $0x8F2B, s0  }
0xc6: {  	[sflag:s0] =	ssyncadd.remote.s32 $0x1  }
0xc7: {  	_ =	sfence.sel $0xFFFF  }
0xc8: {  	[dreg:$0x0] =	wrdreg $0xFFFFFFFF;
	(pc) =	sbr.abs _section_cstart, $3  }
0xc9: {  	[dreg:$0x1] =	wrdreg $0xFFFFFFFF  }
0xca: {  	_ =	task.clear_ibuf [dreg:s10], $0x2FFFF;
	_ =	strace $0x9FFFFFFF  }
0xcb: {  	(tm) =	ssettm $0x7FFFFFFF  }
tec
execute0_lowered:
.L_overlay_start_1:
0x0: {  	(tag) =	ssettag $0x1  }
0x1: {  	s0 =	rddreg [dreg:$0x0]  }
0x2: {  	s3 =	rddreg [dreg:$0x1]  }
0x3: {  	s1 =	rddreg [dreg:$0x2]  }
0x4: {  	s4 =	rddreg [dreg:$0x3]  }
0x5: {  	s5 =	rddreg [dreg:$0x4]  }
0x6: {  	s2 =	simm.s32 $0x0;
	s7 =	srdreg.scid;
	s16 =	stileid.u32  }
0x7: {  	s28 =	simm.s32 $0xA900;
	s29 =	simm.s32 $0x1;
	s30 =	simm.s32 $0x2  }
0x8: {  	s31 =	simm.s32 $0x3;
	[smem:$0x7FF] =	sst s2;
	s6 =	sadd.s32 $0xE00, s4  }
0x9: {  	s12 =	sadd.s32 $0x380E00, s4;
	s7 =	sand.u32 $0x1, s7;
	s18 =	sadd.s32 $0x700E00, s4  }
0xa: {  	s9 =	sshll.u32 s16, $0x1;
	_ =	strace $0x80000047;
	[dreg:$0x8] =	wrdreg s12  }
0xb: {  	s17 =	sadd.s32 $0xA80E00, s4;
	s26 =	smul.u32 $0x700000, s16;
	[dreg:$0x9] =	wrdreg s18  }
0xc: {  	s8 =	ssub.s32 $0x2, s7;
	s9 =	sor.u32 s7, s9;
	[dreg:$0xa] =	wrdreg s17  }
0xd: {  	s20 =	sshrl.u32 s8, $0x1;
	s21 =	sshll.u32 s9, $0xB;
	s10 =	smul.u32 $0x380000, s9  }
0xe: {  	s22 =	sshll.u32 s9, $0x5;
	s4 =	ssub.s32 s8, s20;
	s24 =	sadd.s32 s0, s21  }
0xf: {  	s0 =	sshll.u32 s9, $0xE;
	s3 =	sadd.s32 s3, s22;
	s9 =	sadd.s32 $0x100, s1  }
0x10: {  	s20 =	smul.u32 $0x380000, s7;
	[dreg:$0xc] =	wrdreg s3;
	s3 =	sshrl.u32 s16, $0x2  }
0x11: {  	s23 =	sadd.s32 $0xFE772000, s10;
	s11 =	sadd.s32 $0xFE779000, s10;
	s19 =	sadd.s32 $0xFCB72000, s10  }
0x12: {  	s13 =	sadd.s32 $0xFCB79000, s10;
	s15 =	sadd.s32 $0xFAF72000, s10;
	s0 =	sadd.s32 s0, s5  }
0x13: {  	s4 =	smax.u32 s4, $0x1;
	[dreg:$0xb] =	wrdreg s24;
	s14 =	smul.u32 $0x1C00, s3  }
0x14: {  	s8 =	sshrl.u32 s23, $0x3;
	s25 =	sshrl.u32 s11, $0x3;
	s23 =	smul.u32 $0xE0000, s16  }
0x15: {  	s21 =	sshrl.u32 s13, $0x3;
	s13 =	smul.u32 $0x70000, s7;
	[dreg:$0x17] =	wrdreg s4  }
0x16: {  	p0 =	sgt.s32 s3, $0x1;
	p1 =	seq.s32 s3, $0x0;
	s8 =	sadd.s32 s12, s8  }
0x17: {  	p2 =	seq.s32 s3, $0x2;
	[dreg:$0xd] =	wrdreg s8;
	s8 =	sadd.s32 s12, s25  }
0x18: {  	s25 =	sadd.s32 s20, s26;
	s22 =	sadd.s32 $0xFFF91C00, s14;
	s26 =	sadd.s32 $0xFAF79000, s10  }
0x19: {  	s10 =	sshrl.u32 s10, $0x3;
	s12 =	simm.s32 $0xC100;
	[dreg:$0xe] =	wrdreg s8  }
0x1a: {  	s8 =	sshrl.u32 s19, $0x3;
	[dreg:$0x6] =	wrdreg s22;
	s10 =	sadd.s32 s6, s10  }
0x1b: {  	s6 =	sadd.s32 s23, s6;
	s11 =	sshrl.u32 s26, $0x3;
	s22 =	sadd.s32 $0x3C00, s0  }
0x1c: {  	s0 =	sadd.s32 $0x3E00, s0;
	s23 =	sshll.u32 s7, $0xE;
	s26 =	sshll.u32 s3, $0x8  }
0x1d: {  	s7 =	simm.s32 $0x5100;
	s3 =	simm.s32 $0x12100;
	[dreg:$0x1a] =	wrdreg s25  }
0x1e: {  	s8 =	sadd.s32 s18, s8;
	s19 =	sadd.s32 s17, s11;
	[dreg:$0x15] =	wrdreg s22  }
0x1f: {  	s6 =	sadd.s32 s13, s6;
	s20 =	sadd.s32 $0x6E400, s10;
	[dreg:$0x16] =	wrdreg s0  }
0x20: {  	s10 =	sadd.s32 $0x6F200, s10;
	s4 =	sadd.s32 $0x1B0, s26;
	[dreg:$0xf] =	wrdreg s8  }
0x21: {  	s26 =	simm.s32 $0x4100;
	s22 =	simm.s32 $0x7900;
	[dreg:$0x12] =	wrdreg s19  }
0x22: {  	s13 =	simm.s32 $0xC900;
	s11 =	simm.s32 $0x13100;
	[dreg:$0x13] =	wrdreg s20  }
0x23: {  	s8 =	sadd.s32 s18, s21;
	s18 =	sshrl.u32 s15, $0x3;
	[dreg:$0x14] =	wrdreg s10  }
0x24: {  	s6 =	sadd.s32 s14, s6;
	s21 =	sshll.u32 s16, $0xF;
	[dreg:$0x18] =	wrdreg s4  }
0x25: {  	s19 =	simm.s32 $0x6100;
	s20 =	simm.s32 $0x6900;
	s4 =	simm.s32 $0x8900  }
0x26: {  	s10 =	simm.s32 $0xB900;
	s15 =	simm.s32 $0x0;
	[dreg:$0x10] =	wrdreg s8  }
0x27: {  	s8 =	sadd.s32 s17, s18;
	s5 =	sadd.s32 s21, s5;
	[dreg:$0x7] =	wrdreg s6  }
0x28: {  	s17 =	simm.s32 $0x4900;
	s21 =	simm.s32 $0x7100;
	s6 =	simm.s32 $0x9900  }
0x29: {  	v2 =	vlaneseq.u32;
	vm1 =	vcmask $0x2720;
	vm2 =	vcmask $0x700;
	s18 =	simm.s32 $0xB100;
	[dreg:$0x11] =	wrdreg s8;
	s0 =	sadd.s32 s23, s5  }
0x2a: {  	vm0 =	vmmov $0xffff;
	v0 =	vand.u32 $0x7, v2;
	v1 =	vshrl.u32 v2, $0x3;
	s8 =	simm.s32 $0x5900;
	s23 =	simm.s32 $0x8100;
	s0 =	sadd.s32 $0x200, s0  }
0x2b: {  	v2 =	vor.u32 $0x8, v2;
	vm1 =	vmor vm2, vm1;
	v1 =	vmul.u32 $0x8, v1;
	s5 =	simm.s32 $0x9100;
	[dreg:$0x19] =	wrdreg s0;
	s0 =	simm.s32 $0x4  }
.LBB2_1:
0x2c: {  	[tilespmem:s2], [sflag:$0x5] =	stream.linear.gather [hbm4b:s24+s2], $0x4000, $0x38;
	[tilespmem:$0x14100] =	vst v63  }
0x2d: {  	[dreg:$0x1b] =	wrdreg s15;
	s25 =	simm.s32 $0x5  }
0x2e: {  	_ =	swait.ge [sflag:s25], $0x4000  }
0x2f: {  	[sflag:s25] =	ssyncset.done $0x0  }
0x30: {  	s16 =	simm.s32 $0x4000;
	s14 =	rddreg [dreg:$0xc];
	[sflag:s25] =	ssyncadd.s32 $0xFFFFC000  }
0x31: {  	[tilespmem:s16], [sflag:$0x5] =	stream.linear.gather [hbm4b:s14+s2], $0x100, $0x38;
	[tilespmem:$0x14100] =	vst v63  }
0x32: {  	_ =	swait.ge [sflag:s25], $0x100  }
0x33: {  	[sflag:s25] =	ssyncset.done $0x0  }
0x34: {  	[sflag:s25] =	ssyncadd.s32 $0xFFFFFF00  }
0x35: {  	v3 =	vld [tilespmem:$0x0];
	_ =	sdelay $0x4  }
0x36: {  	v4 =	vshll.u32 v3, $0x2  }
0x37: {  	v3 =	vand.u32 $0x7, v3;
	v4 =	vand.u32 $0xFFFFFFE0, v4  }
0x38: {  	v3 =	vor.u32 v3, v4  }
0x39: {  	v4 =	vperm.xlane v3, v0;
	_ =	sdelay $0x1  }
0x3a: {  	v4 =	vadd.s32 v1, v4;
	_ =	sdelay $0x1  }
0x3b: {  	v3 =	vperm.xlane v3, v2;
	_ =	sdelay $0x1  }
0x3c: {  	v3 =	vadd.s32 v1, v3  }
0x3d: {  	[tilespmem:s26], [sflag:$0x1] =	stream.indirect_vreg.gather [hbm4b:s1+s2], $0x80, v4, vm0, $0xb8;
	[tilespmem:$0x14100] =	vst v63  }
0x3e: {  	_ = 	snop  }
0x3f: {  	[tilespmem:s17], [sflag:$0x1] =	stream.indirect_vreg.gather [hbm4b:s9+s2], $0x80, v4, vm0, $0xb8;
	[tilespmem:$0x14100] =	vst v63  }
0x40: {  	_ = 	snop  }
0x41: {  	[tilespmem:s7], [sflag:$0x1] =	stream.indirect_vreg.gather [hbm4b:s1+s2], $0x80, v3, vm0, $0xb8;
	[tilespmem:$0x14100] =	vst v63  }
0x42: {  	_ = 	snop  }
0x43: {  	[tilespmem:s8], [sflag:$0x1] =	stream.indirect_vreg.gather [hbm4b:s9+s2], $0x80, v3, vm0, $0xb8;
	[tilespmem:$0x14100] =	vst v63  }
0x44: {  	v3 =	vld [tilespmem:$0x10];
	_ =	sdelay $0x4  }
0x45: {  	v57 =	vshll.u32 v3, $0x2  }
0x46: {  	v3 =	vand.u32 $0x7, v3;
	v4 =	vand.u32 $0xFFFFFFE0, v57  }
0x47: {  	v3 =	vor.u32 v3, v4  }
0x48: {  	v4 =	vperm.xlane v3, v0;
	_ =	sdelay $0x1  }
0x49: {  	v4 =	vadd.s32 v1, v4;
	_ =	sdelay $0x1  }
0x4a: {  	v3 =	vperm.xlane v3, v2;
	_ =	sdelay $0x1  }
0x4b: {  	v3 =	vadd.s32 v1, v3  }
0x4c: {  	[tilespmem:s19], [sflag:$0x1] =	stream.indirect_vreg.gather [hbm4b:s1+s2], $0x80, v4, vm0, $0xb8;
	[tilespmem:$0x14100] =	vst v63  }
0x4d: {  	_ = 	snop  }
0x4e: {  	[tilespmem:s20], [sflag:$0x1] =	stream.indirect_vreg.gather [hbm4b:s9+s2], $0x80, v4, vm0, $0xb8;
	[tilespmem:$0x14100] =	vst v63  }
0x4f: {  	_ = 	snop  }
0x50: {  	[tilespmem:s21], [sflag:$0x1] =	stream.indirect_vreg.gather [hbm4b:s1+s2], $0x80, v3, vm0, $0xb8;
	[tilespmem:$0x14100] =	vst v63  }
0x51: {  	_ = 	snop  }
0x52: {  	[tilespmem:s22], [sflag:$0x1] =	stream.indirect_vreg.gather [hbm4b:s9+s2], $0x80, v3, vm0, $0xb8;
	[tilespmem:$0x14100] =	vst v63  }
0x53: {  	v3 =	vld [tilespmem:$0x20];
	_ =	sdelay $0x4  }
0x54: {  	v58 =	vshll.u32 v3, $0x2  }
0x55: {  	v3 =	vand.u32 $0x7, v3;
	v4 =	vand.u32 $0xFFFFFFE0, v58  }
0x56: {  	v3 =	vor.u32 v3, v4  }
0x57: {  	v4 =	vperm.xlane v3, v0;
	_ =	sdelay $0x1  }
0x58: {  	v4 =	vadd.s32 v1, v4;
	_ =	sdelay $0x1  }
0x59: {  	v3 =	vperm.xlane v3, v2;
	_ =	sdelay $0x1  }
0x5a: {  	v3 =	vadd.s32 v1, v3  }
0x5b: {  	[tilespmem:s23], [sflag:$0x1] =	stream.indirect_vreg.gather [hbm4b:s1+s2], $0x80, v4, vm0, $0xb8;
	[tilespmem:$0x14100] =	vst v63  }
0x5c: {  	_ = 	snop  }
0x5d: {  	[tilespmem:s4], [sflag:$0x1] =	stream.indirect_vreg.gather [hbm4b:s9+s2], $0x80, v4, vm0, $0xb8;
	[tilespmem:$0x14100] =	vst v63  }
0x5e: {  	_ = 	snop  }
0x5f: {  	[tilespmem:s5], [sflag:$0x1] =	stream.indirect_vreg.gather [hbm4b:s1+s2], $0x80, v3, vm0, $0xb8;
	[tilespmem:$0x14100] =	vst v63  }
0x60: {  	_ = 	snop  }
0x61: {  	[tilespmem:s6], [sflag:$0x1] =	stream.indirect_vreg.gather [hbm4b:s9+s2], $0x80, v3, vm0, $0xb8;
	[tilespmem:$0x14100] =	vst v63  }
0x62: {  	v3 =	vld.msk [tilespmem:$0x30], $0x3;
	_ =	sdelay $0x4  }
0x63: {  	v59 =	vshll.u32 v3, $0x2  }
0x64: {  	v3 =	vand.u32 $0x7, v3;
	v4 =	vand.u32 $0xFFFFFFE0, v59  }
0x65: {  	v3 =	vor.u32 v3, v4  }
0x66: {  	v3 =	vperm.xlane v3, v0;
	_ =	sdelay $0x1  }
0x67: {  	v3 =	vadd.s32 v1, v3;
	_ =	sdelay $0x3  }
0x68: {  	s14 =	simm.s32 $0xA100  }
0x69: {  	[tilespmem:s14], [sflag:$0x1] =	stream.indirect_vreg.gather [hbm4b:s1+s2], $0x80, v3, vm1, $0xb8;
	[tilespmem:$0x14100] =	vst v63  }
0x6a: {  	_ = 	snop  }
0x6b: {  	[tilespmem:s28], [sflag:$0x1] =	stream.indirect_vreg.gather [hbm4b:s9+s2], $0x80, v3, vm1, $0xb8;
	[tilespmem:$0x14100] =	vst v63  }
0x6c: {  	v3 =	vld [tilespmem:$0x80];
	_ =	sdelay $0x4  }
0x6d: {  	v60 =	vshll.u32 v3, $0x2  }
0x6e: {  	v3 =	vand.u32 $0x7, v3;
	v4 =	vand.u32 $0xFFFFFFE0, v60  }
0x6f: {  	v3 =	vor.u32 v3, v4  }
0x70: {  	v4 =	vperm.xlane v3, v0;
	_ =	sdelay $0x1  }
0x71: {  	v4 =	vadd.s32 v1, v4;
	_ =	sdelay $0x1  }
0x72: {  	v3 =	vperm.xlane v3, v2;
	_ =	sdelay $0x1  }
0x73: {  	v3 =	vadd.s32 v1, v3  }
0x74: {  	[tilespmem:s18], [sflag:$0x2] =	stream.indirect_vreg.gather [hbm4b:s1+s2], $0x80, v4, vm0, $0xb8;
	[tilespmem:$0x14100] =	vst v63  }
0x75: {  	_ = 	snop  }
0x76: {  	[tilespmem:s10], [sflag:$0x2] =	stream.indirect_vreg.gather [hbm4b:s9+s2], $0x80, v4, vm0, $0xb8;
	[tilespmem:$0x14100] =	vst v63  }
0x77: {  	_ = 	snop  }
0x78: {  	[tilespmem:s12], [sflag:$0x2] =	stream.indirect_vreg.gather [hbm4b:s1+s2], $0x80, v3, vm0, $0xb8;
	[tilespmem:$0x14100] =	vst v63  }
0x79: {  	_ = 	snop  }
0x7a: {  	[tilespmem:s13], [sflag:$0x2] =	stream.indirect_vreg.gather [hbm4b:s9+s2], $0x80, v3, vm0, $0xb8;
	[tilespmem:$0x14100] =	vst v63  }
0x7b: {  	v3 =	vld [tilespmem:$0x90];
	_ =	sdelay $0x4  }
0x7c: {  	v61 =	vshll.u32 v3, $0x2  }
0x7d: {  	v3 =	vand.u32 $0x7, v3;
	v4 =	vand.u32 $0xFFFFFFE0, v61  }
0x7e: {  	v3 =	vor.u32 v3, v4  }
0x7f: {  	v4 =	vperm.xlane v3, v0;
	_ =	sdelay $0x1  }
0x80: {  	v4 =	vadd.s32 v1, v4;
	_ =	sdelay $0x1  }
0x81: {  	v3 =	vperm.xlane v3, v2;
	_ =	sdelay $0x1  }
0x82: {  	s15 =	simm.s32 $0xD100;
	v3 =	vadd.s32 v1, v3  }
0x83: {  	[tilespmem:s15], [sflag:$0x2] =	stream.indirect_vreg.gather [hbm4b:s1+s2], $0x80, v4, vm0, $0xb8;
	[tilespmem:$0x14100] =	vst v63  }
0x84: {  	s16 =	simm.s32 $0xD900  }
0x85: {  	[tilespmem:s16], [sflag:$0x2] =	stream.indirect_vreg.gather [hbm4b:s9+s2], $0x80, v4, vm0, $0xb8;
	[tilespmem:$0x14100] =	vst v63  }
0x86: {  	s17 =	simm.s32 $0xE100  }
0x87: {  	[tilespmem:s17], [sflag:$0x2] =	stream.indirect_vreg.gather [hbm4b:s1+s2], $0x80, v3, vm0, $0xb8;
	[tilespmem:$0x14100] =	vst v63  }
0x88: {  	s19 =	simm.s32 $0xE900  }
0x89: {  	[tilespmem:s19], [sflag:$0x2] =	stream.indirect_vreg.gather [hbm4b:s9+s2], $0x80, v3, vm0, $0xb8;
	[tilespmem:$0x14100] =	vst v63  }
0x8a: {  	v3 =	vld [tilespmem:$0xA0];
	_ =	sdelay $0x4  }
0x8b: {  	v62 =	vshll.u32 v3, $0x2  }
0x8c: {  	v3 =	vand.u32 $0x7, v3;
	v4 =	vand.u32 $0xFFFFFFE0, v62  }
0x8d: {  	v3 =	vor.u32 v3, v4  }
0x8e: {  	v4 =	vperm.xlane v3, v0;
	_ =	sdelay $0x1  }
0x8f: {  	v4 =	vadd.s32 v1, v4;
	_ =	sdelay $0x1  }
0x90: {  	v3 =	vperm.xlane v3, v2;
	_ =	sdelay $0x1  }
0x91: {  	s20 =	simm.s32 $0xF100;
	v3 =	vadd.s32 v1, v3  }
0x92: {  	[tilespmem:s20], [sflag:$0x2] =	stream.indirect_vreg.gather [hbm4b:s1+s2], $0x80, v4, vm0, $0xb8;
	[tilespmem:$0x14100] =	vst v63  }
0x93: {  	s21 =	simm.s32 $0xF900  }
0x94: {  	[tilespmem:s21], [sflag:$0x2] =	stream.indirect_vreg.gather [hbm4b:s9+s2], $0x80, v4, vm0, $0xb8;
	[tilespmem:$0x14100] =	vst v63  }
0x95: {  	s22 =	simm.s32 $0x10100  }
0x96: {  	[tilespmem:s22], [sflag:$0x2] =	stream.indirect_vreg.gather [hbm4b:s1+s2], $0x80, v3, vm0, $0xb8;
	[tilespmem:$0x14100] =	vst v63  }
0x97: {  	s23 =	simm.s32 $0x10900  }
0x98: {  	[tilespmem:s23], [sflag:$0x2] =	stream.indirect_vreg.gather [hbm4b:s9+s2], $0x80, v3, vm0, $0xb8;
	[tilespmem:$0x14100] =	vst v63  }
0x99: {  	v3 =	vld.msk [tilespmem:$0xB0], $0x3;
	_ =	sdelay $0x4  }
0x9a: {  	v63 =	vshll.u32 v3, $0x2  }
0x9b: {  	v3 =	vand.u32 $0x7, v3;
	v4 =	vand.u32 $0xFFFFFFE0, v63  }
0x9c: {  	v3 =	vor.u32 v3, v4  }
0x9d: {  	v3 =	vperm.xlane v3, v0;
	_ =	sdelay $0x1  }
0x9e: {  	v3 =	vadd.s32 v1, v3;
	_ =	sdelay $0x2  }
.Ltmp0:
0x9f: {  	_ = 	snop;
	(pc) =	sbr.rel @p0 .LBB2_9-.Ltmp0, $4  }
0xa0: {  	s24 =	simm.s32 $0x11100  }
0xa1: {  	[tilespmem:s24], [sflag:$0x2] =	stream.indirect_vreg.gather [hbm4b:s1+s2], $0x80, v3, vm1, $0xb8;
	[tilespmem:$0x14100] =	vst v63  }
0xa2: {  	s25 =	simm.s32 $0x11900;
	s14 =	simm.s32 $0xFFC8E000;
	s15 =	simm.s32 $0x1B0  }
0xa3: {  	[tilespmem:s25], [sflag:$0x2] =	stream.indirect_vreg.gather [hbm4b:s9+s2], $0x80, v3, vm1, $0xb8;
	[tilespmem:$0x14100] =	vst v63  }
0xa4: {  	s22 =	simm.s32 $0x11100  }
.Ltmp1:
0xa5: {  	s13 =	simm.s32 $0x11900;
	s16 =	rddreg [dreg:$0x18];
	(pc) =	sbr.rel @!p1 .LBB2_5-.Ltmp1, $4  }
0xa6: {  	s17 =	simm.s32 $0x0;
	s7 =	simm.s32 $0x5100;
	s8 =	simm.s32 $0x5900  }
0xa7: {  	s19 =	simm.s32 $0x6100;
	s20 =	simm.s32 $0x6900;
	s21 =	simm.s32 $0x7100  }
0xa8: {  	s23 =	simm.s32 $0x7900;
	s24 =	simm.s32 $0x8100;
	s4 =	simm.s32 $0x8900  }
0xa9: {  	s5 =	simm.s32 $0x9100;
	s6 =	simm.s32 $0x9900;
	s25 =	simm.s32 $0xA100  }
.LBB2_3:
0xaa: {  	_ =	swait.ge [sflag:s29], $0x6400  }
0xab: {  	s14 =	rddreg [dreg:$0x7];
	[sflag:s29] =	ssyncset.done $0x0  }
0xac: {  	[sflag:s29] =	ssyncadd.s32 $0xFFFF9C00;
	s14 =	sadd.s32 s17, s14  }
0xad: {  	[hbm4b:s14+s2] =	stream.linear.scatter [tilespmem:s26], [sflag:$0x3], $0x6000, $0x38;
	[tilespmem:$0x14100] =	vst v63  }
0xae: {  	_ =	swait.ge [sflag:s30], $0x6400  }
0xaf: {  	[sflag:s30] =	ssyncset.done $0x0  }
0xb0: {  	s14 =	sadd.s32 $0xE00, s14;
	[sflag:s30] =	ssyncadd.s32 $0xFFFF9C00  }
0xb1: {  	[hbm4b:s14+s2] =	stream.linear.scatter [tilespmem:s18], [sflag:$0x4], $0x6000, $0x38;
	[tilespmem:$0x14100] =	vst v63  }
0xb2: {  	_ =	swait.ge [sflag:s31], $0x6000  }
0xb3: {  	[sflag:s31] =	ssyncset.done $0x0  }
0xb4: {  	[sflag:s31] =	ssyncadd.s32 $0xFFFFA000  }
0xb5: {  	v3 =	vld [tilespmem:s16+$0xFFFFFF50];
	_ =	sdelay $0x4  }
0xb6: {  	v4 =	vshll.u32 v3, $0x2  }
0xb7: {  	v3 =	vand.u32 $0x7, v3;
	v4 =	vand.u32 $0xFFFFFFE0, v4  }
0xb8: {  	v3 =	vor.u32 v3, v4  }
0xb9: {  	v4 =	vperm.xlane v3, v0;
	_ =	sdelay $0x1  }
0xba: {  	v4 =	vadd.s32 v1, v4;
	_ =	sdelay $0x1  }
0xbb: {  	v3 =	vperm.xlane v3, v2;
	_ =	sdelay $0x1  }
0xbc: {  	v3 =	vadd.s32 v1, v3  }
0xbd: {  	[tilespmem:s26], [sflag:$0x1] =	stream.indirect_vreg.gather [hbm4b:s1+s2], $0x80, v4, vm0, $0xb8;
	[tilespmem:$0x14100] =	vst v63  }
0xbe: {  	s15 =	simm.s32 $0x4900  }
0xbf: {  	[tilespmem:s15], [sflag:$0x1] =	stream.indirect_vreg.gather [hbm4b:s9+s2], $0x80, v4, vm0, $0xb8;
	[tilespmem:$0x14100] =	vst v63  }
0xc0: {  	_ = 	snop  }
0xc1: {  	[tilespmem:s7], [sflag:$0x1] =	stream.indirect_vreg.gather [hbm4b:s1+s2], $0x80, v3, vm0, $0xb8;
	[tilespmem:$0x14100] =	vst v63  }
0xc2: {  	_ = 	snop  }
0xc3: {  	[tilespmem:s8], [sflag:$0x1] =	stream.indirect_vreg.gather [hbm4b:s9+s2], $0x80, v3, vm0, $0xb8;
	[tilespmem:$0x14100] =	vst v63  }
0xc4: {  	v3 =	vld [tilespmem:s16+$0xFFFFFF60];
	_ =	sdelay $0x4  }
0xc5: {  	v57 =	vshll.u32 v3, $0x2  }
0xc6: {  	v3 =	vand.u32 $0x7, v3;
	v4 =	vand.u32 $0xFFFFFFE0, v57  }
0xc7: {  	v3 =	vor.u32 v3, v4  }
0xc8: {  	v4 =	vperm.xlane v3, v0;
	_ =	sdelay $0x1  }
0xc9: {  	v4 =	vadd.s32 v1, v4;
	_ =	sdelay $0x1  }
0xca: {  	v3 =	vperm.xlane v3, v2;
	_ =	sdelay $0x1  }
0xcb: {  	v3 =	vadd.s32 v1, v3  }
0xcc: {  	[tilespmem:s19], [sflag:$0x1] =	stream.indirect_vreg.gather [hbm4b:s1+s2], $0x80, v4, vm0, $0xb8;
	[tilespmem:$0x14100] =	vst v63  }
0xcd: {  	_ = 	snop  }
0xce: {  	[tilespmem:s20], [sflag:$0x1] =	stream.indirect_vreg.gather [hbm4b:s9+s2], $0x80, v4, vm0, $0xb8;
	[tilespmem:$0x14100] =	vst v63  }
0xcf: {  	_ = 	snop  }
0xd0: {  	[tilespmem:s21], [sflag:$0x1] =	stream.indirect_vreg.gather [hbm4b:s1+s2], $0x80, v3, vm0, $0xb8;
	[tilespmem:$0x14100] =	vst v63  }
0xd1: {  	_ = 	snop  }
0xd2: {  	[tilespmem:s23], [sflag:$0x1] =	stream.indirect_vreg.gather [hbm4b:s9+s2], $0x80, v3, vm0, $0xb8;
	[tilespmem:$0x14100] =	vst v63  }
0xd3: {  	v3 =	vld [tilespmem:s16+$0xFFFFFF70];
	_ =	sdelay $0x4  }
0xd4: {  	v58 =	vshll.u32 v3, $0x2  }
0xd5: {  	v3 =	vand.u32 $0x7, v3;
	v4 =	vand.u32 $0xFFFFFFE0, v58  }
0xd6: {  	v3 =	vor.u32 v3, v4  }
0xd7: {  	v4 =	vperm.xlane v3, v0;
	_ =	sdelay $0x1  }
0xd8: {  	v4 =	vadd.s32 v1, v4;
	_ =	sdelay $0x1  }
0xd9: {  	v3 =	vperm.xlane v3, v2;
	_ =	sdelay $0x1  }
0xda: {  	v3 =	vadd.s32 v1, v3  }
0xdb: {  	[tilespmem:s24], [sflag:$0x1] =	stream.indirect_vreg.gather [hbm4b:s1+s2], $0x80, v4, vm0, $0xb8;
	[tilespmem:$0x14100] =	vst v63  }
0xdc: {  	_ = 	snop  }
0xdd: {  	[tilespmem:s4], [sflag:$0x1] =	stream.indirect_vreg.gather [hbm4b:s9+s2], $0x80, v4, vm0, $0xb8;
	[tilespmem:$0x14100] =	vst v63  }
0xde: {  	_ = 	snop  }
0xdf: {  	[tilespmem:s5], [sflag:$0x1] =	stream.indirect_vreg.gather [hbm4b:s1+s2], $0x80, v3, vm0, $0xb8;
	[tilespmem:$0x14100] =	vst v63  }
0xe0: {  	_ = 	snop  }
0xe1: {  	[tilespmem:s6], [sflag:$0x1] =	stream.indirect_vreg.gather [hbm4b:s9+s2], $0x80, v3, vm0, $0xb8;
	[tilespmem:$0x14100] =	vst v63  }
0xe2: {  	v3 =	vld.msk [tilespmem:s16+$0xFFFFFF80], $0x3;
	_ =	sdelay $0x4  }
0xe3: {  	v59 =	vshll.u32 v3, $0x2  }
0xe4: {  	v3 =	vand.u32 $0x7, v3;
	v4 =	vand.u32 $0xFFFFFFE0, v59  }
0xe5: {  	v3 =	vor.u32 v3, v4  }
0xe6: {  	v3 =	vperm.xlane v3, v0;
	_ =	sdelay $0x1  }
0xe7: {  	v3 =	vadd.s32 v1, v3;
	_ =	sdelay $0x4  }
0xe8: {  	[tilespmem:s25], [sflag:$0x1] =	stream.indirect_vreg.gather [hbm4b:s1+s2], $0x80, v3, vm1, $0xb8;
	[tilespmem:$0x14100] =	vst v63  }
0xe9: {  	_ = 	snop  }
0xea: {  	[tilespmem:s28], [sflag:$0x1] =	stream.indirect_vreg.gather [hbm4b:s9+s2], $0x80, v3, vm1, $0xb8;
	[tilespmem:$0x14100] =	vst v63  }
0xeb: {  	_ =	swait.ge [sflag:s0], $0x6000  }
0xec: {  	[sflag:s0] =	ssyncset.done $0x0  }
0xed: {  	[sflag:s0] =	ssyncadd.s32 $0xFFFFA000  }
0xee: {  	v3 =	vld [tilespmem:s16+$0xFFFFFFD0];
	_ =	sdelay $0x4  }
0xef: {  	v60 =	vshll.u32 v3, $0x2  }
0xf0: {  	v3 =	vand.u32 $0x7, v3;
	v4 =	vand.u32 $0xFFFFFFE0, v60  }
0xf1: {  	v3 =	vor.u32 v3, v4  }
0xf2: {  	v4 =	vperm.xlane v3, v0;
	_ =	sdelay $0x1  }
0xf3: {  	v4 =	vadd.s32 v1, v4;
	_ =	sdelay $0x1  }
0xf4: {  	v3 =	vperm.xlane v3, v2;
	_ =	sdelay $0x1  }
0xf5: {  	v3 =	vadd.s32 v1, v3  }
0xf6: {  	[tilespmem:s18], [sflag:$0x2] =	stream.indirect_vreg.gather [hbm4b:s1+s2], $0x80, v4, vm0, $0xb8;
	[tilespmem:$0x14100] =	vst v63  }
0xf7: {  	_ = 	snop  }
0xf8: {  	[tilespmem:s10], [sflag:$0x2] =	stream.indirect_vreg.gather [hbm4b:s9+s2], $0x80, v4, vm0, $0xb8;
	[tilespmem:$0x14100] =	vst v63  }
0xf9: {  	_ = 	snop  }
0xfa: {  	[tilespmem:s12], [sflag:$0x2] =	stream.indirect_vreg.gather [hbm4b:s1+s2], $0x80, v3, vm0, $0xb8;
	[tilespmem:$0x14100] =	vst v63  }
0xfb: {  	s15 =	simm.s32 $0xC900  }
0xfc: {  	[tilespmem:s15], [sflag:$0x2] =	stream.indirect_vreg.gather [hbm4b:s9+s2], $0x80, v3, vm0, $0xb8;
	[tilespmem:$0x14100] =	vst v63  }
0xfd: {  	v3 =	vld [tilespmem:s16+$0xFFFFFFE0];
	_ =	sdelay $0x4  }
0xfe: {  	v61 =	vshll.u32 v3, $0x2  }
0xff: {  	v3 =	vand.u32 $0x7, v3;
	v4 =	vand.u32 $0xFFFFFFE0, v61  }
0x100: {  	v3 =	vor.u32 v3, v4  }
0x101: {  	v4 =	vperm.xlane v3, v0;
	_ =	sdelay $0x1  }
0x102: {  	v4 =	vadd.s32 v1, v4;
	_ =	sdelay $0x1  }
0x103: {  	v3 =	vperm.xlane v3, v2;
	_ =	sdelay $0x1  }
0x104: {  	s15 =	simm.s32 $0xD100;
	v3 =	vadd.s32 v1, v3  }
0x105: {  	[tilespmem:s15], [sflag:$0x2] =	stream.indirect_vreg.gather [hbm4b:s1+s2], $0x80, v4, vm0, $0xb8;
	[tilespmem:$0x14100] =	vst v63  }
0x106: {  	s15 =	simm.s32 $0xD900  }
0x107: {  	[tilespmem:s15], [sflag:$0x2] =	stream.indirect_vreg.gather [hbm4b:s9+s2], $0x80, v4, vm0, $0xb8;
	[tilespmem:$0x14100] =	vst v63  }
0x108: {  	s15 =	simm.s32 $0xE100  }
0x109: {  	[tilespmem:s15], [sflag:$0x2] =	stream.indirect_vreg.gather [hbm4b:s1+s2], $0x80, v3, vm0, $0xb8;
	[tilespmem:$0x14100] =	vst v63  }
0x10a: {  	s15 =	simm.s32 $0xE900  }
0x10b: {  	[tilespmem:s15], [sflag:$0x2] =	stream.indirect_vreg.gather [hbm4b:s9+s2], $0x80, v3, vm0, $0xb8;
	[tilespmem:$0x14100] =	vst v63  }
0x10c: {  	v3 =	vld [tilespmem:s16+$0xFFFFFFF0];
	_ =	sdelay $0x4  }
0x10d: {  	v62 =	vshll.u32 v3, $0x2  }
0x10e: {  	v3 =	vand.u32 $0x7, v3;
	v4 =	vand.u32 $0xFFFFFFE0, v62  }
0x10f: {  	v3 =	vor.u32 v3, v4  }
0x110: {  	v4 =	vperm.xlane v3, v0;
	_ =	sdelay $0x1  }
0x111: {  	v4 =	vadd.s32 v1, v4;
	_ =	sdelay $0x1  }
0x112: {  	v3 =	vperm.xlane v3, v2;
	_ =	sdelay $0x1  }
0x113: {  	s15 =	simm.s32 $0xF100;
	v3 =	vadd.s32 v1, v3  }
0x114: {  	[tilespmem:s15], [sflag:$0x2] =	stream.indirect_vreg.gather [hbm4b:s1+s2], $0x80, v4, vm0, $0xb8;
	[tilespmem:$0x14100] =	vst v63  }
0x115: {  	s15 =	simm.s32 $0xF900  }
0x116: {  	[tilespmem:s15], [sflag:$0x2] =	stream.indirect_vreg.gather [hbm4b:s9+s2], $0x80, v4, vm0, $0xb8;
	[tilespmem:$0x14100] =	vst v63  }
0x117: {  	s15 =	simm.s32 $0x10100  }
0x118: {  	[tilespmem:s15], [sflag:$0x2] =	stream.indirect_vreg.gather [hbm4b:s1+s2], $0x80, v3, vm0, $0xb8;
	[tilespmem:$0x14100] =	vst v63  }
0x119: {  	s15 =	simm.s32 $0x10900  }
0x11a: {  	[tilespmem:s15], [sflag:$0x2] =	stream.indirect_vreg.gather [hbm4b:s9+s2], $0x80, v3, vm0, $0xb8;
	[tilespmem:$0x14100] =	vst v63  }
0x11b: {  	v3 =	vld.msk [tilespmem:s16+$0x0], $0x3;
	_ =	sdelay $0x4  }
0x11c: {  	v63 =	vshll.u32 v3, $0x2  }
0x11d: {  	v3 =	vand.u32 $0x7, v3;
	v4 =	vand.u32 $0xFFFFFFE0, v63  }
0x11e: {  	v3 =	vor.u32 v3, v4  }
0x11f: {  	v3 =	vperm.xlane v3, v0;
	_ =	sdelay $0x1  }
0x120: {  	s17 =	sadd.s32 $0x1C00, s17;
	s15 =	rddreg [dreg:$0x6];
	v3 =	vadd.s32 v1, v3  }
0x121: {  	s14 =	sadd.s32 s17, s15  }
0x122: {  	p3 =	seq.s32 s14, $0x0  }
.Ltmp2:
0x123: {  	_ = 	snop;
	(pc) =	sbr.rel @!p3 .LBB2_3-.Ltmp2, $4  }
0x124: {  	_ = 	snop  }
0x125: {  	[tilespmem:s22], [sflag:$0x2] =	stream.indirect_vreg.gather [hbm4b:s1+s2], $0x80, v3, vm1, $0xb8;
	[tilespmem:$0x14100] =	vst v63  }
0x126: {  	s16 =	sadd.s32 $0x100, s16  }
0x127: {  	[tilespmem:s13], [sflag:$0x2] =	stream.indirect_vreg.gather [hbm4b:s9+s2], $0x80, v3, vm1, $0xb8;
	[tilespmem:$0x14100] =	vst v63  }
.Ltmp3:
0x128: {  	s6 =	simm.s32 $0x9900;
	(pc) =	sbr.rel .LBB2_12-.Ltmp3, $4  }
0x129: {  	s5 =	simm.s32 $0x9100;
	s4 =	simm.s32 $0x8900;
	s23 =	simm.s32 $0x8100  }
0x12a: {  	s22 =	simm.s32 $0x7900;
	s21 =	simm.s32 $0x7100;
	s20 =	simm.s32 $0x6900  }
0x12b: {  	s19 =	simm.s32 $0x6100;
	s8 =	simm.s32 $0x5900;
	s15 =	rddreg [dreg:$0x13]  }
0x12c: {  	s7 =	simm.s32 $0x5100;
	s17 =	simm.s32 $0x4900;
	s16 =	rddreg [dreg:$0x14]  }
.LBB2_5:
0x12d: {  	s4 =	rddreg [dreg:$0x1a]  }
0x12e: {  	s16 =	sadd.s32 s14, s4  }
0x12f: {  	_ =	swait.ge [sflag:s29], $0x6400;
	s17 =	sadd.s32 $0xFE772000, s16  }
0x130: {  	[sflag:s29] =	ssyncset.done $0x0;
	s25 =	rddreg [dreg:$0x8];
	s17 =	sshrl.u32 s17, $0x3  }
0x131: {  	[sflag:s29] =	ssyncadd.s32 $0xFFFF9C00;
	s17 =	sadd.s32 s25, s17  }
0x132: {  	[hbm4b:s17+s2] =	stream.linear.scatter [tilespmem:s26], [sflag:$0x3], $0x6000, $0x38;
	[tilespmem:$0x14100] =	vst v63  }
0x133: {  	s16 =	sadd.s32 $0xFE779000, s16;
	_ =	swait.ge [sflag:s30], $0x6400  }
0x134: {  	s16 =	sshrl.u32 s16, $0x3;
	[sflag:s30] =	ssyncset.done $0x0  }
0x135: {  	s16 =	sadd.s32 s25, s16;
	[sflag:s30] =	ssyncadd.s32 $0xFFFF9C00  }
0x136: {  	[hbm4b:s16+s2] =	stream.linear.scatter [tilespmem:s18], [sflag:$0x4], $0x6000, $0x38;
	[tilespmem:$0x14100] =	vst v63  }
0x137: {  	_ =	swait.ge [sflag:s31], $0x6000  }
0x138: {  	[sflag:s31] =	ssyncset.done $0x0  }
0x139: {  	[sflag:s31] =	ssyncadd.s32 $0xFFFFA000  }
0x13a: {  	v3 =	vld [tilespmem:s15+$0xFFFFFF50];
	_ =	sdelay $0x4  }
0x13b: {  	v4 =	vshll.u32 v3, $0x2  }
0x13c: {  	v3 =	vand.u32 $0x7, v3;
	v4 =	vand.u32 $0xFFFFFFE0, v4  }
0x13d: {  	v3 =	vor.u32 v3, v4  }
0x13e: {  	v4 =	vperm.xlane v3, v0;
	_ =	sdelay $0x1  }
0x13f: {  	v4 =	vadd.s32 v1, v4;
	_ =	sdelay $0x1  }
0x140: {  	v3 =	vperm.xlane v3, v2;
	_ =	sdelay $0x1  }
0x141: {  	v3 =	vadd.s32 v1, v3  }
0x142: {  	[tilespmem:s26], [sflag:$0x1] =	stream.indirect_vreg.gather [hbm4b:s1+s2], $0x80, v4, vm0, $0xb8;
	[tilespmem:$0x14100] =	vst v63  }
0x143: {  	s25 =	simm.s32 $0x4900  }
0x144: {  	[tilespmem:s25], [sflag:$0x1] =	stream.indirect_vreg.gather [hbm4b:s9+s2], $0x80, v4, vm0, $0xb8;
	[tilespmem:$0x14100] =	vst v63  }
0x145: {  	s7 =	simm.s32 $0x5100  }
0x146: {  	[tilespmem:s7], [sflag:$0x1] =	stream.indirect_vreg.gather [hbm4b:s1+s2], $0x80, v3, vm0, $0xb8;
	[tilespmem:$0x14100] =	vst v63  }
0x147: {  	s8 =	simm.s32 $0x5900  }
0x148: {  	[tilespmem:s8], [sflag:$0x1] =	stream.indirect_vreg.gather [hbm4b:s9+s2], $0x80, v3, vm0, $0xb8;
	[tilespmem:$0x14100] =	vst v63  }
0x149: {  	v3 =	vld [tilespmem:s15+$0xFFFFFF60];
	_ =	sdelay $0x4  }
0x14a: {  	v57 =	vshll.u32 v3, $0x2  }
0x14b: {  	v3 =	vand.u32 $0x7, v3;
	v4 =	vand.u32 $0xFFFFFFE0, v57  }
0x14c: {  	v3 =	vor.u32 v3, v4  }
0x14d: {  	v4 =	vperm.xlane v3, v0;
	_ =	sdelay $0x1  }
0x14e: {  	v4 =	vadd.s32 v1, v4;
	_ =	sdelay $0x1  }
0x14f: {  	v3 =	vperm.xlane v3, v2;
	_ =	sdelay $0x1  }
0x150: {  	s17 =	simm.s32 $0x6100;
	v3 =	vadd.s32 v1, v3  }
0x151: {  	[tilespmem:s17], [sflag:$0x1] =	stream.indirect_vreg.gather [hbm4b:s1+s2], $0x80, v4, vm0, $0xb8;
	[tilespmem:$0x14100] =	vst v63  }
0x152: {  	s19 =	simm.s32 $0x6900  }
0x153: {  	[tilespmem:s19], [sflag:$0x1] =	stream.indirect_vreg.gather [hbm4b:s9+s2], $0x80, v4, vm0, $0xb8;
	[tilespmem:$0x14100] =	vst v63  }
0x154: {  	s20 =	simm.s32 $0x7100  }
0x155: {  	[tilespmem:s20], [sflag:$0x1] =	stream.indirect_vreg.gather [hbm4b:s1+s2], $0x80, v3, vm0, $0xb8;
	[tilespmem:$0x14100] =	vst v63  }
0x156: {  	s21 =	simm.s32 $0x7900  }
0x157: {  	[tilespmem:s21], [sflag:$0x1] =	stream.indirect_vreg.gather [hbm4b:s9+s2], $0x80, v3, vm0, $0xb8;
	[tilespmem:$0x14100] =	vst v63  }
0x158: {  	v3 =	vld [tilespmem:s15+$0xFFFFFF70];
	_ =	sdelay $0x4  }
0x159: {  	v58 =	vshll.u32 v3, $0x2  }
0x15a: {  	v3 =	vand.u32 $0x7, v3;
	v4 =	vand.u32 $0xFFFFFFE0, v58  }
0x15b: {  	v3 =	vor.u32 v3, v4  }
0x15c: {  	v4 =	vperm.xlane v3, v0;
	_ =	sdelay $0x1  }
0x15d: {  	v4 =	vadd.s32 v1, v4;
	_ =	sdelay $0x1  }
0x15e: {  	v3 =	vperm.xlane v3, v2;
	_ =	sdelay $0x1  }
0x15f: {  	s23 =	simm.s32 $0x8100;
	v3 =	vadd.s32 v1, v3  }
0x160: {  	[tilespmem:s23], [sflag:$0x1] =	stream.indirect_vreg.gather [hbm4b:s1+s2], $0x80, v4, vm0, $0xb8;
	[tilespmem:$0x14100] =	vst v63  }
0x161: {  	s4 =	simm.s32 $0x8900  }
0x162: {  	[tilespmem:s4], [sflag:$0x1] =	stream.indirect_vreg.gather [hbm4b:s9+s2], $0x80, v4, vm0, $0xb8;
	[tilespmem:$0x14100] =	vst v63  }
0x163: {  	s5 =	simm.s32 $0x9100  }
0x164: {  	[tilespmem:s5], [sflag:$0x1] =	stream.indirect_vreg.gather [hbm4b:s1+s2], $0x80, v3, vm0, $0xb8;
	[tilespmem:$0x14100] =	vst v63  }
0x165: {  	s6 =	simm.s32 $0x9900  }
0x166: {  	[tilespmem:s6], [sflag:$0x1] =	stream.indirect_vreg.gather [hbm4b:s9+s2], $0x80, v3, vm0, $0xb8;
	[tilespmem:$0x14100] =	vst v63  }
0x167: {  	v3 =	vld.msk [tilespmem:s15+$0xFFFFFF80], $0x3;
	_ =	sdelay $0x4  }
0x168: {  	v59 =	vshll.u32 v3, $0x2  }
0x169: {  	v3 =	vand.u32 $0x7, v3;
	v4 =	vand.u32 $0xFFFFFFE0, v59  }
0x16a: {  	v3 =	vor.u32 v3, v4  }
0x16b: {  	v3 =	vperm.xlane v3, v0;
	_ =	sdelay $0x1  }
0x16c: {  	v3 =	vadd.s32 v1, v3;
	_ =	sdelay $0x3  }
0x16d: {  	s24 =	simm.s32 $0xA100  }
0x16e: {  	[tilespmem:s24], [sflag:$0x1] =	stream.indirect_vreg.gather [hbm4b:s1+s2], $0x80, v3, vm1, $0xb8;
	[tilespmem:$0x14100] =	vst v63  }
0x16f: {  	_ = 	snop  }
0x170: {  	[tilespmem:s28], [sflag:$0x1] =	stream.indirect_vreg.gather [hbm4b:s9+s2], $0x80, v3, vm1, $0xb8;
	[tilespmem:$0x14100] =	vst v63  }
0x171: {  	_ =	swait.ge [sflag:s0], $0x6000  }
0x172: {  	[sflag:s0] =	ssyncset.done $0x0  }
0x173: {  	[sflag:s0] =	ssyncadd.s32 $0xFFFFA000  }
0x174: {  	v3 =	vld [tilespmem:s15+$0xFFFFFFD0];
	_ =	sdelay $0x4  }
0x175: {  	v60 =	vshll.u32 v3, $0x2  }
0x176: {  	v3 =	vand.u32 $0x7, v3;
	v4 =	vand.u32 $0xFFFFFFE0, v60  }
0x177: {  	v3 =	vor.u32 v3, v4  }
0x178: {  	v4 =	vperm.xlane v3, v0;
	_ =	sdelay $0x1  }
0x179: {  	v4 =	vadd.s32 v1, v4;
	_ =	sdelay $0x1  }
0x17a: {  	v3 =	vperm.xlane v3, v2;
	_ =	sdelay $0x1  }
0x17b: {  	v3 =	vadd.s32 v1, v3  }
0x17c: {  	[tilespmem:s18], [sflag:$0x2] =	stream.indirect_vreg.gather [hbm4b:s1+s2], $0x80, v4, vm0, $0xb8;
	[tilespmem:$0x14100] =	vst v63  }
0x17d: {  	_ = 	snop  }
0x17e: {  	[tilespmem:s10], [sflag:$0x2] =	stream.indirect_vreg.gather [hbm4b:s9+s2], $0x80, v4, vm0, $0xb8;
	[tilespmem:$0x14100] =	vst v63  }
0x17f: {  	_ = 	snop  }
0x180: {  	[tilespmem:s12], [sflag:$0x2] =	stream.indirect_vreg.gather [hbm4b:s1+s2], $0x80, v3, vm0, $0xb8;
	[tilespmem:$0x14100] =	vst v63  }
0x181: {  	s8 =	simm.s32 $0xC900  }
0x182: {  	[tilespmem:s8], [sflag:$0x2] =	stream.indirect_vreg.gather [hbm4b:s9+s2], $0x80, v3, vm0, $0xb8;
	[tilespmem:$0x14100] =	vst v63  }
0x183: {  	v3 =	vld [tilespmem:s15+$0xFFFFFFE0];
	_ =	sdelay $0x4  }
0x184: {  	v61 =	vshll.u32 v3, $0x2  }
0x185: {  	v3 =	vand.u32 $0x7, v3;
	v4 =	vand.u32 $0xFFFFFFE0, v61  }
0x186: {  	v3 =	vor.u32 v3, v4  }
0x187: {  	v4 =	vperm.xlane v3, v0;
	_ =	sdelay $0x1  }
0x188: {  	v4 =	vadd.s32 v1, v4;
	_ =	sdelay $0x1  }
0x189: {  	v3 =	vperm.xlane v3, v2;
	_ =	sdelay $0x1  }
0x18a: {  	s16 =	simm.s32 $0xD100;
	v3 =	vadd.s32 v1, v3  }
0x18b: {  	[tilespmem:s16], [sflag:$0x2] =	stream.indirect_vreg.gather [hbm4b:s1+s2], $0x80, v4, vm0, $0xb8;
	[tilespmem:$0x14100] =	vst v63  }
0x18c: {  	s17 =	simm.s32 $0xD900  }
0x18d: {  	[tilespmem:s17], [sflag:$0x2] =	stream.indirect_vreg.gather [hbm4b:s9+s2], $0x80, v4, vm0, $0xb8;
	[tilespmem:$0x14100] =	vst v63  }
0x18e: {  	s19 =	simm.s32 $0xE100  }
0x18f: {  	[tilespmem:s19], [sflag:$0x2] =	stream.indirect_vreg.gather [hbm4b:s1+s2], $0x80, v3, vm0, $0xb8;
	[tilespmem:$0x14100] =	vst v63  }
0x190: {  	s20 =	simm.s32 $0xE900  }
0x191: {  	[tilespmem:s20], [sflag:$0x2] =	stream.indirect_vreg.gather [hbm4b:s9+s2], $0x80, v3, vm0, $0xb8;
	[tilespmem:$0x14100] =	vst v63  }
0x192: {  	v3 =	vld [tilespmem:s15+$0xFFFFFFF0];
	_ =	sdelay $0x4  }
0x193: {  	v62 =	vshll.u32 v3, $0x2  }
0x194: {  	v3 =	vand.u32 $0x7, v3;
	v4 =	vand.u32 $0xFFFFFFE0, v62  }
0x195: {  	v3 =	vor.u32 v3, v4  }
0x196: {  	v4 =	vperm.xlane v3, v0;
	_ =	sdelay $0x1  }
0x197: {  	v4 =	vadd.s32 v1, v4;
	_ =	sdelay $0x1  }
0x198: {  	v3 =	vperm.xlane v3, v2;
	_ =	sdelay $0x1  }
0x199: {  	s21 =	simm.s32 $0xF100;
	v3 =	vadd.s32 v1, v3  }
0x19a: {  	[tilespmem:s21], [sflag:$0x2] =	stream.indirect_vreg.gather [hbm4b:s1+s2], $0x80, v4, vm0, $0xb8;
	[tilespmem:$0x14100] =	vst v63  }
0x19b: {  	s23 =	simm.s32 $0xF900  }
0x19c: {  	[tilespmem:s23], [sflag:$0x2] =	stream.indirect_vreg.gather [hbm4b:s9+s2], $0x80, v4, vm0, $0xb8;
	[tilespmem:$0x14100] =	vst v63  }
0x19d: {  	s24 =	simm.s32 $0x10100  }
0x19e: {  	[tilespmem:s24], [sflag:$0x2] =	stream.indirect_vreg.gather [hbm4b:s1+s2], $0x80, v3, vm0, $0xb8;
	[tilespmem:$0x14100] =	vst v63  }
0x19f: {  	s25 =	simm.s32 $0x10900  }
0x1a0: {  	[tilespmem:s25], [sflag:$0x2] =	stream.indirect_vreg.gather [hbm4b:s9+s2], $0x80, v3, vm0, $0xb8;
	[tilespmem:$0x14100] =	vst v63  }
0x1a1: {  	v3 =	vld.msk [tilespmem:s15+$0x0], $0x3;
	_ =	sdelay $0x4  }
0x1a2: {  	v63 =	vshll.u32 v3, $0x2  }
0x1a3: {  	v3 =	vand.u32 $0x7, v3;
	v4 =	vand.u32 $0xFFFFFFE0, v63  }
0x1a4: {  	v3 =	vor.u32 v3, v4  }
0x1a5: {  	v3 =	vperm.xlane v3, v0;
	_ =	sdelay $0x1  }
0x1a6: {  	v3 =	vadd.s32 v1, v3;
	_ =	sdelay $0x1  }
0x1a7: {  	p3 =	seq.s32 s14, $0xFFFF2000  }
.Ltmp4:
0x1a8: {  	_ = 	snop;
	(pc) =	sbr.rel @!p3 .LBB2_5-.Ltmp4, $4  }
0x1a9: {  	_ = 	snop  }
0x1aa: {  	[tilespmem:s22], [sflag:$0x2] =	stream.indirect_vreg.gather [hbm4b:s1+s2], $0x80, v3, vm1, $0xb8;
	[tilespmem:$0x14100] =	vst v63  }
0x1ab: {  	s14 =	sadd.s32 $0xE000, s14;
	s15 =	sadd.s32 $0x100, s15  }
0x1ac: {  	[tilespmem:s13], [sflag:$0x2] =	stream.indirect_vreg.gather [hbm4b:s9+s2], $0x80, v3, vm1, $0xb8;
	[tilespmem:$0x14100] =	vst v63  }
.Ltmp5:
0x1ad: {  	s6 =	simm.s32 $0x9900;
	(pc) =	sbr.rel .LBB2_12-.Ltmp5, $4  }
0x1ae: {  	s5 =	simm.s32 $0x9100;
	s4 =	simm.s32 $0x8900;
	s23 =	simm.s32 $0x8100  }
0x1af: {  	s22 =	simm.s32 $0x7900;
	s21 =	simm.s32 $0x7100;
	s20 =	simm.s32 $0x6900  }
0x1b0: {  	s19 =	simm.s32 $0x6100;
	s8 =	simm.s32 $0x5900;
	s15 =	rddreg [dreg:$0xd]  }
0x1b1: {  	s7 =	simm.s32 $0x5100;
	s17 =	simm.s32 $0x4900;
	s16 =	rddreg [dreg:$0xe]  }
.LBB2_9:
0x1b2: {  	s6 =	simm.s32 $0x9900  }
.Ltmp6:
0x1b3: {  	s12 =	simm.s32 $0xB900;
	s28 =	simm.s32 $0xA100;
	(pc) =	sbr.rel @!p2 .LBB2_10-.Ltmp6, $4  }
0x1b4: {  	s13 =	simm.s32 $0xC900;
	s7 =	rddreg [dreg:$0x1a];
	s8 =	simm.s32 $0xD100  }
0x1b5: {  	s19 =	simm.s32 $0xD900;
	s21 =	simm.s32 $0xE100;
	s20 =	simm.s32 $0xE900  }
0x1b6: {  	s24 =	simm.s32 $0xF100;
	s23 =	simm.s32 $0xF900;
	s5 =	simm.s32 $0x10100  }
0x1b7: {  	s4 =	simm.s32 $0x10900;
	s25 =	simm.s32 $0x11100;
	s10 =	simm.s32 $0x11900  }
.LBB2_7:
0x1b8: {  	s16 =	sadd.s32 s14, s7  }
0x1b9: {  	_ =	swait.ge [sflag:s29], $0x6400;
	s17 =	sadd.s32 $0xFCB72000, s16  }
0x1ba: {  	[sflag:s29] =	ssyncset.done $0x0;
	s22 =	rddreg [dreg:$0x9];
	s17 =	sshrl.u32 s17, $0x3  }
0x1bb: {  	[sflag:s29] =	ssyncadd.s32 $0xFFFF9C00;
	s17 =	sadd.s32 s22, s17  }
0x1bc: {  	[hbm4b:s17+s2] =	stream.linear.scatter [tilespmem:s26], [sflag:$0x3], $0x6000, $0x38;
	[tilespmem:$0x14100] =	vst v63  }
0x1bd: {  	s16 =	sadd.s32 $0xFCB79000, s16;
	_ =	swait.ge [sflag:s30], $0x6400  }
0x1be: {  	s16 =	sshrl.u32 s16, $0x3;
	[sflag:s30] =	ssyncset.done $0x0  }
0x1bf: {  	s16 =	sadd.s32 s22, s16;
	[sflag:s30] =	ssyncadd.s32 $0xFFFF9C00  }
0x1c0: {  	[hbm4b:s16+s2] =	stream.linear.scatter [tilespmem:s18], [sflag:$0x4], $0x6000, $0x38;
	[tilespmem:$0x14100] =	vst v63  }
0x1c1: {  	_ =	swait.ge [sflag:s31], $0x6000  }
0x1c2: {  	[sflag:s31] =	ssyncset.done $0x0  }
0x1c3: {  	[sflag:s31] =	ssyncadd.s32 $0xFFFFA000  }
0x1c4: {  	v3 =	vld [tilespmem:s15+$0xFFFFFF50];
	_ =	sdelay $0x4  }
0x1c5: {  	v4 =	vshll.u32 v3, $0x2  }
0x1c6: {  	v3 =	vand.u32 $0x7, v3;
	v4 =	vand.u32 $0xFFFFFFE0, v4  }
0x1c7: {  	v3 =	vor.u32 v3, v4  }
0x1c8: {  	v4 =	vperm.xlane v3, v0;
	_ =	sdelay $0x1  }
0x1c9: {  	v4 =	vadd.s32 v1, v4;
	_ =	sdelay $0x1  }
0x1ca: {  	v3 =	vperm.xlane v3, v2;
	_ =	sdelay $0x1  }
0x1cb: {  	v3 =	vadd.s32 v1, v3  }
0x1cc: {  	[tilespmem:s26], [sflag:$0x1] =	stream.indirect_vreg.gather [hbm4b:s1+s2], $0x80, v4, vm0, $0xb8;
	[tilespmem:$0x14100] =	vst v63  }
0x1cd: {  	s17 =	simm.s32 $0x4900  }
0x1ce: {  	[tilespmem:s17], [sflag:$0x1] =	stream.indirect_vreg.gather [hbm4b:s9+s2], $0x80, v4, vm0, $0xb8;
	[tilespmem:$0x14100] =	vst v63  }
0x1cf: {  	s22 =	simm.s32 $0x5100  }
0x1d0: {  	[tilespmem:s22], [sflag:$0x1] =	stream.indirect_vreg.gather [hbm4b:s1+s2], $0x80, v3, vm0, $0xb8;
	[tilespmem:$0x14100] =	vst v63  }
0x1d1: {  	s17 =	simm.s32 $0x5900  }
0x1d2: {  	[tilespmem:s17], [sflag:$0x1] =	stream.indirect_vreg.gather [hbm4b:s9+s2], $0x80, v3, vm0, $0xb8;
	[tilespmem:$0x14100] =	vst v63  }
0x1d3: {  	v3 =	vld [tilespmem:s15+$0xFFFFFF60];
	_ =	sdelay $0x4  }
0x1d4: {  	v57 =	vshll.u32 v3, $0x2  }
0x1d5: {  	v3 =	vand.u32 $0x7, v3;
	v4 =	vand.u32 $0xFFFFFFE0, v57  }
0x1d6: {  	v3 =	vor.u32 v3, v4  }
0x1d7: {  	v4 =	vperm.xlane v3, v0;
	_ =	sdelay $0x1  }
0x1d8: {  	v4 =	vadd.s32 v1, v4;
	_ =	sdelay $0x1  }
0x1d9: {  	v3 =	vperm.xlane v3, v2;
	_ =	sdelay $0x1  }
0x1da: {  	s22 =	simm.s32 $0x6100;
	v3 =	vadd.s32 v1, v3  }
0x1db: {  	[tilespmem:s22], [sflag:$0x1] =	stream.indirect_vreg.gather [hbm4b:s1+s2], $0x80, v4, vm0, $0xb8;
	[tilespmem:$0x14100] =	vst v63  }
0x1dc: {  	s17 =	simm.s32 $0x6900  }
0x1dd: {  	[tilespmem:s17], [sflag:$0x1] =	stream.indirect_vreg.gather [hbm4b:s9+s2], $0x80, v4, vm0, $0xb8;
	[tilespmem:$0x14100] =	vst v63  }
0x1de: {  	s22 =	simm.s32 $0x7100  }
0x1df: {  	[tilespmem:s22], [sflag:$0x1] =	stream.indirect_vreg.gather [hbm4b:s1+s2], $0x80, v3, vm0, $0xb8;
	[tilespmem:$0x14100] =	vst v63  }
0x1e0: {  	s17 =	simm.s32 $0x7900  }
0x1e1: {  	[tilespmem:s17], [sflag:$0x1] =	stream.indirect_vreg.gather [hbm4b:s9+s2], $0x80, v3, vm0, $0xb8;
	[tilespmem:$0x14100] =	vst v63  }
0x1e2: {  	v3 =	vld [tilespmem:s15+$0xFFFFFF70];
	_ =	sdelay $0x4  }
0x1e3: {  	v58 =	vshll.u32 v3, $0x2  }
0x1e4: {  	v3 =	vand.u32 $0x7, v3;
	v4 =	vand.u32 $0xFFFFFFE0, v58  }
0x1e5: {  	v3 =	vor.u32 v3, v4  }
0x1e6: {  	v4 =	vperm.xlane v3, v0;
	_ =	sdelay $0x1  }
0x1e7: {  	v4 =	vadd.s32 v1, v4;
	_ =	sdelay $0x1  }
0x1e8: {  	v3 =	vperm.xlane v3, v2;
	_ =	sdelay $0x1  }
0x1e9: {  	s22 =	simm.s32 $0x8100;
	v3 =	vadd.s32 v1, v3  }
0x1ea: {  	[tilespmem:s22], [sflag:$0x1] =	stream.indirect_vreg.gather [hbm4b:s1+s2], $0x80, v4, vm0, $0xb8;
	[tilespmem:$0x14100] =	vst v63  }
0x1eb: {  	s17 =	simm.s32 $0x8900  }
0x1ec: {  	[tilespmem:s17], [sflag:$0x1] =	stream.indirect_vreg.gather [hbm4b:s9+s2], $0x80, v4, vm0, $0xb8;
	[tilespmem:$0x14100] =	vst v63  }
0x1ed: {  	s22 =	simm.s32 $0x9100  }
0x1ee: {  	[tilespmem:s22], [sflag:$0x1] =	stream.indirect_vreg.gather [hbm4b:s1+s2], $0x80, v3, vm0, $0xb8;
	[tilespmem:$0x14100] =	vst v63  }
0x1ef: {  	_ = 	snop  }
0x1f0: {  	[tilespmem:s6], [sflag:$0x1] =	stream.indirect_vreg.gather [hbm4b:s9+s2], $0x80, v3, vm0, $0xb8;
	[tilespmem:$0x14100] =	vst v63  }
0x1f1: {  	v3 =	vld.msk [tilespmem:s15+$0xFFFFFF80], $0x3;
	_ =	sdelay $0x4  }
0x1f2: {  	v59 =	vshll.u32 v3, $0x2  }
0x1f3: {  	v3 =	vand.u32 $0x7, v3;
	v4 =	vand.u32 $0xFFFFFFE0, v59  }
0x1f4: {  	v3 =	vor.u32 v3, v4  }
0x1f5: {  	v3 =	vperm.xlane v3, v0;
	_ =	sdelay $0x1  }
0x1f6: {  	v3 =	vadd.s32 v1, v3;
	_ =	sdelay $0x4  }
0x1f7: {  	[tilespmem:s28], [sflag:$0x1] =	stream.indirect_vreg.gather [hbm4b:s1+s2], $0x80, v3, vm1, $0xb8;
	[tilespmem:$0x14100] =	vst v63  }
0x1f8: {  	s17 =	simm.s32 $0xA900  }
0x1f9: {  	[tilespmem:s17], [sflag:$0x1] =	stream.indirect_vreg.gather [hbm4b:s9+s2], $0x80, v3, vm1, $0xb8;
	[tilespmem:$0x14100] =	vst v63  }
0x1fa: {  	_ =	swait.ge [sflag:s0], $0x6000  }
0x1fb: {  	[sflag:s0] =	ssyncset.done $0x0  }
0x1fc: {  	[sflag:s0] =	ssyncadd.s32 $0xFFFFA000  }
0x1fd: {  	v3 =	vld [tilespmem:s15+$0xFFFFFFD0];
	_ =	sdelay $0x4  }
0x1fe: {  	v60 =	vshll.u32 v3, $0x2  }
0x1ff: {  	v3 =	vand.u32 $0x7, v3;
	v4 =	vand.u32 $0xFFFFFFE0, v60  }
0x200: {  	v3 =	vor.u32 v3, v4  }
0x201: {  	v4 =	vperm.xlane v3, v0;
	_ =	sdelay $0x1  }
0x202: {  	v4 =	vadd.s32 v1, v4;
	_ =	sdelay $0x1  }
0x203: {  	v3 =	vperm.xlane v3, v2;
	_ =	sdelay $0x1  }
0x204: {  	v3 =	vadd.s32 v1, v3  }
0x205: {  	[tilespmem:s18], [sflag:$0x2] =	stream.indirect_vreg.gather [hbm4b:s1+s2], $0x80, v4, vm0, $0xb8;
	[tilespmem:$0x14100] =	vst v63  }
0x206: {  	_ = 	snop  }
0x207: {  	[tilespmem:s12], [sflag:$0x2] =	stream.indirect_vreg.gather [hbm4b:s9+s2], $0x80, v4, vm0, $0xb8;
	[tilespmem:$0x14100] =	vst v63  }
0x208: {  	s22 =	simm.s32 $0xC100  }
0x209: {  	[tilespmem:s22], [sflag:$0x2] =	stream.indirect_vreg.gather [hbm4b:s1+s2], $0x80, v3, vm0, $0xb8;
	[tilespmem:$0x14100] =	vst v63  }
0x20a: {  	_ = 	snop  }
0x20b: {  	[tilespmem:s13], [sflag:$0x2] =	stream.indirect_vreg.gather [hbm4b:s9+s2], $0x80, v3, vm0, $0xb8;
	[tilespmem:$0x14100] =	vst v63  }
0x20c: {  	v3 =	vld [tilespmem:s15+$0xFFFFFFE0];
	_ =	sdelay $0x4  }
0x20d: {  	v61 =	vshll.u32 v3, $0x2  }
0x20e: {  	v3 =	vand.u32 $0x7, v3;
	v4 =	vand.u32 $0xFFFFFFE0, v61  }
0x20f: {  	v3 =	vor.u32 v3, v4  }
0x210: {  	v4 =	vperm.xlane v3, v0;
	_ =	sdelay $0x1  }
0x211: {  	v4 =	vadd.s32 v1, v4;
	_ =	sdelay $0x1  }
0x212: {  	v3 =	vperm.xlane v3, v2;
	_ =	sdelay $0x1  }
0x213: {  	v3 =	vadd.s32 v1, v3  }
0x214: {  	[tilespmem:s8], [sflag:$0x2] =	stream.indirect_vreg.gather [hbm4b:s1+s2], $0x80, v4, vm0, $0xb8;
	[tilespmem:$0x14100] =	vst v63  }
0x215: {  	_ = 	snop  }
0x216: {  	[tilespmem:s19], [sflag:$0x2] =	stream.indirect_vreg.gather [hbm4b:s9+s2], $0x80, v4, vm0, $0xb8;
	[tilespmem:$0x14100] =	vst v63  }
0x217: {  	_ = 	snop  }
0x218: {  	[tilespmem:s21], [sflag:$0x2] =	stream.indirect_vreg.gather [hbm4b:s1+s2], $0x80, v3, vm0, $0xb8;
	[tilespmem:$0x14100] =	vst v63  }
0x219: {  	_ = 	snop  }
0x21a: {  	[tilespmem:s20], [sflag:$0x2] =	stream.indirect_vreg.gather [hbm4b:s9+s2], $0x80, v3, vm0, $0xb8;
	[tilespmem:$0x14100] =	vst v63  }
0x21b: {  	v3 =	vld [tilespmem:s15+$0xFFFFFFF0];
	_ =	sdelay $0x4  }
0x21c: {  	v62 =	vshll.u32 v3, $0x2  }
0x21d: {  	v3 =	vand.u32 $0x7, v3;
	v4 =	vand.u32 $0xFFFFFFE0, v62  }
0x21e: {  	v3 =	vor.u32 v3, v4  }
0x21f: {  	v4 =	vperm.xlane v3, v0;
	_ =	sdelay $0x1  }
0x220: {  	v4 =	vadd.s32 v1, v4;
	_ =	sdelay $0x1  }
0x221: {  	v3 =	vperm.xlane v3, v2;
	_ =	sdelay $0x1  }
0x222: {  	v3 =	vadd.s32 v1, v3  }
0x223: {  	[tilespmem:s24], [sflag:$0x2] =	stream.indirect_vreg.gather [hbm4b:s1+s2], $0x80, v4, vm0, $0xb8;
	[tilespmem:$0x14100] =	vst v63  }
0x224: {  	_ = 	snop  }
0x225: {  	[tilespmem:s23], [sflag:$0x2] =	stream.indirect_vreg.gather [hbm4b:s9+s2], $0x80, v4, vm0, $0xb8;
	[tilespmem:$0x14100] =	vst v63  }
0x226: {  	_ = 	snop  }
0x227: {  	[tilespmem:s5], [sflag:$0x2] =	stream.indirect_vreg.gather [hbm4b:s1+s2], $0x80, v3, vm0, $0xb8;
	[tilespmem:$0x14100] =	vst v63  }
0x228: {  	_ = 	snop  }
0x229: {  	[tilespmem:s4], [sflag:$0x2] =	stream.indirect_vreg.gather [hbm4b:s9+s2], $0x80, v3, vm0, $0xb8;
	[tilespmem:$0x14100] =	vst v63  }
0x22a: {  	v3 =	vld.msk [tilespmem:s15+$0x0], $0x3;
	_ =	sdelay $0x4  }
0x22b: {  	v63 =	vshll.u32 v3, $0x2  }
0x22c: {  	v3 =	vand.u32 $0x7, v3;
	v4 =	vand.u32 $0xFFFFFFE0, v63  }
0x22d: {  	v3 =	vor.u32 v3, v4  }
0x22e: {  	v3 =	vperm.xlane v3, v0;
	_ =	sdelay $0x1  }
0x22f: {  	v3 =	vadd.s32 v1, v3;
	_ =	sdelay $0x1  }
0x230: {  	p3 =	seq.s32 s14, $0xFFFF2000  }
.Ltmp7:
0x231: {  	_ = 	snop;
	(pc) =	sbr.rel @!p3 .LBB2_7-.Ltmp7, $4  }
0x232: {  	_ = 	snop  }
0x233: {  	[tilespmem:s25], [sflag:$0x2] =	stream.indirect_vreg.gather [hbm4b:s1+s2], $0x80, v3, vm1, $0xb8;
	[tilespmem:$0x14100] =	vst v63  }
0x234: {  	s14 =	sadd.s32 $0xE000, s14;
	s15 =	sadd.s32 $0x100, s15  }
0x235: {  	[tilespmem:s10], [sflag:$0x2] =	stream.indirect_vreg.gather [hbm4b:s9+s2], $0x80, v3, vm1, $0xb8;
	[tilespmem:$0x14100] =	vst v63  }
0x236: {  	s6 =	simm.s32 $0x9900;
	s5 =	simm.s32 $0x9100  }
.Ltmp8:
0x237: {  	s4 =	simm.s32 $0x8900;
	s23 =	simm.s32 $0x8100;
	(pc) =	sbr.rel .LBB2_12-.Ltmp8, $4  }
0x238: {  	s22 =	simm.s32 $0x7900;
	s21 =	simm.s32 $0x7100;
	s20 =	simm.s32 $0x6900  }
0x239: {  	s19 =	simm.s32 $0x6100;
	s8 =	simm.s32 $0x5900;
	s15 =	rddreg [dreg:$0xf]  }
0x23a: {  	s7 =	simm.s32 $0x5100;
	s17 =	simm.s32 $0x4900;
	s16 =	rddreg [dreg:$0x10]  }
0x23b: {  	s28 =	simm.s32 $0xA900;
	s10 =	simm.s32 $0xB900;
	s12 =	simm.s32 $0xC100  }
.LBB2_10:
0x23c: {  	s16 =	sadd.s32 s14, s7  }
0x23d: {  	_ =	swait.ge [sflag:s29], $0x6400;
	s17 =	sadd.s32 $0xFAF72000, s16  }
0x23e: {  	[sflag:s29] =	ssyncset.done $0x0;
	s22 =	rddreg [dreg:$0xa];
	s17 =	sshrl.u32 s17, $0x3  }
0x23f: {  	[sflag:s29] =	ssyncadd.s32 $0xFFFF9C00;
	s17 =	sadd.s32 s22, s17  }
0x240: {  	[hbm4b:s17+s2] =	stream.linear.scatter [tilespmem:s26], [sflag:$0x3], $0x6000, $0x38;
	[tilespmem:$0x14100] =	vst v63  }
0x241: {  	s16 =	sadd.s32 $0xFAF79000, s16;
	_ =	swait.ge [sflag:s30], $0x6400  }
0x242: {  	s16 =	sshrl.u32 s16, $0x3;
	[sflag:s30] =	ssyncset.done $0x0  }
0x243: {  	s16 =	sadd.s32 s22, s16;
	[sflag:s30] =	ssyncadd.s32 $0xFFFF9C00  }
0x244: {  	[hbm4b:s16+s2] =	stream.linear.scatter [tilespmem:s18], [sflag:$0x4], $0x6000, $0x38;
	[tilespmem:$0x14100] =	vst v63  }
0x245: {  	_ =	swait.ge [sflag:s31], $0x6000  }
0x246: {  	[sflag:s31] =	ssyncset.done $0x0  }
0x247: {  	[sflag:s31] =	ssyncadd.s32 $0xFFFFA000  }
0x248: {  	v3 =	vld [tilespmem:s15+$0xFFFFFF50];
	_ =	sdelay $0x4  }
0x249: {  	v4 =	vshll.u32 v3, $0x2  }
0x24a: {  	v3 =	vand.u32 $0x7, v3;
	v4 =	vand.u32 $0xFFFFFFE0, v4  }
0x24b: {  	v3 =	vor.u32 v3, v4  }
0x24c: {  	v4 =	vperm.xlane v3, v0;
	_ =	sdelay $0x1  }
0x24d: {  	v4 =	vadd.s32 v1, v4;
	_ =	sdelay $0x1  }
0x24e: {  	v3 =	vperm.xlane v3, v2;
	_ =	sdelay $0x1  }
0x24f: {  	v3 =	vadd.s32 v1, v3  }
0x250: {  	[tilespmem:s26], [sflag:$0x1] =	stream.indirect_vreg.gather [hbm4b:s1+s2], $0x80, v4, vm0, $0xb8;
	[tilespmem:$0x14100] =	vst v63  }
0x251: {  	s22 =	simm.s32 $0x4900  }
0x252: {  	[tilespmem:s22], [sflag:$0x1] =	stream.indirect_vreg.gather [hbm4b:s9+s2], $0x80, v4, vm0, $0xb8;
	[tilespmem:$0x14100] =	vst v63  }
0x253: {  	s22 =	simm.s32 $0x5100  }
0x254: {  	[tilespmem:s22], [sflag:$0x1] =	stream.indirect_vreg.gather [hbm4b:s1+s2], $0x80, v3, vm0, $0xb8;
	[tilespmem:$0x14100] =	vst v63  }
0x255: {  	s17 =	simm.s32 $0x5900  }
0x256: {  	[tilespmem:s17], [sflag:$0x1] =	stream.indirect_vreg.gather [hbm4b:s9+s2], $0x80, v3, vm0, $0xb8;
	[tilespmem:$0x14100] =	vst v63  }
0x257: {  	v3 =	vld [tilespmem:s15+$0xFFFFFF60];
	_ =	sdelay $0x4  }
0x258: {  	v57 =	vshll.u32 v3, $0x2  }
0x259: {  	v3 =	vand.u32 $0x7, v3;
	v4 =	vand.u32 $0xFFFFFFE0, v57  }
0x25a: {  	v3 =	vor.u32 v3, v4  }
0x25b: {  	v4 =	vperm.xlane v3, v0;
	_ =	sdelay $0x1  }
0x25c: {  	v4 =	vadd.s32 v1, v4;
	_ =	sdelay $0x1  }
0x25d: {  	v3 =	vperm.xlane v3, v2;
	_ =	sdelay $0x1  }
0x25e: {  	s22 =	simm.s32 $0x6100;
	v3 =	vadd.s32 v1, v3  }
0x25f: {  	[tilespmem:s22], [sflag:$0x1] =	stream.indirect_vreg.gather [hbm4b:s1+s2], $0x80, v4, vm0, $0xb8;
	[tilespmem:$0x14100] =	vst v63  }
0x260: {  	s17 =	simm.s32 $0x6900  }
0x261: {  	[tilespmem:s17], [sflag:$0x1] =	stream.indirect_vreg.gather [hbm4b:s9+s2], $0x80, v4, vm0, $0xb8;
	[tilespmem:$0x14100] =	vst v63  }
0x262: {  	s22 =	simm.s32 $0x7100  }
0x263: {  	[tilespmem:s22], [sflag:$0x1] =	stream.indirect_vreg.gather [hbm4b:s1+s2], $0x80, v3, vm0, $0xb8;
	[tilespmem:$0x14100] =	vst v63  }
0x264: {  	s17 =	simm.s32 $0x7900  }
0x265: {  	[tilespmem:s17], [sflag:$0x1] =	stream.indirect_vreg.gather [hbm4b:s9+s2], $0x80, v3, vm0, $0xb8;
	[tilespmem:$0x14100] =	vst v63  }
0x266: {  	v3 =	vld [tilespmem:s15+$0xFFFFFF70];
	_ =	sdelay $0x4  }
0x267: {  	v58 =	vshll.u32 v3, $0x2  }
0x268: {  	v3 =	vand.u32 $0x7, v3;
	v4 =	vand.u32 $0xFFFFFFE0, v58  }
0x269: {  	v3 =	vor.u32 v3, v4  }
0x26a: {  	v4 =	vperm.xlane v3, v0;
	_ =	sdelay $0x1  }
0x26b: {  	v4 =	vadd.s32 v1, v4;
	_ =	sdelay $0x1  }
0x26c: {  	v3 =	vperm.xlane v3, v2;
	_ =	sdelay $0x1  }
0x26d: {  	s22 =	simm.s32 $0x8100;
	v3 =	vadd.s32 v1, v3  }
0x26e: {  	[tilespmem:s22], [sflag:$0x1] =	stream.indirect_vreg.gather [hbm4b:s1+s2], $0x80, v4, vm0, $0xb8;
	[tilespmem:$0x14100] =	vst v63  }
0x26f: {  	s17 =	simm.s32 $0x8900  }
0x270: {  	[tilespmem:s17], [sflag:$0x1] =	stream.indirect_vreg.gather [hbm4b:s9+s2], $0x80, v4, vm0, $0xb8;
	[tilespmem:$0x14100] =	vst v63  }
0x271: {  	s22 =	simm.s32 $0x9100  }
0x272: {  	[tilespmem:s22], [sflag:$0x1] =	stream.indirect_vreg.gather [hbm4b:s1+s2], $0x80, v3, vm0, $0xb8;
	[tilespmem:$0x14100] =	vst v63  }
0x273: {  	_ = 	snop  }
0x274: {  	[tilespmem:s6], [sflag:$0x1] =	stream.indirect_vreg.gather [hbm4b:s9+s2], $0x80, v3, vm0, $0xb8;
	[tilespmem:$0x14100] =	vst v63  }
0x275: {  	v3 =	vld.msk [tilespmem:s15+$0xFFFFFF80], $0x3;
	_ =	sdelay $0x4  }
0x276: {  	v59 =	vshll.u32 v3, $0x2  }
0x277: {  	v3 =	vand.u32 $0x7, v3;
	v4 =	vand.u32 $0xFFFFFFE0, v59  }
0x278: {  	v3 =	vor.u32 v3, v4  }
0x279: {  	v3 =	vperm.xlane v3, v0;
	_ =	sdelay $0x1  }
0x27a: {  	v3 =	vadd.s32 v1, v3;
	_ =	sdelay $0x4  }
0x27b: {  	[tilespmem:s28], [sflag:$0x1] =	stream.indirect_vreg.gather [hbm4b:s1+s2], $0x80, v3, vm1, $0xb8;
	[tilespmem:$0x14100] =	vst v63  }
0x27c: {  	s17 =	simm.s32 $0xA900  }
0x27d: {  	[tilespmem:s17], [sflag:$0x1] =	stream.indirect_vreg.gather [hbm4b:s9+s2], $0x80, v3, vm1, $0xb8;
	[tilespmem:$0x14100] =	vst v63  }
0x27e: {  	_ =	swait.ge [sflag:s0], $0x6000  }
0x27f: {  	[sflag:s0] =	ssyncset.done $0x0  }
0x280: {  	[sflag:s0] =	ssyncadd.s32 $0xFFFFA000  }
0x281: {  	v3 =	vld [tilespmem:s15+$0xFFFFFFD0];
	_ =	sdelay $0x4  }
0x282: {  	v60 =	vshll.u32 v3, $0x2  }
0x283: {  	v3 =	vand.u32 $0x7, v3;
	v4 =	vand.u32 $0xFFFFFFE0, v60  }
0x284: {  	v3 =	vor.u32 v3, v4  }
0x285: {  	v4 =	vperm.xlane v3, v0;
	_ =	sdelay $0x1  }
0x286: {  	v4 =	vadd.s32 v1, v4;
	_ =	sdelay $0x1  }
0x287: {  	v3 =	vperm.xlane v3, v2;
	_ =	sdelay $0x1  }
0x288: {  	v3 =	vadd.s32 v1, v3  }
0x289: {  	[tilespmem:s18], [sflag:$0x2] =	stream.indirect_vreg.gather [hbm4b:s1+s2], $0x80, v4, vm0, $0xb8;
	[tilespmem:$0x14100] =	vst v63  }
0x28a: {  	_ = 	snop  }
0x28b: {  	[tilespmem:s12], [sflag:$0x2] =	stream.indirect_vreg.gather [hbm4b:s9+s2], $0x80, v4, vm0, $0xb8;
	[tilespmem:$0x14100] =	vst v63  }
0x28c: {  	s22 =	simm.s32 $0xC100  }
0x28d: {  	[tilespmem:s22], [sflag:$0x2] =	stream.indirect_vreg.gather [hbm4b:s1+s2], $0x80, v3, vm0, $0xb8;
	[tilespmem:$0x14100] =	vst v63  }
0x28e: {  	_ = 	snop  }
0x28f: {  	[tilespmem:s13], [sflag:$0x2] =	stream.indirect_vreg.gather [hbm4b:s9+s2], $0x80, v3, vm0, $0xb8;
	[tilespmem:$0x14100] =	vst v63  }
0x290: {  	v3 =	vld [tilespmem:s15+$0xFFFFFFE0];
	_ =	sdelay $0x4  }
0x291: {  	v61 =	vshll.u32 v3, $0x2  }
0x292: {  	v3 =	vand.u32 $0x7, v3;
	v4 =	vand.u32 $0xFFFFFFE0, v61  }
0x293: {  	v3 =	vor.u32 v3, v4  }
0x294: {  	v4 =	vperm.xlane v3, v0;
	_ =	sdelay $0x1  }
0x295: {  	v4 =	vadd.s32 v1, v4;
	_ =	sdelay $0x1  }
0x296: {  	v3 =	vperm.xlane v3, v2;
	_ =	sdelay $0x1  }
0x297: {  	v3 =	vadd.s32 v1, v3  }
0x298: {  	[tilespmem:s8], [sflag:$0x2] =	stream.indirect_vreg.gather [hbm4b:s1+s2], $0x80, v4, vm0, $0xb8;
	[tilespmem:$0x14100] =	vst v63  }
0x299: {  	_ = 	snop  }
0x29a: {  	[tilespmem:s19], [sflag:$0x2] =	stream.indirect_vreg.gather [hbm4b:s9+s2], $0x80, v4, vm0, $0xb8;
	[tilespmem:$0x14100] =	vst v63  }
0x29b: {  	_ = 	snop  }
0x29c: {  	[tilespmem:s21], [sflag:$0x2] =	stream.indirect_vreg.gather [hbm4b:s1+s2], $0x80, v3, vm0, $0xb8;
	[tilespmem:$0x14100] =	vst v63  }
0x29d: {  	_ = 	snop  }
0x29e: {  	[tilespmem:s20], [sflag:$0x2] =	stream.indirect_vreg.gather [hbm4b:s9+s2], $0x80, v3, vm0, $0xb8;
	[tilespmem:$0x14100] =	vst v63  }
0x29f: {  	v3 =	vld [tilespmem:s15+$0xFFFFFFF0];
	_ =	sdelay $0x4  }
0x2a0: {  	v62 =	vshll.u32 v3, $0x2  }
0x2a1: {  	v3 =	vand.u32 $0x7, v3;
	v4 =	vand.u32 $0xFFFFFFE0, v62  }
0x2a2: {  	v3 =	vor.u32 v3, v4  }
0x2a3: {  	v4 =	vperm.xlane v3, v0;
	_ =	sdelay $0x1  }
0x2a4: {  	v4 =	vadd.s32 v1, v4;
	_ =	sdelay $0x1  }
0x2a5: {  	v3 =	vperm.xlane v3, v2;
	_ =	sdelay $0x1  }
0x2a6: {  	v3 =	vadd.s32 v1, v3  }
0x2a7: {  	[tilespmem:s24], [sflag:$0x2] =	stream.indirect_vreg.gather [hbm4b:s1+s2], $0x80, v4, vm0, $0xb8;
	[tilespmem:$0x14100] =	vst v63  }
0x2a8: {  	_ = 	snop  }
0x2a9: {  	[tilespmem:s23], [sflag:$0x2] =	stream.indirect_vreg.gather [hbm4b:s9+s2], $0x80, v4, vm0, $0xb8;
	[tilespmem:$0x14100] =	vst v63  }
0x2aa: {  	_ = 	snop  }
0x2ab: {  	[tilespmem:s5], [sflag:$0x2] =	stream.indirect_vreg.gather [hbm4b:s1+s2], $0x80, v3, vm0, $0xb8;
	[tilespmem:$0x14100] =	vst v63  }
0x2ac: {  	_ = 	snop  }
0x2ad: {  	[tilespmem:s4], [sflag:$0x2] =	stream.indirect_vreg.gather [hbm4b:s9+s2], $0x80, v3, vm0, $0xb8;
	[tilespmem:$0x14100] =	vst v63  }
0x2ae: {  	v3 =	vld.msk [tilespmem:s15+$0x0], $0x3;
	_ =	sdelay $0x4  }
0x2af: {  	v63 =	vshll.u32 v3, $0x2  }
0x2b0: {  	v3 =	vand.u32 $0x7, v3;
	v4 =	vand.u32 $0xFFFFFFE0, v63  }
0x2b1: {  	v3 =	vor.u32 v3, v4  }
0x2b2: {  	v3 =	vperm.xlane v3, v0;
	_ =	sdelay $0x1  }
0x2b3: {  	v3 =	vadd.s32 v1, v3;
	_ =	sdelay $0x1  }
0x2b4: {  	p3 =	seq.s32 s14, $0xFFFF2000  }
.Ltmp9:
0x2b5: {  	_ = 	snop;
	(pc) =	sbr.rel @!p3 .LBB2_10-.Ltmp9, $4  }
0x2b6: {  	_ = 	snop  }
0x2b7: {  	[tilespmem:s25], [sflag:$0x2] =	stream.indirect_vreg.gather [hbm4b:s1+s2], $0x80, v3, vm1, $0xb8;
	[tilespmem:$0x14100] =	vst v63  }
0x2b8: {  	s14 =	sadd.s32 $0xE000, s14;
	s15 =	sadd.s32 $0x100, s15  }
0x2b9: {  	[tilespmem:s10], [sflag:$0x2] =	stream.indirect_vreg.gather [hbm4b:s9+s2], $0x80, v3, vm1, $0xb8;
	[tilespmem:$0x14100] =	vst v63  }
0x2ba: {  	s6 =	simm.s32 $0x9900  }
0x2bb: {  	s5 =	simm.s32 $0x9100;
	s4 =	simm.s32 $0x8900;
	s23 =	simm.s32 $0x8100  }
0x2bc: {  	s22 =	simm.s32 $0x7900;
	s21 =	simm.s32 $0x7100;
	s20 =	simm.s32 $0x6900  }
0x2bd: {  	s19 =	simm.s32 $0x6100;
	s8 =	simm.s32 $0x5900;
	s15 =	rddreg [dreg:$0x11]  }
0x2be: {  	s7 =	simm.s32 $0x5100;
	s17 =	simm.s32 $0x4900;
	s16 =	rddreg [dreg:$0x12]  }
0x2bf: {  	s28 =	simm.s32 $0xA900;
	s10 =	simm.s32 $0xB900;
	s12 =	simm.s32 $0xC100  }
.LBB2_12:
0x2c0: {  	_ =	swait.ge [sflag:s29], $0x6400  }
0x2c1: {  	[sflag:s29] =	ssyncset.done $0x0  }
0x2c2: {  	s14 =	simm.s32 $0x0;
	[sflag:s29] =	ssyncadd.s32 $0xFFFF9C00  }
0x2c3: {  	[hbm4b:s15+s14] =	stream.linear.scatter [tilespmem:s26], [sflag:$0x3], $0x6000, $0x38;
	[tilespmem:$0x14100] =	vst v63  }
0x2c4: {  	_ =	swait.ge [sflag:s30], $0x6400  }
0x2c5: {  	[sflag:s30] =	ssyncset.done $0x0  }
0x2c6: {  	[sflag:s30] =	ssyncadd.s32 $0xFFFF9C00  }
0x2c7: {  	[hbm4b:s16+s14] =	stream.linear.scatter [tilespmem:s18], [sflag:$0x4], $0x6000, $0x38;
	[tilespmem:$0x14100] =	vst v63  }
0x2c8: {  	_ =	swait.ge [sflag:s31], $0x6000  }
0x2c9: {  	[sflag:s31] =	ssyncset.done $0x0  }
0x2ca: {  	[sflag:s31] =	ssyncadd.s32 $0xFFFFA000  }
0x2cb: {  	_ =	swait.ge [sflag:s0], $0x6000  }
0x2cc: {  	[sflag:s0] =	ssyncset.done $0x0  }
0x2cd: {  	[sflag:s0] =	ssyncadd.s32 $0xFFFFA000  }
0x2ce: {  	v3 =	vld.msk [tilespmem:$0x4000], $0xff;
	_ =	sdelay $0x4  }
0x2cf: {  	v4 =	vshll.u32 v3, $0x2  }
0x2d0: {  	v3 =	vand.u32 $0x7, v3;
	v4 =	vand.u32 $0xFFFFFFE0, v4  }
0x2d1: {  	v3 =	vor.u32 v3, v4  }
0x2d2: {  	v3 =	vperm.xlane v3, v0;
	_ =	sdelay $0x1  }
0x2d3: {  	v3 =	vadd.s32 v1, v3;
	_ =	sdelay $0x4  }
0x2d4: {  	[tilespmem:s3], [sflag:$0x1] =	stream.indirect_vreg.gather [hbm4b:s1+s14], $0x80, v3, vm0, $0xb8;
	[tilespmem:$0x14100] =	vst v63  }
0x2d5: {  	s24 =	simm.s32 $0x12900  }
0x2d6: {  	[tilespmem:s24], [sflag:$0x1] =	stream.indirect_vreg.gather [hbm4b:s9+s14], $0x80, v3, vm0, $0xb8;
	[tilespmem:$0x14100] =	vst v63  }
0x2d7: {  	v3 =	vld.msk [tilespmem:$0x4008], $0xff;
	_ =	sdelay $0x4  }
0x2d8: {  	v63 =	vshll.u32 v3, $0x2  }
0x2d9: {  	v3 =	vand.u32 $0x7, v3;
	v4 =	vand.u32 $0xFFFFFFE0, v63  }
0x2da: {  	v3 =	vor.u32 v3, v4  }
0x2db: {  	v3 =	vperm.xlane v3, v0;
	_ =	sdelay $0x1  }
0x2dc: {  	v3 =	vadd.s32 v1, v3;
	_ =	sdelay $0x4  }
0x2dd: {  	[tilespmem:s11], [sflag:$0x2] =	stream.indirect_vreg.gather [hbm4b:s1+s14], $0x80, v3, vm0, $0xb8;
	[tilespmem:$0x14100] =	vst v63  }
0x2de: {  	s13 =	simm.s32 $0x13900  }
0x2df: {  	[tilespmem:s13], [sflag:$0x2] =	stream.indirect_vreg.gather [hbm4b:s9+s14], $0x80, v3, vm0, $0xb8;
	[tilespmem:$0x14100] =	vst v63  }
0x2e0: {  	s15 =	rddreg [dreg:$0x19];
	s13 =	simm.s32 $0xC900  }
.LBB2_13:
0x2e1: {  	_ =	swait.ge [sflag:s29], $0x1000  }
0x2e2: {  	[sflag:s29] =	ssyncset.done $0x0  }
0x2e3: {  	s16 =	sadd.s32 $0xFFFFFE00, s15;
	[sflag:s29] =	ssyncadd.s32 $0xFFFFF000  }
0x2e4: {  	[hbm4b:s16+s2] =	stream.linear.scatter [tilespmem:s3], [sflag:$0x3], $0x1000, $0x38;
	[tilespmem:$0x14100] =	vst v63  }
0x2e5: {  	_ =	swait.ge [sflag:s30], $0x1000  }
0x2e6: {  	[sflag:s30] =	ssyncset.done $0x0  }
0x2e7: {  	[sflag:s30] =	ssyncadd.s32 $0xFFFFF000  }
0x2e8: {  	[hbm4b:s15+s2] =	stream.linear.scatter [tilespmem:s11], [sflag:$0x4], $0x1000, $0x38;
	[tilespmem:$0x14100] =	vst v63  }
0x2e9: {  	_ =	swait.ge [sflag:s31], $0x1000  }
0x2ea: {  	[sflag:s31] =	ssyncset.done $0x0  }
0x2eb: {  	s25 =	sshra.s32 s14, $0x2;
	[sflag:s31] =	ssyncadd.s32 $0xFFFFF000  }
0x2ec: {  	v3 =	vld.msk [tilespmem:s25+$0x4010], $0xff;
	_ =	sdelay $0x4  }
0x2ed: {  	v4 =	vshll.u32 v3, $0x2  }
0x2ee: {  	v3 =	vand.u32 $0x7, v3;
	v4 =	vand.u32 $0xFFFFFFE0, v4  }
0x2ef: {  	v3 =	vor.u32 v3, v4  }
0x2f0: {  	v3 =	vperm.xlane v3, v0;
	_ =	sdelay $0x1  }
0x2f1: {  	v3 =	vadd.s32 v1, v3;
	_ =	sdelay $0x4  }
0x2f2: {  	[tilespmem:s3], [sflag:$0x1] =	stream.indirect_vreg.gather [hbm4b:s1+s2], $0x80, v3, vm0, $0xb8;
	[tilespmem:$0x14100] =	vst v63  }
0x2f3: {  	_ = 	snop  }
0x2f4: {  	[tilespmem:s24], [sflag:$0x1] =	stream.indirect_vreg.gather [hbm4b:s9+s2], $0x80, v3, vm0, $0xb8;
	[tilespmem:$0x14100] =	vst v63  }
0x2f5: {  	_ =	swait.ge [sflag:s0], $0x1000  }
0x2f6: {  	[sflag:s0] =	ssyncset.done $0x0  }
0x2f7: {  	[sflag:s0] =	ssyncadd.s32 $0xFFFFF000  }
0x2f8: {  	v3 =	vld.msk [tilespmem:s25+$0x4018], $0xff;
	_ =	sdelay $0x4  }
0x2f9: {  	v63 =	vshll.u32 v3, $0x2  }
0x2fa: {  	v3 =	vand.u32 $0x7, v3;
	v4 =	vand.u32 $0xFFFFFFE0, v63  }
0x2fb: {  	v3 =	vor.u32 v3, v4  }
0x2fc: {  	v3 =	vperm.xlane v3, v0;
	_ =	sdelay $0x1  }
0x2fd: {  	v3 =	vadd.s32 v1, v3;
	_ =	sdelay $0x1  }
0x2fe: {  	p3 =	sne.s32 s14, $0x380  }
.Ltmp10:
0x2ff: {  	_ = 	snop;
	(pc) =	sbr.rel @p3 .LBB2_13-.Ltmp10, $4  }
0x300: {  	_ = 	snop  }
0x301: {  	[tilespmem:s11], [sflag:$0x2] =	stream.indirect_vreg.gather [hbm4b:s1+s2], $0x80, v3, vm0, $0xb8;
	[tilespmem:$0x14100] =	vst v63  }
0x302: {  	s14 =	sadd.s32 $0x40, s14;
	s15 =	sadd.s32 $0x400, s15;
	s25 =	simm.s32 $0x13900  }
0x303: {  	[tilespmem:s25], [sflag:$0x2] =	stream.indirect_vreg.gather [hbm4b:s9+s2], $0x80, v3, vm0, $0xb8;
	[tilespmem:$0x14100] =	vst v63  }
0x304: {  	_ =	swait.ge [sflag:s29], $0x1000  }
0x305: {  	[sflag:s29] =	ssyncset.done $0x0  }
0x306: {  	s14 =	rddreg [dreg:$0x15];
	[sflag:s29] =	ssyncadd.s32 $0xFFFFF000  }
0x307: {  	[hbm4b:s14+s2] =	stream.linear.scatter [tilespmem:s3], [sflag:$0x3], $0x1000, $0x38;
	[tilespmem:$0x14100] =	vst v63  }
0x308: {  	_ =	swait.ge [sflag:s30], $0x1000  }
0x309: {  	[sflag:s30] =	ssyncset.done $0x0  }
0x30a: {  	s24 =	rddreg [dreg:$0x16];
	[sflag:s30] =	ssyncadd.s32 $0xFFFFF000  }
0x30b: {  	[hbm4b:s24+s2] =	stream.linear.scatter [tilespmem:s11], [sflag:$0x4], $0x1000, $0x38;
	[tilespmem:$0x14100] =	vst v63  }
0x30c: {  	_ =	swait.ge [sflag:s31], $0x1000  }
0x30d: {  	[sflag:s31] =	ssyncset.done $0x0  }
0x30e: {  	[sflag:s31] =	ssyncadd.s32 $0xFFFFF000  }
0x30f: {  	_ =	swait.ge [sflag:s0], $0x1000  }
0x310: {  	s15 =	rddreg [dreg:$0x1b]  }
0x311: {  	s25 =	rddreg [dreg:$0x17];
	s15 =	sadd.s32 $0x1, s15  }
0x312: {  	p3 =	sne.s32 s15, s25  }
.Ltmp11:
0x313: {  	_ = 	snop;
	(pc) =	sbr.rel @p3 .LBB2_1-.Ltmp11, $3  }
0x314: {  	_ =	sdelay $0x1  }
0x315: {  	[sflag:s0] =	ssyncset.done $0x0  }
0x316: {  	s24 =	rddreg [dreg:$0xb];
	[sflag:s0] =	ssyncadd.s32 $0xFFFFF000  }
0x317: {  	_ =	sfence.sel $0x180000  }
0x318: {  	[bflag:$0x0] =	sbarrier.arrive $0xFFFF  }
0x319: {  	_ =	strace $0x90000047  }
0x31a: {  	s0 =	stileid.u32;
	[bflag:$0x2] =	sbarrier.arrive $0xFFFF  }
0x31b: {  	p0 =	sne.s32 s0, $0x0;
	s0 =	rddreg [dreg:$0x5]  }
0x31c: {  	s0 =	sadd.s32 @!p0 $0x100000, s0  }
0x31d: {  	[sflag:s0] =	ssyncadd.tile.s32 @!p0 $0x1;
	_ =	shalt  }
.Lfunc_end2:
_tile_overlayer_lowered:
.L_overlay_start_2:
0x31e: {  	(tag) =	ssettag $0x2  }
0x31f: {  	s0 =	rddreg [dreg:$0x0];
	s2 =	stileid.u32  }
0x320: {  	s1 =	rddreg [dreg:$0x1];
	p0 =	sne.s32 s2, $0x0  }
0x321: {  	s3 =	rddreg [dreg:$0x2];
	[bflag:$0x3] =	sbarrier.arrive $0xFFFF;
	s2 =	simm.s32 @!p0 $0x1C05  }
0x322: {  	[timem:s3], [sflag:s2] =	dma.local @!p0 [hbm:s0], s1  }
0x323: {  	s0 =	simm.s32 @!p0 $0x5  }
0x324: {  	_ =	swait.ge @!p0 [sflag:s0], s1  }
0x325: {  	s1 =	ssub.s32 @!p0 $0x0, s1;
	[sflag:s0] =	ssyncset.done @!p0 $0x0  }
0x326: {  	[sflag:s0] =	ssyncadd.s32 @!p0 s1  }
0x327: {  	[bflag:$0x3] =	sbarrier.arrive $0xFFFF  }
0x328: {  	_ =	shalt  }

// kernel: sparse-core-data-format-call.cloned.1.call-start
scs
called_computation_lowered:
.L_overlay_start_0:
0x0: {  	s2 =	sld [smem:$0x3FD9]  }
0x1: {  	s3 =	sld [smem:$0x3FFE];
	_ =	sdelay $0x1  }
0x2: {  	s1 =	srdreg.scid  }
0x3: {  	s0 =	sand.u32 $0x1, s1  }
0x4: {  	s15 =	sshll.u32 s0, $0xA;
	s2 =	sadd.s32 s3, s2  }
0x5: {  	s2 =	sadd.s32 s2, s15  }
0x6: {  	[smem:$0x3FC6] =	sst s2  }
0x7: {  	_ = 	snop  }
0x8: {  	s2 =	sld [smem:$0x3FD0];
	_ =	sdelay $0x2  }
0x9: {  	s16 =	simm.s32 $0xA;
	s4 =	simm.s32 $0x10  }
0xa: {  	[smem:s4], [sflag:s16] =	dma.local [hbm:s2], $0x1  }
0xb: {  	_ =	swait.eq [sflag:s16], $0x1  }
0xc: {  	[sflag:s16] =	ssyncset.done $0x0  }
0xd: {  	[sflag:s16] =	ssyncadd.s32 $0xFFFFFFFF  }
0xe: {  	s17 =	sld [smem:$0x10];
	(tm) =	ssettm $0x1  }
0xf: {  	s18 =	sld [smem:$0x3FFB];
	_ =	sdelay $0x3  }
0x10: {  	_ =	strace s18  }
0x11: {  	s3 =	sld [smem:$0x3FFC];
	_ =	sdelay $0x3  }
0x12: {  	_ =	strace s3  }
0x13: {  	s3 =	sld [smem:$0x3FFD];
	_ =	sdelay $0x3  }
0x14: {  	_ =	strace s3  }
0x15: {  	_ =	strace $0x8FFFFFFF  }
0x16: {  	s19 =	sld [smem:$0x3FDB];
	_ =	sdelay $0x1  }
0x17: {  	s20 =	simm.s32 $_scs_section_size  }
0x18: {  	s5 =	simm.s32 $_size__tile_overlayer_lowered;
	s6 =	simm.s32 $_tile_overlayer_lowered  }
0x19: {  	s23 =	simm.s32 $0x1BFF;
	s22 =	sshll.u32 s6, $0x1;
	s3 =	sadd.s32 s20, s19  }
0x1a: {  	s7 =	simm.s32 $0x0;
	s21 =	sshll.u32 s5, $0x1;
	s5 =	sadd.s32 s22, s3  }
0x1b: {  	[timem:s7], [sflag:s23] =	dma.local [hbm:s5], s21  }
0x1c: {  	_ =	swait.ge [sflag:s23], s21  }
0x1d: {  	s4 =	ssub.s32 $0x0, s21;
	[sflag:s23] =	ssyncset.done $0x0  }
0x1e: {  	[sflag:s23] =	ssyncadd.s32 s4;
	_ =	sdelay $0x1  }
0x1f: {  	s24 =	simm.s32 $0x1B8B  }
0x20: {  	_ =	swait.ge [sflag:s24], $0x1  }
0x21: {  	[sflag:s24] =	ssyncset.done $0x0  }
0x22: {  	s26 =	simm.s32 $0x1B8E;
	s25 =	sld [smem:$0x3FFE];
	[sflag:s24] =	ssyncadd.s32 $0xFFFFFFFF  }
0x23: {  	s27 =	simm.s32 $execute0_lowered;
	[smem:$0x3FD2] =	sst s26  }
0x24: {  	s5 =	sshll.u32 s27, $0x1;
	_ =	strace $0x80000049;
	[dreg:$0x1] =	wrdreg $0xFFFFFFFF  }
0x25: {  	s28 =	simm.s32 $_size_execute0_lowered;
	s3 =	sadd.s32 s3, s5;
	[dreg:$0x0] =	wrdreg $0x0  }
0x26: {  	s5 =	sshll.u32 s28, $0x1;
	[dreg:$0x2] =	wrdreg s3  }
0x27: {  	[dreg:$0x3] =	wrdreg s5  }
0x28: {  	[dreg:$0x4] =	wrdreg $0xC0  }
0x29: {  	_ =	task [dreg:s7], $0x5FFFF  }
0x2a: {  	[dreg:$0x1] =	wrdreg $0xFFFFFFFF  }
0x2b: {  	[dreg:$0x0] =	wrdreg $0x60  }
0x2c: {  	[dreg:$0x2] =	wrdreg s25  }
0x2d: {  	[dreg:$0x3] =	wrdreg s17  }
0x2e: {  	[dreg:$0x4] =	wrdreg $0x9  }
0x2f: {  	_ =	task.clear_ibuf [dreg:s7], $0x5FFFF;
	_ =	strace $0x90000049  }
0x30: {  	s29 =	simm.s32 $0x9;
	_ =	strace $0x8000004B  }
0x31: {  	_ =	swait.ge [sflag:s29], $0x1  }
0x32: {  	[sflag:s29] =	ssyncadd.s32 $0xFFFFFFFF  }
0x33: {  	_ =	strace $0x9000004B  }
0x34: {  	_ =	sfence  }
0x35: {  	s30 =	sld [smem:$0x0];
	_ =	sdelay $0x2  }
0x36: {  	s31 =	sshll.u32 s1, $0xD;
	s1 =	sshrl.u32 s1, $0x2  }
0x37: {  	s3 =	sand.u32 $0x4000, s31;
	s1 =	sadd.s32 s1, s30  }
0x38: {  	s0 =	sor.u32 s3, s0;
	s1 =	sshll.u32 s1, $0x11  }
0x39: {  	s0 =	sor.u32 s1, s0  }
0x3a: {  	s0 =	sadd.s32 $0x8F2B, s0  }
0x3b: {  	[sflag:s0] =	ssyncadd.remote.s32 $0x1  }
0x3c: {  	_ =	sfence.sel $0xFFFF  }
0x3d: {  	[dreg:$0x0] =	wrdreg $0xFFFFFFFF;
	(pc) =	sbr.abs _section_cstart, $3  }
0x3e: {  	[dreg:$0x1] =	wrdreg $0xFFFFFFFF  }
0x3f: {  	_ =	task.clear_ibuf [dreg:s7], $0x2FFFF;
	_ =	strace $0x9FFFFFFF  }
0x40: {  	(tm) =	ssettm $0x7FFFFFFF  }
0x41: {  	_ =	shalt  }
tec
execute0_lowered:
.L_overlay_start_1:
0x0: {  	(tag) =	ssettag $0x1  }
0x1: {  	s0 =	srdreg.scid  }
0x2: {  	s1 =	sshll.u32 s0, $0x4  }
0x3: {  	s8 =	rddreg [dreg:$0x0];
	s0 =	stileid.u32;
	s1 =	sand.u32 $0x10, s1  }
0x4: {  	s3 =	rddreg [dreg:$0x1];
	s29 =	sshll.u32 s0, $0x7;
	s7 =	sor.u32 s0, s1  }
0x5: {  	s30 =	simm.s32 $0x2;
	s1 =	sand.u32 $0x380, s29;
	s2 =	sshll.u32 s7, $0x4  }
0x6: {  	s18 =	simm.s32 $0x0;
	s4 =	ssub.s32 $0x400, s1;
	s2 =	sand.u32 $0x180, s2  }
0x7: {  	s11 =	simm.s32 $0x1000;
	s5 =	sand.u32 $0x380, s4;
	s6 =	ssub.s32 $0x200, s2  }
0x8: {  	p0 =	sne.s32 s5, $0x0;
	s5 =	simm.s32 $0x1;
	s9 =	sand.u32 $0x180, s6  }
0x9: {  	s5 =	simm.s32 @!p0 $0x0;
	p0 =	sne.s32 s9, $0x0;
	s9 =	simm.s32 $0x1  }
0xa: {  	s10 =	sshrl.u32 s4, $0xA;
	s6 =	sshrl.u32 s6, $0x9;
	s9 =	simm.s32 @!p0 $0x0  }
0xb: {  	s12 =	simm.s32 $0x0;
	s10 =	sadd.s32 s5, s10;
	s6 =	sadd.s32 s9, s6  }
0xc: {  	s16 =	simm.s32 $0x0;
	s17 =	simm.s32 $0x0;
	s6 =	smul.u32 s6, s10  }
.Ltmp0:
0xd: {  	s13 =	simm.s32 $0x0;
	s15 =	simm.s32 $0x0;
	(pc) =	sbr.rel .LBB1_1-.Ltmp0, $4  }
0xe: {  	s31 =	sshll.u32 s7, $0x7;
	s7 =	sadd.s32 $0xE00, s8;
	s4 =	rddreg [dreg:$0x2]  }
0xf: {  	_ =	strace $0x8000004A;
	s5 =	simm.s32 $0x1;
	s6 =	smul.u32 $0x32, s6  }
0x10: {  	s14 =	smov.u32 s1;
	s8 =	sand.u32 $0xC00, s31;
	[sflag:s5] =	ssyncpa.u1 $0x0  }
0x11: {  	[sflag:s30] =	ssyncpa.u1 $0x0;
	s10 =	simm.s32 $0x400;
	s9 =	sor.u32 $0x1, s6  }
.LBB1_4:
0x12: {  	_ =	sdelay $0x3  }
0x13: {  	[tilespmem:v0+s21+$0xFFFFFFD0 ss:$0x1] =	vst.idx.msk $0xffff, v6  }
0x14: {  	v56 =	vld.idx.msk [tilespmem:v1+s20+$0x0 ss:$0x1], $0xffff;
	[tilespmem:v0+s21+$0xFFFFFFE0 ss:$0x1] =	vst.idx.msk $0xffff, v4  }
0x15: {  	v57 =	vld.idx.msk [tilespmem:v1+s20+$0xFFFFFF90 ss:$0x1], $0xffff;
	[tilespmem:v0+s21+$0xFFFFFFF0 ss:$0x1] =	vst.idx.msk $0xffff, v2  }
0x16: {  	v58 =	vld.idx.msk [tilespmem:v1+s20+$0xFFFFFFA0 ss:$0x1], $0xffff;
	[tilespmem:v0+s21+$0x0 ss:$0x1] =	vst.idx.msk $0xffff, v3  }
0x17: {  	v59 =	vld.idx.msk [tilespmem:v1+s20+$0xFFFFFFB0 ss:$0x1], $0xffff;
	[tilespmem:v0+s21+$0x10 ss:$0x1] =	vst.idx.msk $0xffff, v5  }
0x18: {  	v60 =	vld.idx.msk [tilespmem:v1+s20+$0xFFFFFFC0 ss:$0x1], $0xffff;
	[tilespmem:v0+s21+$0x20 ss:$0x1] =	vst.idx.msk $0xffff, v7  }
0x19: {  	v61 =	vld.idx.msk [tilespmem:v1+s20+$0xFFFFFFD0 ss:$0x1], $0xffff;
	[tilespmem:v0+s20+$0x30 ss:$0x1] =	vst.idx.msk $0xffff, v56  }
0x1a: {  	v62 =	vld.idx.msk [tilespmem:v1+s20+$0xFFFFFFE0 ss:$0x1], $0xffff;
	s29 =	sshll.u32 s17, $0x9;
	[tilespmem:v0+s20+$0xFFFFFFC0 ss:$0x1] =	vst.idx.msk $0xffff, v57  }
0x1b: {  	v63 =	vld.idx.msk [tilespmem:v1+s20+$0xFFFFFFF0 ss:$0x1], $0xffff;
	s18 =	sshll.u32 s18, $0x3;
	s22 =	sshll.u32 s17, $0x7;
	s21 =	sand.u32 $0x7F000, s29;
	[tilespmem:v0+s20+$0xFFFFFFD0 ss:$0x1] =	vst.idx.msk $0xffff, v58  }
0x1c: {  	s30 =	sand.u32 $0x200, s22;
	s18 =	sor.u32 s21, s18;
	[tilespmem:v0+s20+$0xFFFFFFE0 ss:$0x1] =	vst.idx.msk $0xffff, v59  }
0x1d: {  	s16 =	sshll.u32 s16, $0x10;
	s31 =	sshll.u32 s17, $0x4;
	s18 =	sor.u32 s30, s18;
	[tilespmem:v0+s20+$0xFFFFFFF0 ss:$0x1] =	vst.idx.msk $0xffff, v60  }
0x1e: {  	s17 =	sand.u32 $0x30, s31;
	s16 =	sadd.s32 s3, s16;
	s18 =	sshrl.u32 s18, $0x3;
	[tilespmem:v0+s20+$0x0 ss:$0x1] =	vst.idx.msk $0xffff, v61  }
0x1f: {  	s16 =	sadd.s32 s17, s16;
	[tilespmem:v0+s20+$0x10 ss:$0x1] =	vst.idx.msk $0xffff, v62;
	s18 =	sand.u32 $0xFFC0, s18  }
0x20: {  	[tilespmem:v0+s20+$0x20 ss:$0x1] =	vst.idx.msk $0xffff, v63;
	s16 =	sadd.s32 s18, s16  }
0x21: {  	[hbm4b:s16+s10] =	stream.strided.scatter [tilespmem:s19], [sflag:$0x2], $0x4000, s11, s10, $0x38;
	[tilespmem:$0x10000] =	vst v63  }
.LBB1_5:
0x22: {  	s19 =	sadd.s32 $0x1, s13  }
0x23: {  	s16 =	sadd.s32 $0x400, s14;
	s20 =	smov.u32 s14;
	p1 =	sgt.s32 s19, $0x31  }
0x24: {  	s20 =	smov.u32 @p1 s16  }
0x25: {  	s19 =	simm.s32 @p1 $0x0;
	p1 =	sgt.s32 s20, $0x3FF  }
0x26: {  	s20 =	smov.u32 @p1 s1;
	p1 =	sne.s32 s15, s9  }
.Ltmp1:
0x27: {  	p0 =	slt.u32 s15, $0x2;
	(pc) =	sbr.rel @!p1 .LBB1_6-.Ltmp1, $4  }
0x28: {  	s17 =	smov.u32 s14;
	s18 =	simm.s32 @!p0 $0x2  }
0x29: {  	s12 =	sadd.s32 $0x4000, s12;
	_ =	swait.ge @!p0 [sflag:s18], $0x4000;
	s16 =	smov.u32 s13  }
0x2a: {  	[sflag:s18] =	ssyncset.done @!p0 $0x0;
	s13 =	smov.u32 s19;
	s15 =	sadd.s32 $0x1, s15  }
0x2b: {  	[sflag:s18] =	ssyncadd.s32 @!p0 $0xFFFFC000;
	s18 =	smov.u32 s2;
	s14 =	smov.u32 s20  }
.LBB1_1:
0x2c: {  	p0 =	sge.u32 s15, s6  }
0x2d: {  	s19 =	sshll.u32 @!p0 s13, $0x9  }
0x2e: {  	s20 =	sshll.u32 @!p0 s13, $0x7;
	s19 =	sand.u32 @!p0 $0xFFFFF000, s19  }
0x2f: {  	s20 =	sand.u32 @!p0 $0x200, s20;
	s19 =	sor.u32 @!p0 s8, s19  }
0x30: {  	s19 =	sor.u32 @!p0 s20, s19  }
0x31: {  	s19 =	sshrl.u32 @!p0 s19, $0x9  }
0x32: {  	s20 =	smulhi.u32 @!p0 $0x4924925, s19;
	_ =	sdelay $0x1  }
0x33: {  	s20 =	smul.u32 @!p0 $0x38, s20  }
0x34: {  	s31 =	sadd.s32 $0xFFFFFFFF, s15;
	s21 =	smul.u32 @!p0 $0xE00, s14  }
0x35: {  	s22 =	sxor.u32 @!p0 $0xFFFFFFFF, s15;
	s19 =	ssub.s32 @!p0 s19, s20;
	s20 =	sshll.u32 @!p0 s13, $0x4  }
0x36: {  	s22 =	sshll.u32 @!p0 s22, $0xE;
	s21 =	sadd.s32 @!p0 s7, s21;
	s20 =	sand.u32 @!p0 $0x30, s20  }
0x37: {  	s22 =	sand.u32 @!p0 $0x4000, s22;
	s19 =	sshll.u32 @!p0 s19, $0x6;
	s20 =	sadd.s32 @!p0 s20, s21  }
0x38: {  	s21 =	simm.s32 @!p0 $0x7000;
	s19 =	sadd.s32 @!p0 s19, s20;
	s20 =	simm.s32 @!p0 $0x80  }
0x39: {  	[tilespmem:s22], [sflag:$0x1] =	stream.strided.gather @!p0 [hbm4b:s19+s20], $0x4000, s21, s20, $0x38;
	[tilespmem:$0x10000] =	vst v63  }
0x3a: {  	p0 =	sge.u32 s31, s6  }
.Ltmp2:
0x3b: {  	_ = 	snop;
	(pc) =	sbr.rel @p0 .LBB1_5-.Ltmp2, $1  }
0x3c: {  	_ =	sdelay $0x3  }
0x3d: {  	s19 =	sand.u32 $0x4000, s12  }
0x3e: {  	s20 =	sor.u32 $0x70, s19  }
0x3f: {  	v1 =	vmov s20;
	_ =	sdelay $0x1  }
0x40: {  	_ =	swait.ge [sflag:s5], $0x4000  }
0x41: {  	[sflag:s5] =	ssyncset.done $0x0  }
0x42: {  	s21 =	simm.s32 $0x0;
	[sflag:s5] =	ssyncadd.s32 $0xFFFFC000  }
0x43: {  	s19 =	sor.u32 $0x8040, s19;
	v7 =	vld.idx.msk [tilespmem:v1+s21+$0x0 ss:$0x1], $0xffff  }
0x44: {  	v0 =	vmov s19;
	v8 =	vld.idx.msk [tilespmem:v1+s21+$0xFFFFFF90 ss:$0x1], $0xffff  }
0x45: {  	v6 =	vld.idx.msk [tilespmem:v1+s21+$0xFFFFFFA0 ss:$0x1], $0xffff  }
0x46: {  	v4 =	vld.idx.msk [tilespmem:v1+s21+$0xFFFFFFB0 ss:$0x1], $0xffff  }
0x47: {  	v2 =	vld.idx.msk [tilespmem:v1+s21+$0xFFFFFFC0 ss:$0x1], $0xffff  }
0x48: {  	s31 =	sshll.u32 s15, $0xE;
	v3 =	vld.idx.msk [tilespmem:v1+s21+$0xFFFFFFD0 ss:$0x1], $0xffff  }
0x49: {  	s19 =	sand.u32 $0x4000, s31;
	v5 =	vld.idx.msk [tilespmem:v1+s21+$0xFFFFFFE0 ss:$0x1], $0xffff;
	[tilespmem:v0+s21+$0x30 ss:$0x1] =	vst.idx.msk $0xffff, v7  }
0x4a: {  	s22 =	simm.s32 $0x400;
	s20 =	simm.s32 $0x80;
	s19 =	sor.u32 $0x8000, s19;
	[tilespmem:v0+s21+$0xFFFFFFC0 ss:$0x1] =	vst.idx.msk $0xffff, v8;
	v7 =	vld.idx.msk [tilespmem:v1+s21+$0xFFFFFFF0 ss:$0x1], $0xffff  }
.LBB1_3:
0x4b: {  	p0 =	sne.s32 s22, $0xFE00;
	v8 =	vld.idx.msk [tilespmem:v1+s20+$0x0 ss:$0x1], $0xffff;
	[tilespmem:v0+s21+$0xFFFFFFD0 ss:$0x1] =	vst.idx.msk $0xffff, v6  }
0x4c: {  	v9 =	vld.idx.msk [tilespmem:v1+s20+$0xFFFFFF90 ss:$0x1], $0xffff;
	[tilespmem:v0+s21+$0xFFFFFFE0 ss:$0x1] =	vst.idx.msk $0xffff, v4  }
0x4d: {  	v6 =	vld.idx.msk [tilespmem:v1+s20+$0xFFFFFFA0 ss:$0x1], $0xffff;
	[tilespmem:v0+s21+$0xFFFFFFF0 ss:$0x1] =	vst.idx.msk $0xffff, v2  }
.Ltmp3:
0x4e: {  	v4 =	vld.idx.msk [tilespmem:v1+s20+$0xFFFFFFB0 ss:$0x1], $0xffff;
	[tilespmem:v0+s21+$0x0 ss:$0x1] =	vst.idx.msk $0xffff, v3;
	(pc) =	sbr.rel @p0 .LBB1_3-.Ltmp3, $4  }
0x4f: {  	v2 =	vld.idx.msk [tilespmem:v1+s20+$0xFFFFFFC0 ss:$0x1], $0xffff;
	[tilespmem:v0+s21+$0x10 ss:$0x1] =	vst.idx.msk $0xffff, v5  }
0x50: {  	v3 =	vld.idx.msk [tilespmem:v1+s20+$0xFFFFFFD0 ss:$0x1], $0xffff;
	[tilespmem:v0+s21+$0x20 ss:$0x1] =	vst.idx.msk $0xffff, v7;
	s21 =	smov.u32 s20  }
0x51: {  	v5 =	vld.idx.msk [tilespmem:v1+s21+$0xFFFFFFE0 ss:$0x1], $0xffff;
	[tilespmem:v0+s21+$0x30 ss:$0x1] =	vst.idx.msk $0xffff, v8  }
0x52: {  	s20 =	sshra.s32 s22, $0x2;
	s22 =	sadd.s32 $0x200, s22;
	[tilespmem:v0+s21+$0xFFFFFFC0 ss:$0x1] =	vst.idx.msk $0xffff, v9;
	v7 =	vld.idx.msk [tilespmem:v1+s21+$0xFFFFFFF0 ss:$0x1], $0xffff  }
.Ltmp4:
0x53: {  	_ = 	snop;
	(pc) =	sbr.rel .LBB1_4-.Ltmp4, $1  }
0x54: {  	_ =	sdelay $0x3  }
.LBB1_6:
0x55: {  	_ =	sfence.sel $0x180000  }
0x56: {  	s1 =	simm.s32 $0x1;
	[bflag:$0x0] =	sbarrier.arrive $0xFFFF  }
0x57: {  	s31 =	simm.s32 $0x2;
	[sflag:s1] =	ssyncpa.u1 $0x1  }
0x58: {  	[sflag:s31] =	ssyncpa.u1 $0x1  }
0x59: {  	p0 =	sne.s32 s0, $0x0;
	_ =	strace $0x9000004A  }
0x5a: {  	s0 =	sadd.s32 @!p0 $0x100000, s4;
	[bflag:$0x2] =	sbarrier.arrive $0xFFFF  }
0x5b: {  	[sflag:s0] =	ssyncadd.tile.s32 @!p0 $0x1;
	_ =	shalt  }
.Lfunc_end1:
_tile_overlayer_lowered:
.L_overlay_start_2:
0x5c: {  	(tag) =	ssettag $0x2  }
0x5d: {  	s0 =	rddreg [dreg:$0x0];
	s2 =	stileid.u32  }
0x5e: {  	s1 =	rddreg [dreg:$0x1];
	p0 =	sne.s32 s2, $0x0  }
0x5f: {  	s3 =	rddreg [dreg:$0x2];
	[bflag:$0x3] =	sbarrier.arrive $0xFFFF;
	s2 =	simm.s32 @!p0 $0x1C01  }
0x60: {  	[timem:s3], [sflag:s2] =	dma.local @!p0 [hbm:s0], s1  }
0x61: {  	s0 =	simm.s32 @!p0 $0x1  }
0x62: {  	_ =	swait.ge @!p0 [sflag:s0], s1  }
0x63: {  	s1 =	ssub.s32 @!p0 $0x0, s1;
	[sflag:s0] =	ssyncset.done @!p0 $0x0  }
0x64: {  	[sflag:s0] =	ssyncadd.s32 @!p0 s1  }
0x65: {  	[bflag:$0x3] =	sbarrier.arrive $0xFFFF  }
0x66: {  	_ =	shalt  }

</sc_bundles>
